<compile_context>
chip_gen: v7x
topology: tpu7x:2x2x1
jax: 0.10.2.dev20260603
libtpu: 0.0.44.dev20260713+nightly
codegen_flags: <defaults>
</compile_context>

<pallas_src>
import functools

import jax
import jax.numpy as jnp
from jax import lax
from jax.experimental import pallas as pl
from jax.experimental.pallas import tpu as pltpu
from jax.experimental.pallas import tpu_sc as plsc

NC = 2
NS = 16
NW = NC * NS
B = 768
SUB = B // 128
TW = 16
AW = 8
GRID = 32


def _prologue_body(x_ref, w_ref, b_ref, t_ref):
    t = jnp.dot(x_ref[...], w_ref[...], preferred_element_type=jnp.float32)
    t_ref[...] = t + b_ref[...]


def _epilogue_body(t_ref, acc_ref, o_ref):
    t = t_ref[...]
    a = acc_ref[...]
    den = 1.0 + a[0, :, 0:2] + a[1, :, 0:2] + 1e-16
    num = t[:, 2:4] + t[:, 4:6] + a[0, :, 2:4] + a[1, :, 2:4]
    o_ref[...] = num / den


def _sc_edge_body(npad, epad, ndum,
                  t_hbm, s_hbm, d_hbm, z_hbm, acc_out,
                  sbuf0, dbuf0, dibuf0, gs0, gd0, sv0,
                  sbuf1, dbuf1, dibuf1, gs1, gd1, sv1,
                  acc, sem_g0, sem_g1, sem_i, sem_v):
    cid = lax.axis_index("c")
    sid = lax.axis_index("s")
    wid = cid * NS + sid
    rows_per = npad // NS
    r0 = sid * rows_per

    pltpu.sync_copy(z_hbm.at[pl.ds(r0, rows_per)], acc.at[pl.ds(r0, rows_per)])
    pltpu.sync_copy(z_hbm.at[pl.ds(0, B)], sv0)
    pltpu.sync_copy(z_hbm.at[pl.ds(0, B)], sv1)
    plsc.subcore_barrier()

    ew = epad // NW
    nchunks = ew // B
    ir0 = wid * (ew // 128)
    lane = lax.iota(jnp.int32, 16)
    cols = [jnp.full((16,), k, jnp.int32) for k in range(6)]
    buf0 = (sbuf0, dbuf0, dibuf0, gs0, gd0, sv0, sem_g0)
    buf1 = (sbuf1, dbuf1, dibuf1, gs1, gd1, sv1, sem_g1)

    def di_loop(sbuf, dbuf, dibuf):
        def grp_di(j, c2):
            svec = sbuf[j >> 3, pl.ds((j & 7) * 16, 16)]
            dvec = dbuf[j >> 3, pl.ds((j & 7) * 16, 16)]
            di = jnp.where(svec == dvec, ndum, dvec)
            dibuf[j >> 3, pl.ds((j & 7) * 16, 16)] = di
            return c2
        lax.fori_loop(0, B // 16, grp_di, 0)

    def issue_gathers(sbuf, dbuf, gs, gd, sem):
        for j in range(SUB):
            sl = pl.ds(j * 128, 128)
            pltpu.async_copy(t_hbm.at[sbuf.at[j]], gs.at[sl], sem)
            pltpu.async_copy(t_hbm.at[dbuf.at[j]], gd.at[sl], sem)

    def wait_gathers(sbuf, dbuf, gs, gd, sem):
        for j in range(SUB):
            sl = pl.ds(j * 128, 128)
            pltpu.make_async_copy(t_hbm.at[sbuf.at[j]], gs.at[sl], sem).wait()
            pltpu.make_async_copy(t_hbm.at[dbuf.at[j]], gd.at[sl], sem).wait()

    def drain_scatters(sv, dibuf):
        for j in range(SUB):
            sl = pl.ds(j * 128, 128)
            pltpu.make_async_copy(sv.at[sl], acc.at[dibuf.at[j]], sem_v).wait()

    pltpu.sync_copy(s_hbm.at[pl.ds(ir0, SUB)], sbuf0)
    pltpu.sync_copy(d_hbm.at[pl.ds(ir0, SUB)], dbuf0)
    di_loop(sbuf0, dbuf0, dibuf0)
    issue_gathers(sbuf0, dbuf0, gs0, gd0, sem_g0)
    pltpu.async_copy(s_hbm.at[pl.ds(ir0 + SUB, SUB)], sbuf1, sem_i)
    pltpu.async_copy(d_hbm.at[pl.ds(ir0 + SUB, SUB)], dbuf1, sem_i)

    def step(i, cur, nxt):
        sbuf, dbuf, dibuf, gs, gd, sv, sem_g = cur
        nsbuf, ndbuf, ndibuf, ngs, ngd, nsv, nsem_g = nxt

        @pl.when(i > 0)
        def _():
            drain_scatters(nsv, ndibuf)

        @pl.when(i + 1 < nchunks)
        def _():
            pltpu.make_async_copy(
                s_hbm.at[pl.ds(ir0, SUB)], nsbuf, sem_i).wait()
            pltpu.make_async_copy(
                d_hbm.at[pl.ds(ir0, SUB)], ndbuf, sem_i).wait()
            di_loop(nsbuf, ndbuf, ndibuf)
            issue_gathers(nsbuf, ndbuf, ngs, ngd, nsem_g)

        wait_gathers(sbuf, dbuf, gs, gd, sem_g)

        @pl.when(i + 2 < nchunks)
        def _():
            nxt_ir = ir0 + (i + 2) * SUB
            pltpu.async_copy(s_hbm.at[pl.ds(nxt_ir, SUB)], sbuf, sem_i)
            pltpu.async_copy(d_hbm.at[pl.ds(nxt_ir, SUB)], dbuf, sem_i)

        def grp(j, c2):
            rows = j * 16 + lane
            us0 = plsc.load_gather(gs, [rows, cols[0]])
            us1 = plsc.load_gather(gs, [rows, cols[1]])
            vs0 = plsc.load_gather(gs, [rows, cols[2]])
            vs1 = plsc.load_gather(gs, [rows, cols[3]])
            ud0 = plsc.load_gather(gd, [rows, cols[0]])
            ud1 = plsc.load_gather(gd, [rows, cols[1]])
            qd0 = plsc.load_gather(gd, [rows, cols[4]])
            qd1 = plsc.load_gather(gd, [rows, cols[5]])
            ex0 = jnp.exp(ud0 - us0)
            ex1 = jnp.exp(ud1 - us1)
            va0 = vs0 + qd0
            va1 = vs1 + qd1
            plsc.store_scatter(sv, [rows, cols[0]], ex0)
            plsc.store_scatter(sv, [rows, cols[1]], ex1)
            plsc.store_scatter(sv, [rows, cols[2]], ex0 * va0)
            plsc.store_scatter(sv, [rows, cols[3]], ex1 * va1)
            return c2

        lax.fori_loop(0, B // 16, grp, 0)

        for j in range(SUB):
            sl = pl.ds(j * 128, 128)
            pltpu.async_copy(sv.at[sl], acc.at[dibuf.at[j]], sem_v, add=True)

    def pair(i2, carry):
        step(2 * i2, buf0, buf1)
        step(2 * i2 + 1, buf1, buf0)
        return carry

    lax.fori_loop(0, nchunks // 2, pair, 0)

    drain_scatters(sv1, dibuf1)
    plsc.subcore_barrier()
    pltpu.sync_copy(acc.at[pl.ds(r0, rows_per)],
                    acc_out.at[cid, pl.ds(r0, rows_per)])


def kernel(x_pfc, edge_index, W_lin, W_src, W_dst, W_pos, b_pos):
    n, d_in = x_pfc.shape
    e = edge_index.shape[1]
    d_pos = W_pos.shape[0]

    npad = ((n + 1 + NS * 8 - 1) // (NS * 8)) * (NS * 8)
    ch = NW * B * 2
    epad = ((e + ch - 1) // ch) * ch
    ndum = n

    wq = jnp.zeros((d_in, 2), jnp.float32).at[:d_pos, :].set(W_pos)
    wu = W_src + wq
    wv = W_lin - wq
    w16 = jnp.concatenate(
        [wu, wv, wq, jnp.zeros((d_in, TW - 6), jnp.float32)], axis=1)
    b16 = jnp.concatenate([jnp.zeros((2,), jnp.float32), b_pos,
                           jnp.zeros((TW - 4,), jnp.float32)]).reshape(1, TW)
    x_pad = jnp.pad(x_pfc, ((0, npad - n), (0, 0)))
    srcs = edge_index[1]
    dsts = edge_index[0]
    if epad != e:
        pad = jnp.zeros((epad - e,), jnp.int32)
        srcs = jnp.concatenate([srcs, pad])
        dsts = jnp.concatenate([dsts, pad])
    srcs = srcs.reshape(epad // 128, 128)
    dsts = dsts.reshape(epad // 128, 128)
    zeros_acc = jnp.zeros((npad, AW), jnp.float32)

    bn = npad // GRID

    t16 = pl.pallas_call(
        _prologue_body,
        grid=(GRID,),
        in_specs=[
            pl.BlockSpec((bn, d_in), lambda i: (i, 0)),
            pl.BlockSpec((d_in, TW), lambda i: (0, 0)),
            pl.BlockSpec((1, TW), lambda i: (0, 0)),
        ],
        out_specs=pl.BlockSpec((bn, TW), lambda i: (i, 0)),
        out_shape=jax.ShapeDtypeStruct((npad, TW), jnp.float32),
    )(x_pad, w16, b16)

    mesh = plsc.VectorSubcoreMesh(core_axis_name="c", subcore_axis_name="s")
    sc_fn = pl.kernel(
        functools.partial(_sc_edge_body, npad, epad, ndum),
        out_type=jax.ShapeDtypeStruct((NC, npad, AW), jnp.float32),
        mesh=mesh,
        scratch_types=[
            pltpu.VMEM((SUB, 128), jnp.int32),
            pltpu.VMEM((SUB, 128), jnp.int32),
            pltpu.VMEM((SUB, 128), jnp.int32),
            pltpu.VMEM((B, TW), jnp.float32),
            pltpu.VMEM((B, TW), jnp.float32),
            pltpu.VMEM((B, AW), jnp.float32),
            pltpu.VMEM((SUB, 128), jnp.int32),
            pltpu.VMEM((SUB, 128), jnp.int32),
            pltpu.VMEM((SUB, 128), jnp.int32),
            pltpu.VMEM((B, TW), jnp.float32),
            pltpu.VMEM((B, TW), jnp.float32),
            pltpu.VMEM((B, AW), jnp.float32),
            pltpu.VMEM_SHARED((npad, AW), jnp.float32),
            pltpu.SemaphoreType.DMA,
            pltpu.SemaphoreType.DMA,
            pltpu.SemaphoreType.DMA,
            pltpu.SemaphoreType.DMA,
        ],
        compiler_params=pltpu.CompilerParams(
            use_tc_tiling_on_sc=False, needs_layout_passes=False),
    )
    acc = sc_fn(t16, srcs, dsts, zeros_acc)

    out = pl.pallas_call(
        _epilogue_body,
        grid=(GRID,),
        in_specs=[
            pl.BlockSpec((bn, TW), lambda i: (i, 0)),
            pl.BlockSpec((NC, bn, AW), lambda i: (0, i, 0)),
        ],
        out_specs=pl.BlockSpec((bn, 2), lambda i: (i, 0)),
        out_shape=jax.ShapeDtypeStruct((n, 2), jnp.float32),
    )(t16, acc)
    return out

# --- scband reference (transcript-rebuilt; emitter-appended) ---
"""Pipeline reference for scband-net-8546984919135 (READ-ONLY COPY).

The authoritative reference and input builder live on the scoring server;
editing this copy changes nothing except your own understanding.
"""

import jax, jax.numpy as jnp
import numpy as np

N = 100000
E = 3200000
D_IN = 15
D_POS = 4
D_OUT = 2

def setup_inputs(seed: int = 0) -> dict:
    key = jax.random.key(seed)
    ks = jax.random.split(key, 8)
    x_pfc = jax.random.normal(ks[0], (N, D_IN), dtype=jnp.float32)
    edge_index = jax.random.randint(ks[1], (2, E), 0, N, dtype=jnp.int32)
    s_in = 1.0 / np.sqrt(D_IN)
    s_pos = 1.0 / np.sqrt(D_POS)
    W_lin = jax.random.uniform(ks[2], (D_IN, D_OUT), minval=-s_in, maxval=s_in, dtype=jnp.float32)
    W_src = jax.random.uniform(ks[3], (D_IN, D_OUT), minval=-s_in, maxval=s_in, dtype=jnp.float32)
    W_dst = jax.random.uniform(ks[4], (D_IN, D_OUT), minval=-s_in, maxval=s_in, dtype=jnp.float32)
    W_pos = jax.random.uniform(ks[5], (D_POS, D_OUT), minval=-s_pos, maxval=s_pos, dtype=jnp.float32)
    b_pos = jax.random.uniform(ks[6], (D_OUT,), minval=-s_pos, maxval=s_pos, dtype=jnp.float32)
    return {"x_pfc": x_pfc, "edge_index": edge_index, "W_lin": W_lin, "W_src": W_src, "W_dst": W_dst, "W_pos": W_pos, "b_pos": b_pos}


def reference(x_pfc, edge_index, W_lin, W_src, W_dst, W_pos, b_pos):
    n = x_pfc.shape[0]
    pos = x_pfc[:, :D_POS]
    # Net.forward passes edge_index.flip(0) to PointTransformerConv
    ei = jnp.flip(edge_index, axis=0)
    src, dst = ei[0], ei[1]
    # PointTransformerConv(add_self_loops=True): remove self loops then add them
    mask = src != dst
    dst = jnp.where(mask, dst, jnp.asarray(n, dtype=dst.dtype))
    loops = jnp.arange(n, dtype=src.dtype)
    src = jnp.concatenate([src, loops])
    dst = jnp.concatenate([dst, loops])
    # lin / lin_src / lin_dst (bias=False in PyG), pos_nn = Linear(4, 2) with bias
    x_val = x_pfc @ W_lin
    a_src = x_pfc @ W_src
    a_dst = x_pfc @ W_dst
    delta = (pos[dst] - pos[src]) @ W_pos + b_pos
    alpha = a_dst[dst] - a_src[src] + delta
    # segment softmax over destination nodes (PyG softmax detaches the max)
    amax = jax.ops.segment_max(alpha, dst, num_segments=n)
    amax = jnp.where(jnp.isfinite(amax), amax, 0.0)
    amax = jax.lax.stop_gradient(amax)
    ex = jnp.exp(alpha - amax[dst])
    denom = jax.ops.segment_sum(ex, dst, num_segments=n)
    attn = ex / (denom[dst] + 1e-16)
    msg = attn * (x_val[src] + delta)
    out = jax.ops.segment_sum(msg, dst, num_segments=n)
    return out

if __name__ == "__main__":
    import jax
    _d = setup_inputs()
    print(jax.jit(kernel)(*tuple(_d.values())))

</pallas_src>

<mosaic_0001>
#map = affine_map<(d0, d1) -> (0, 0)>
#map1 = affine_map<(d0, d1) -> (0, 0, 0)>
module attributes {stable_mosaic.version = 14 : i64} {
  func.func @_sc_edge_body(%arg0: i32, %arg1: i32, %arg2: memref<100096x16xf32, #tpu.memory_space<hbm>>, %arg3: memref<25344x128xi32, #tpu.memory_space<hbm>>, %arg4: memref<25344x128xi32, #tpu.memory_space<hbm>>, %arg5: memref<100096x8xf32, #tpu.memory_space<hbm>>, %arg6: memref<2x100096x8xf32, #tpu.memory_space<hbm>>, %arg7: memref<6x128xi32, #tpu.memory_space<vmem>>, %arg8: memref<6x128xi32, #tpu.memory_space<vmem>>, %arg9: memref<6x128xi32, #tpu.memory_space<vmem>>, %arg10: memref<768x16xf32, #tpu.memory_space<vmem>>, %arg11: memref<768x16xf32, #tpu.memory_space<vmem>>, %arg12: memref<768x8xf32, #tpu.memory_space<vmem>>, %arg13: memref<6x128xi32, #tpu.memory_space<vmem>>, %arg14: memref<6x128xi32, #tpu.memory_space<vmem>>, %arg15: memref<6x128xi32, #tpu.memory_space<vmem>>, %arg16: memref<768x16xf32, #tpu.memory_space<vmem>>, %arg17: memref<768x16xf32, #tpu.memory_space<vmem>>, %arg18: memref<768x8xf32, #tpu.memory_space<vmem>>, %arg19: memref<100096x8xf32, #tpu.memory_space<vmem_shared>>, %arg20: memref<!tpu.dma_semaphore, #tpu.memory_space<semaphore_mem>>, %arg21: memref<!tpu.dma_semaphore, #tpu.memory_space<semaphore_mem>>, %arg22: memref<!tpu.dma_semaphore, #tpu.memory_space<semaphore_mem>>, %arg23: memref<!tpu.dma_semaphore, #tpu.memory_space<semaphore_mem>>) attributes {dimension_semantics = [#tpu.dimension_semantics<core_parallel>, #tpu.dimension_semantics<subcore_parallel>], iteration_bounds = array<i64: 2, 16>, scalar_prefetch = 0 : i64, scratch_operands = 17 : i64, tpu.core_type = #tpu.core_type<sc_vector_subcore>, window_params = [{transform_indices = #map}, {transform_indices = #map}, {transform_indices = #map}, {transform_indices = #map}, {transform_indices = #map1}]} {
    %mul3A = arith.constant 16 : i32
    %mul3A_0 = arith.muli %arg0, %mul3A : i32
    %add3A = arith.addi %mul3A_0, %arg1 : i32
    %mul3A_1 = arith.constant 6256 : i32
    %mul3A_2 = arith.muli %arg1, %mul3A_1 : i32
    "tpu.region"() ({
      %run_scoped3A = tpu.sem_alloc : memref<!tpu.dma_semaphore, #tpu.memory_space<semaphore_mem>>
      %dma_start3A_218 = arith.constant 0 : i32
      %dma_start3A_219 = tpu.memref_slice %arg19[%mul3A_2, %dma_start3A_218] : memref<100096x8xf32, #tpu.memory_space<vmem_shared>> -> memref<6256x8xf32, #tpu.memory_space<vmem_shared>>
      %dma_start3A_220 = arith.constant 0 : i32
      %dma_start3A_221 = tpu.memref_slice %arg5[%mul3A_2, %dma_start3A_220] : memref<100096x8xf32, #tpu.memory_space<hbm>> -> memref<6256x8xf32, #tpu.memory_space<hbm>>
      tpu.enqueue_dma source(%dma_start3A_221 : memref<6256x8xf32, #tpu.memory_space<hbm>>) target(%dma_start3A_219 : memref<6256x8xf32, #tpu.memory_space<vmem_shared>>) target_semaphore(%run_scoped3A : memref<!tpu.dma_semaphore, #tpu.memory_space<semaphore_mem>>)
      %dma_wait3A_222 = arith.constant 0 : i32
      %dma_wait3A_223 = tpu.memref_slice %arg19[%mul3A_2, %dma_wait3A_222] : memref<100096x8xf32, #tpu.memory_space<vmem_shared>> -> memref<6256x8xf32, #tpu.memory_space<vmem_shared>>
      %dma_wait3A_224 = arith.constant 0 : i32
      %dma_wait3A_225 = tpu.memref_slice %arg5[%mul3A_2, %dma_wait3A_224] : memref<100096x8xf32, #tpu.memory_space<hbm>> -> memref<6256x8xf32, #tpu.memory_space<hbm>>
      tpu.wait_dma2 semaphore(%run_scoped3A : memref<!tpu.dma_semaphore, #tpu.memory_space<semaphore_mem>>) src(%dma_wait3A_225 : memref<6256x8xf32, #tpu.memory_space<hbm>>) dst(%dma_wait3A_223 : memref<6256x8xf32, #tpu.memory_space<vmem_shared>>)
      tpu.yield
    }) : () -> ()
    "tpu.region"() ({
      %run_scoped3A = tpu.sem_alloc : memref<!tpu.dma_semaphore, #tpu.memory_space<semaphore_mem>>
      %dma_start3A_218 = arith.constant 0 : i32
      %dma_start3A_219 = arith.constant 0 : i32
      %dma_start3A_220 = tpu.memref_slice %arg5[%dma_start3A_218, %dma_start3A_219] : memref<100096x8xf32, #tpu.memory_space<hbm>> -> memref<768x8xf32, #tpu.memory_space<hbm>>
      %dma_start3A_221 = arith.constant 0 : i32
      %dma_start3A_222 = arith.constant 0 : i32
      %dma_start3A_223 = tpu.memref_slice %arg5[%dma_start3A_221, %dma_start3A_222] : memref<100096x8xf32, #tpu.memory_space<hbm>> -> memref<768x8xf32, #tpu.memory_space<hbm>>
      tpu.enqueue_dma source(%dma_start3A_223 : memref<768x8xf32, #tpu.memory_space<hbm>>) target(%arg12 : memref<768x8xf32, #tpu.memory_space<vmem>>) target_semaphore(%run_scoped3A : memref<!tpu.dma_semaphore, #tpu.memory_space<semaphore_mem>>)
      %dma_wait3A_224 = arith.constant 0 : i32
      %dma_wait3A_225 = arith.constant 0 : i32
      %dma_wait3A_226 = tpu.memref_slice %arg5[%dma_wait3A_224, %dma_wait3A_225] : memref<100096x8xf32, #tpu.memory_space<hbm>> -> memref<768x8xf32, #tpu.memory_space<hbm>>
      %dma_wait3A_227 = arith.constant 0 : i32
      %dma_wait3A_228 = arith.constant 0 : i32
      %dma_wait3A_229 = tpu.memref_slice %arg5[%dma_wait3A_227, %dma_wait3A_228] : memref<100096x8xf32, #tpu.memory_space<hbm>> -> memref<768x8xf32, #tpu.memory_space<hbm>>
      tpu.wait_dma2 semaphore(%run_scoped3A : memref<!tpu.dma_semaphore, #tpu.memory_space<semaphore_mem>>) src(%dma_wait3A_229 : memref<768x8xf32, #tpu.memory_space<hbm>>) dst(%arg12 : memref<768x8xf32, #tpu.memory_space<vmem>>)
      tpu.yield
    }) : () -> ()
    "tpu.region"() ({
      %run_scoped3A = tpu.sem_alloc : memref<!tpu.dma_semaphore, #tpu.memory_space<semaphore_mem>>
      %dma_start3A_218 = arith.constant 0 : i32
      %dma_start3A_219 = arith.constant 0 : i32
      %dma_start3A_220 = tpu.memref_slice %arg5[%dma_start3A_218, %dma_start3A_219] : memref<100096x8xf32, #tpu.memory_space<hbm>> -> memref<768x8xf32, #tpu.memory_space<hbm>>
      %dma_start3A_221 = arith.constant 0 : i32
      %dma_start3A_222 = arith.constant 0 : i32
      %dma_start3A_223 = tpu.memref_slice %arg5[%dma_start3A_221, %dma_start3A_222] : memref<100096x8xf32, #tpu.memory_space<hbm>> -> memref<768x8xf32, #tpu.memory_space<hbm>>
      tpu.enqueue_dma source(%dma_start3A_223 : memref<768x8xf32, #tpu.memory_space<hbm>>) target(%arg18 : memref<768x8xf32, #tpu.memory_space<vmem>>) target_semaphore(%run_scoped3A : memref<!tpu.dma_semaphore, #tpu.memory_space<semaphore_mem>>)
      %dma_wait3A_224 = arith.constant 0 : i32
      %dma_wait3A_225 = arith.constant 0 : i32
      %dma_wait3A_226 = tpu.memref_slice %arg5[%dma_wait3A_224, %dma_wait3A_225] : memref<100096x8xf32, #tpu.memory_space<hbm>> -> memref<768x8xf32, #tpu.memory_space<hbm>>
      %dma_wait3A_227 = arith.constant 0 : i32
      %dma_wait3A_228 = arith.constant 0 : i32
      %dma_wait3A_229 = tpu.memref_slice %arg5[%dma_wait3A_227, %dma_wait3A_228] : memref<100096x8xf32, #tpu.memory_space<hbm>> -> memref<768x8xf32, #tpu.memory_space<hbm>>
      tpu.wait_dma2 semaphore(%run_scoped3A : memref<!tpu.dma_semaphore, #tpu.memory_space<semaphore_mem>>) src(%dma_wait3A_229 : memref<768x8xf32, #tpu.memory_space<hbm>>) dst(%arg18 : memref<768x8xf32, #tpu.memory_space<vmem>>)
      tpu.yield
    }) : () -> ()
    %barrier3A = arith.constant 0 : index
    tpu.barrier barrier_id(%barrier3A)
    %mul3A_3 = arith.constant 792 : i32
    %mul3A_4 = arith.muli %add3A, %mul3A_3 : i32
    %iota3A = tpu.iota {dimensions = array<i32: 0>} : vector<16xi32>
    %broadcast_in_dim3A = arith.constant 0 : i32
    %broadcast_in_dim3A_5 = vector.broadcast %broadcast_in_dim3A : i32 to vector<16xi32>
    %broadcast_in_dim3A_6 = arith.constant 1 : i32
    %broadcast_in_dim3A_7 = vector.broadcast %broadcast_in_dim3A_6 : i32 to vector<16xi32>
    %broadcast_in_dim3A_8 = arith.constant 2 : i32
    %broadcast_in_dim3A_9 = vector.broadcast %broadcast_in_dim3A_8 : i32 to vector<16xi32>
    %broadcast_in_dim3A_10 = arith.constant 3 : i32
    %broadcast_in_dim3A_11 = vector.broadcast %broadcast_in_dim3A_10 : i32 to vector<16xi32>
    %broadcast_in_dim3A_12 = arith.constant 4 : i32
    %broadcast_in_dim3A_13 = vector.broadcast %broadcast_in_dim3A_12 : i32 to vector<16xi32>
    %broadcast_in_dim3A_14 = arith.constant 5 : i32
    %broadcast_in_dim3A_15 = vector.broadcast %broadcast_in_dim3A_14 : i32 to vector<16xi32>
    "tpu.region"() ({
      %run_scoped3A = tpu.sem_alloc : memref<!tpu.dma_semaphore, #tpu.memory_space<semaphore_mem>>
      %dma_start3A_218 = arith.constant 0 : i32
      %dma_start3A_219 = tpu.memref_slice %arg3[%mul3A_4, %dma_start3A_218] : memref<25344x128xi32, #tpu.memory_space<hbm>> -> memref<6x128xi32, #tpu.memory_space<hbm>>
      %dma_start3A_220 = arith.constant 0 : i32
      %dma_start3A_221 = tpu.memref_slice %arg3[%mul3A_4, %dma_start3A_220] : memref<25344x128xi32, #tpu.memory_space<hbm>> -> memref<6x128xi32, #tpu.memory_space<hbm>>
      tpu.enqueue_dma source(%dma_start3A_221 : memref<6x128xi32, #tpu.memory_space<hbm>>) target(%arg7 : memref<6x128xi32, #tpu.memory_space<vmem>>) target_semaphore(%run_scoped3A : memref<!tpu.dma_semaphore, #tpu.memory_space<semaphore_mem>>)
      %dma_wait3A_222 = arith.constant 0 : i32
      %dma_wait3A_223 = tpu.memref_slice %arg3[%mul3A_4, %dma_wait3A_222] : memref<25344x128xi32, #tpu.memory_space<hbm>> -> memref<6x128xi32, #tpu.memory_space<hbm>>
      %dma_wait3A_224 = arith.constant 0 : i32
      %dma_wait3A_225 = tpu.memref_slice %arg3[%mul3A_4, %dma_wait3A_224] : memref<25344x128xi32, #tpu.memory_space<hbm>> -> memref<6x128xi32, #tpu.memory_space<hbm>>
      tpu.wait_dma2 semaphore(%run_scoped3A : memref<!tpu.dma_semaphore, #tpu.memory_space<semaphore_mem>>) src(%dma_wait3A_225 : memref<6x128xi32, #tpu.memory_space<hbm>>) dst(%arg7 : memref<6x128xi32, #tpu.memory_space<vmem>>)
      tpu.yield
    }) : () -> ()
    "tpu.region"() ({
      %run_scoped3A = tpu.sem_alloc : memref<!tpu.dma_semaphore, #tpu.memory_space<semaphore_mem>>
      %dma_start3A_218 = arith.constant 0 : i32
      %dma_start3A_219 = tpu.memref_slice %arg4[%mul3A_4, %dma_start3A_218] : memref<25344x128xi32, #tpu.memory_space<hbm>> -> memref<6x128xi32, #tpu.memory_space<hbm>>
      %dma_start3A_220 = arith.constant 0 : i32
      %dma_start3A_221 = tpu.memref_slice %arg4[%mul3A_4, %dma_start3A_220] : memref<25344x128xi32, #tpu.memory_space<hbm>> -> memref<6x128xi32, #tpu.memory_space<hbm>>
      tpu.enqueue_dma source(%dma_start3A_221 : memref<6x128xi32, #tpu.memory_space<hbm>>) target(%arg8 : memref<6x128xi32, #tpu.memory_space<vmem>>) target_semaphore(%run_scoped3A : memref<!tpu.dma_semaphore, #tpu.memory_space<semaphore_mem>>)
      %dma_wait3A_222 = arith.constant 0 : i32
      %dma_wait3A_223 = tpu.memref_slice %arg4[%mul3A_4, %dma_wait3A_222] : memref<25344x128xi32, #tpu.memory_space<hbm>> -> memref<6x128xi32, #tpu.memory_space<hbm>>
      %dma_wait3A_224 = arith.constant 0 : i32
      %dma_wait3A_225 = tpu.memref_slice %arg4[%mul3A_4, %dma_wait3A_224] : memref<25344x128xi32, #tpu.memory_space<hbm>> -> memref<6x128xi32, #tpu.memory_space<hbm>>
      tpu.wait_dma2 semaphore(%run_scoped3A : memref<!tpu.dma_semaphore, #tpu.memory_space<semaphore_mem>>) src(%dma_wait3A_225 : memref<6x128xi32, #tpu.memory_space<hbm>>) dst(%arg8 : memref<6x128xi32, #tpu.memory_space<vmem>>)
      tpu.yield
    }) : () -> ()
    %scan3A = arith.constant 0 : i32
    %scan3A_16 = arith.constant 0 : i32
    %scan3A_17 = arith.constant 48 : i32
    %scan3A_18 = arith.addi %scan3A_16, %scan3A_17 : i32
    %scan3A_19 = arith.constant 1 : i32
    scf.for %scan3A_218 = %scan3A_16 to %scan3A_18 step %scan3A_19  : i32 {
      %shift_right_arithmetic3A = arith.constant 3 : i32
      %shift_right_arithmetic3A_219 = arith.shrsi %scan3A_218, %shift_right_arithmetic3A : i32
      %and3A = arith.constant 7 : i32
      %and3A_220 = arith.andi %scan3A_218, %and3A : i32
      %mul3A_221 = arith.constant 16 : i32
      %mul3A_222 = arith.muli %and3A_220, %mul3A_221 : i32
      %get3A = arith.index_cast %shift_right_arithmetic3A_219 : i32 to index
      %get3A_223 = arith.index_cast %mul3A_222 : i32 to index
      %get3A_224 = tpu.vector_load %arg7[%get3A, %get3A_223] {strides = array<i32>} : memref<6x128xi32, #tpu.memory_space<vmem>>, vector<16xi32>,
      %shift_right_arithmetic3A_225 = arith.constant 3 : i32
      %shift_right_arithmetic3A_226 = arith.shrsi %scan3A_218, %shift_right_arithmetic3A_225 : i32
      %and3A_227 = arith.constant 7 : i32
      %and3A_228 = arith.andi %scan3A_218, %and3A_227 : i32
      %mul3A_229 = arith.constant 16 : i32
      %mul3A_230 = arith.muli %and3A_228, %mul3A_229 : i32
      %get3A_231 = arith.index_cast %shift_right_arithmetic3A_226 : i32 to index
      %get3A_232 = arith.index_cast %mul3A_230 : i32 to index
      %get3A_233 = tpu.vector_load %arg8[%get3A_231, %get3A_232] {strides = array<i32>} : memref<6x128xi32, #tpu.memory_space<vmem>>, vector<16xi32>,
      %eq3A = arith.cmpi eq, %get3A_224, %get3A_233 : vector<16xi32>
      %jit3A = arith.constant 100000 : i32
      %broadcast_in_dim3A_234 = vector.broadcast %jit3A : i32 to vector<16xi32>
      %select_n3A = arith.select %eq3A, %broadcast_in_dim3A_234, %get3A_233 : vector<16xi1>, vector<16xi32>
      %shift_right_arithmetic3A_235 = arith.constant 3 : i32
      %shift_right_arithmetic3A_236 = arith.shrsi %scan3A_218, %shift_right_arithmetic3A_235 : i32
      %and3A_237 = arith.constant 7 : i32
      %and3A_238 = arith.andi %scan3A_218, %and3A_237 : i32
      %mul3A_239 = arith.constant 16 : i32
      %mul3A_240 = arith.muli %and3A_238, %mul3A_239 : i32
      %swap3A = arith.index_cast %shift_right_arithmetic3A_236 : i32 to index
      %swap3A_241 = arith.index_cast %mul3A_240 : i32 to index
      %swap3A_242 = tpu.vector_load %arg9[%swap3A, %swap3A_241] {strides = array<i32>} : memref<6x128xi32, #tpu.memory_space<vmem>>, vector<16xi32>,
      tpu.vector_store %arg9[%swap3A, %swap3A_241], %select_n3A {strides = array<i32>} : memref<6x128xi32, #tpu.memory_space<vmem>>, vector<16xi32>,
    }
    %scan3A_20 = arith.constant 48 : i32
    %dma_start3A = arith.constant 0 : i32
    %dma_start3A_21 = arith.constant 0 : i32
    %dma_start3A_22 = arith.constant 0 : i32
    %dma_start3A_23 = tpu.memref_slice %arg10[%dma_start3A_21, %dma_start3A_22] : memref<768x16xf32, #tpu.memory_space<vmem>> -> memref<128x16xf32, #tpu.memory_space<vmem>>
    %dma_start3A_24 = arith.constant 0 : i32
    %dma_start3A_25 = tpu.memref_slice %arg7[%dma_start3A, %dma_start3A_24] : memref<6x128xi32, #tpu.memory_space<vmem>> -> memref<1x128xi32, #tpu.memory_space<vmem>>
    %dma_start3A_26 = tpu.memref_squeeze %dma_start3A_25 : memref<1x128xi32, #tpu.memory_space<vmem>> -> memref<128xi32, #tpu.memory_space<vmem>>
    %dma_start3A_27 = arith.constant 0 : i32
    %dma_start3A_28 = arith.constant 0 : i32
    %dma_start3A_29 = tpu.memref_slice %arg2[%dma_start3A_27, %dma_start3A_28] : memref<100096x16xf32, #tpu.memory_space<hbm>> -> memref<100096x16xf32, #tpu.memory_space<hbm>>
    tpu.enqueue_indirect_dma source(%dma_start3A_29 : memref<100096x16xf32, #tpu.memory_space<hbm>>) target(%dma_start3A_23 : memref<128x16xf32, #tpu.memory_space<vmem>>) offsets(%dma_start3A_26 : memref<128xi32, #tpu.memory_space<vmem>>) semaphore(%arg20 : memref<!tpu.dma_semaphore, #tpu.memory_space<semaphore_mem>>)
    %dma_start3A_30 = arith.constant 0 : i32
    %dma_start3A_31 = arith.constant 0 : i32
    %dma_start3A_32 = arith.constant 0 : i32
    %dma_start3A_33 = tpu.memref_slice %arg11[%dma_start3A_31, %dma_start3A_32] : memref<768x16xf32, #tpu.memory_space<vmem>> -> memref<128x16xf32, #tpu.memory_space<vmem>>
    %dma_start3A_34 = arith.constant 0 : i32
    %dma_start3A_35 = tpu.memref_slice %arg8[%dma_start3A_30, %dma_start3A_34] : memref<6x128xi32, #tpu.memory_space<vmem>> -> memref<1x128xi32, #tpu.memory_space<vmem>>
    %dma_start3A_36 = tpu.memref_squeeze %dma_start3A_35 : memref<1x128xi32, #tpu.memory_space<vmem>> -> memref<128xi32, #tpu.memory_space<vmem>>
    %dma_start3A_37 = arith.constant 0 : i32
    %dma_start3A_38 = arith.constant 0 : i32
    %dma_start3A_39 = tpu.memref_slice %arg2[%dma_start3A_37, %dma_start3A_38] : memref<100096x16xf32, #tpu.memory_space<hbm>> -> memref<100096x16xf32, #tpu.memory_space<hbm>>
    tpu.enqueue_indirect_dma source(%dma_start3A_39 : memref<100096x16xf32, #tpu.memory_space<hbm>>) target(%dma_start3A_33 : memref<128x16xf32, #tpu.memory_space<vmem>>) offsets(%dma_start3A_36 : memref<128xi32, #tpu.memory_space<vmem>>) semaphore(%arg20 : memref<!tpu.dma_semaphore, #tpu.memory_space<semaphore_mem>>)
    %dma_start3A_40 = arith.constant 1 : i32
    %dma_start3A_41 = arith.constant 128 : i32
    %dma_start3A_42 = arith.constant 0 : i32
    %dma_start3A_43 = tpu.memref_slice %arg10[%dma_start3A_41, %dma_start3A_42] : memref<768x16xf32, #tpu.memory_space<vmem>> -> memref<128x16xf32, #tpu.memory_space<vmem>>
    %dma_start3A_44 = arith.constant 0 : i32
    %dma_start3A_45 = tpu.memref_slice %arg7[%dma_start3A_40, %dma_start3A_44] : memref<6x128xi32, #tpu.memory_space<vmem>> -> memref<1x128xi32, #tpu.memory_space<vmem>>
    %dma_start3A_46 = tpu.memref_squeeze %dma_start3A_45 : memref<1x128xi32, #tpu.memory_space<vmem>> -> memref<128xi32, #tpu.memory_space<vmem>>
    %dma_start3A_47 = arith.constant 0 : i32
    %dma_start3A_48 = arith.constant 0 : i32
    %dma_start3A_49 = tpu.memref_slice %arg2[%dma_start3A_47, %dma_start3A_48] : memref<100096x16xf32, #tpu.memory_space<hbm>> -> memref<100096x16xf32, #tpu.memory_space<hbm>>
    tpu.enqueue_indirect_dma source(%dma_start3A_49 : memref<100096x16xf32, #tpu.memory_space<hbm>>) target(%dma_start3A_43 : memref<128x16xf32, #tpu.memory_space<vmem>>) offsets(%dma_start3A_46 : memref<128xi32, #tpu.memory_space<vmem>>) semaphore(%arg20 : memref<!tpu.dma_semaphore, #tpu.memory_space<semaphore_mem>>)
    %dma_start3A_50 = arith.constant 1 : i32
    %dma_start3A_51 = arith.constant 128 : i32
    %dma_start3A_52 = arith.constant 0 : i32
    %dma_start3A_53 = tpu.memref_slice %arg11[%dma_start3A_51, %dma_start3A_52] : memref<768x16xf32, #tpu.memory_space<vmem>> -> memref<128x16xf32, #tpu.memory_space<vmem>>
    %dma_start3A_54 = arith.constant 0 : i32
    %dma_start3A_55 = tpu.memref_slice %arg8[%dma_start3A_50, %dma_start3A_54] : memref<6x128xi32, #tpu.memory_space<vmem>> -> memref<1x128xi32, #tpu.memory_space<vmem>>
    %dma_start3A_56 = tpu.memref_squeeze %dma_start3A_55 : memref<1x128xi32, #tpu.memory_space<vmem>> -> memref<128xi32, #tpu.memory_space<vmem>>
    %dma_start3A_57 = arith.constant 0 : i32
    %dma_start3A_58 = arith.constant 0 : i32
    %dma_start3A_59 = tpu.memref_slice %arg2[%dma_start3A_57, %dma_start3A_58] : memref<100096x16xf32, #tpu.memory_space<hbm>> -> memref<100096x16xf32, #tpu.memory_space<hbm>>
    tpu.enqueue_indirect_dma source(%dma_start3A_59 : memref<100096x16xf32, #tpu.memory_space<hbm>>) target(%dma_start3A_53 : memref<128x16xf32, #tpu.memory_space<vmem>>) offsets(%dma_start3A_56 : memref<128xi32, #tpu.memory_space<vmem>>) semaphore(%arg20 : memref<!tpu.dma_semaphore, #tpu.memory_space<semaphore_mem>>)
    %dma_start3A_60 = arith.constant 2 : i32
    %dma_start3A_61 = arith.constant 256 : i32
    %dma_start3A_62 = arith.constant 0 : i32
    %dma_start3A_63 = tpu.memref_slice %arg10[%dma_start3A_61, %dma_start3A_62] : memref<768x16xf32, #tpu.memory_space<vmem>> -> memref<128x16xf32, #tpu.memory_space<vmem>>
    %dma_start3A_64 = arith.constant 0 : i32
    %dma_start3A_65 = tpu.memref_slice %arg7[%dma_start3A_60, %dma_start3A_64] : memref<6x128xi32, #tpu.memory_space<vmem>> -> memref<1x128xi32, #tpu.memory_space<vmem>>
    %dma_start3A_66 = tpu.memref_squeeze %dma_start3A_65 : memref<1x128xi32, #tpu.memory_space<vmem>> -> memref<128xi32, #tpu.memory_space<vmem>>
    %dma_start3A_67 = arith.constant 0 : i32
    %dma_start3A_68 = arith.constant 0 : i32
    %dma_start3A_69 = tpu.memref_slice %arg2[%dma_start3A_67, %dma_start3A_68] : memref<100096x16xf32, #tpu.memory_space<hbm>> -> memref<100096x16xf32, #tpu.memory_space<hbm>>
    tpu.enqueue_indirect_dma source(%dma_start3A_69 : memref<100096x16xf32, #tpu.memory_space<hbm>>) target(%dma_start3A_63 : memref<128x16xf32, #tpu.memory_space<vmem>>) offsets(%dma_start3A_66 : memref<128xi32, #tpu.memory_space<vmem>>) semaphore(%arg20 : memref<!tpu.dma_semaphore, #tpu.memory_space<semaphore_mem>>)
    %dma_start3A_70 = arith.constant 2 : i32
    %dma_start3A_71 = arith.constant 256 : i32
    %dma_start3A_72 = arith.constant 0 : i32
    %dma_start3A_73 = tpu.memref_slice %arg11[%dma_start3A_71, %dma_start3A_72] : memref<768x16xf32, #tpu.memory_space<vmem>> -> memref<128x16xf32, #tpu.memory_space<vmem>>
    %dma_start3A_74 = arith.constant 0 : i32
    %dma_start3A_75 = tpu.memref_slice %arg8[%dma_start3A_70, %dma_start3A_74] : memref<6x128xi32, #tpu.memory_space<vmem>> -> memref<1x128xi32, #tpu.memory_space<vmem>>
    %dma_start3A_76 = tpu.memref_squeeze %dma_start3A_75 : memref<1x128xi32, #tpu.memory_space<vmem>> -> memref<128xi32, #tpu.memory_space<vmem>>
    %dma_start3A_77 = arith.constant 0 : i32
    %dma_start3A_78 = arith.constant 0 : i32
    %dma_start3A_79 = tpu.memref_slice %arg2[%dma_start3A_77, %dma_start3A_78] : memref<100096x16xf32, #tpu.memory_space<hbm>> -> memref<100096x16xf32, #tpu.memory_space<hbm>>
    tpu.enqueue_indirect_dma source(%dma_start3A_79 : memref<100096x16xf32, #tpu.memory_space<hbm>>) target(%dma_start3A_73 : memref<128x16xf32, #tpu.memory_space<vmem>>) offsets(%dma_start3A_76 : memref<128xi32, #tpu.memory_space<vmem>>) semaphore(%arg20 : memref<!tpu.dma_semaphore, #tpu.memory_space<semaphore_mem>>)
    %dma_start3A_80 = arith.constant 3 : i32
    %dma_start3A_81 = arith.constant 384 : i32
    %dma_start3A_82 = arith.constant 0 : i32
    %dma_start3A_83 = tpu.memref_slice %arg10[%dma_start3A_81, %dma_start3A_82] : memref<768x16xf32, #tpu.memory_space<vmem>> -> memref<128x16xf32, #tpu.memory_space<vmem>>
    %dma_start3A_84 = arith.constant 0 : i32
    %dma_start3A_85 = tpu.memref_slice %arg7[%dma_start3A_80, %dma_start3A_84] : memref<6x128xi32, #tpu.memory_space<vmem>> -> memref<1x128xi32, #tpu.memory_space<vmem>>
    %dma_start3A_86 = tpu.memref_squeeze %dma_start3A_85 : memref<1x128xi32, #tpu.memory_space<vmem>> -> memref<128xi32, #tpu.memory_space<vmem>>
    %dma_start3A_87 = arith.constant 0 : i32
    %dma_start3A_88 = arith.constant 0 : i32
    %dma_start3A_89 = tpu.memref_slice %arg2[%dma_start3A_87, %dma_start3A_88] : memref<100096x16xf32, #tpu.memory_space<hbm>> -> memref<100096x16xf32, #tpu.memory_space<hbm>>
    tpu.enqueue_indirect_dma source(%dma_start3A_89 : memref<100096x16xf32, #tpu.memory_space<hbm>>) target(%dma_start3A_83 : memref<128x16xf32, #tpu.memory_space<vmem>>) offsets(%dma_start3A_86 : memref<128xi32, #tpu.memory_space<vmem>>) semaphore(%arg20 : memref<!tpu.dma_semaphore, #tpu.memory_space<semaphore_mem>>)
    %dma_start3A_90 = arith.constant 3 : i32
    %dma_start3A_91 = arith.constant 384 : i32
    %dma_start3A_92 = arith.constant 0 : i32
    %dma_start3A_93 = tpu.memref_slice %arg11[%dma_start3A_91, %dma_start3A_92] : memref<768x16xf32, #tpu.memory_space<vmem>> -> memref<128x16xf32, #tpu.memory_space<vmem>>
    %dma_start3A_94 = arith.constant 0 : i32
    %dma_start3A_95 = tpu.memref_slice %arg8[%dma_start3A_90, %dma_start3A_94] : memref<6x128xi32, #tpu.memory_space<vmem>> -> memref<1x128xi32, #tpu.memory_space<vmem>>
    %dma_start3A_96 = tpu.memref_squeeze %dma_start3A_95 : memref<1x128xi32, #tpu.memory_space<vmem>> -> memref<128xi32, #tpu.memory_space<vmem>>
    %dma_start3A_97 = arith.constant 0 : i32
    %dma_start3A_98 = arith.constant 0 : i32
    %dma_start3A_99 = tpu.memref_slice %arg2[%dma_start3A_97, %dma_start3A_98] : memref<100096x16xf32, #tpu.memory_space<hbm>> -> memref<100096x16xf32, #tpu.memory_space<hbm>>
    tpu.enqueue_indirect_dma source(%dma_start3A_99 : memref<100096x16xf32, #tpu.memory_space<hbm>>) target(%dma_start3A_93 : memref<128x16xf32, #tpu.memory_space<vmem>>) offsets(%dma_start3A_96 : memref<128xi32, #tpu.memory_space<vmem>>) semaphore(%arg20 : memref<!tpu.dma_semaphore, #tpu.memory_space<semaphore_mem>>)
    %dma_start3A_100 = arith.constant 4 : i32
    %dma_start3A_101 = arith.constant 512 : i32
    %dma_start3A_102 = arith.constant 0 : i32
    %dma_start3A_103 = tpu.memref_slice %arg10[%dma_start3A_101, %dma_start3A_102] : memref<768x16xf32, #tpu.memory_space<vmem>> -> memref<128x16xf32, #tpu.memory_space<vmem>>
    %dma_start3A_104 = arith.constant 0 : i32
    %dma_start3A_105 = tpu.memref_slice %arg7[%dma_start3A_100, %dma_start3A_104] : memref<6x128xi32, #tpu.memory_space<vmem>> -> memref<1x128xi32, #tpu.memory_space<vmem>>
    %dma_start3A_106 = tpu.memref_squeeze %dma_start3A_105 : memref<1x128xi32, #tpu.memory_space<vmem>> -> memref<128xi32, #tpu.memory_space<vmem>>
    %dma_start3A_107 = arith.constant 0 : i32
    %dma_start3A_108 = arith.constant 0 : i32
    %dma_start3A_109 = tpu.memref_slice %arg2[%dma_start3A_107, %dma_start3A_108] : memref<100096x16xf32, #tpu.memory_space<hbm>> -> memref<100096x16xf32, #tpu.memory_space<hbm>>
    tpu.enqueue_indirect_dma source(%dma_start3A_109 : memref<100096x16xf32, #tpu.memory_space<hbm>>) target(%dma_start3A_103 : memref<128x16xf32, #tpu.memory_space<vmem>>) offsets(%dma_start3A_106 : memref<128xi32, #tpu.memory_space<vmem>>) semaphore(%arg20 : memref<!tpu.dma_semaphore, #tpu.memory_space<semaphore_mem>>)
    %dma_start3A_110 = arith.constant 4 : i32
    %dma_start3A_111 = arith.constant 512 : i32
    %dma_start3A_112 = arith.constant 0 : i32
    %dma_start3A_113 = tpu.memref_slice %arg11[%dma_start3A_111, %dma_start3A_112] : memref<768x16xf32, #tpu.memory_space<vmem>> -> memref<128x16xf32, #tpu.memory_space<vmem>>
    %dma_start3A_114 = arith.constant 0 : i32
    %dma_start3A_115 = tpu.memref_slice %arg8[%dma_start3A_110, %dma_start3A_114] : memref<6x128xi32, #tpu.memory_space<vmem>> -> memref<1x128xi32, #tpu.memory_space<vmem>>
    %dma_start3A_116 = tpu.memref_squeeze %dma_start3A_115 : memref<1x128xi32, #tpu.memory_space<vmem>> -> memref<128xi32, #tpu.memory_space<vmem>>
    %dma_start3A_117 = arith.constant 0 : i32
    %dma_start3A_118 = arith.constant 0 : i32
    %dma_start3A_119 = tpu.memref_slice %arg2[%dma_start3A_117, %dma_start3A_118] : memref<100096x16xf32, #tpu.memory_space<hbm>> -> memref<100096x16xf32, #tpu.memory_space<hbm>>
    tpu.enqueue_indirect_dma source(%dma_start3A_119 : memref<100096x16xf32, #tpu.memory_space<hbm>>) target(%dma_start3A_113 : memref<128x16xf32, #tpu.memory_space<vmem>>) offsets(%dma_start3A_116 : memref<128xi32, #tpu.memory_space<vmem>>) semaphore(%arg20 : memref<!tpu.dma_semaphore, #tpu.memory_space<semaphore_mem>>)
    %dma_start3A_120 = arith.constant 5 : i32
    %dma_start3A_121 = arith.constant 640 : i32
    %dma_start3A_122 = arith.constant 0 : i32
    %dma_start3A_123 = tpu.memref_slice %arg10[%dma_start3A_121, %dma_start3A_122] : memref<768x16xf32, #tpu.memory_space<vmem>> -> memref<128x16xf32, #tpu.memory_space<vmem>>
    %dma_start3A_124 = arith.constant 0 : i32
    %dma_start3A_125 = tpu.memref_slice %arg7[%dma_start3A_120, %dma_start3A_124] : memref<6x128xi32, #tpu.memory_space<vmem>> -> memref<1x128xi32, #tpu.memory_space<vmem>>
    %dma_start3A_126 = tpu.memref_squeeze %dma_start3A_125 : memref<1x128xi32, #tpu.memory_space<vmem>> -> memref<128xi32, #tpu.memory_space<vmem>>
    %dma_start3A_127 = arith.constant 0 : i32
    %dma_start3A_128 = arith.constant 0 : i32
    %dma_start3A_129 = tpu.memref_slice %arg2[%dma_start3A_127, %dma_start3A_128] : memref<100096x16xf32, #tpu.memory_space<hbm>> -> memref<100096x16xf32, #tpu.memory_space<hbm>>
    tpu.enqueue_indirect_dma source(%dma_start3A_129 : memref<100096x16xf32, #tpu.memory_space<hbm>>) target(%dma_start3A_123 : memref<128x16xf32, #tpu.memory_space<vmem>>) offsets(%dma_start3A_126 : memref<128xi32, #tpu.memory_space<vmem>>) semaphore(%arg20 : memref<!tpu.dma_semaphore, #tpu.memory_space<semaphore_mem>>)
    %dma_start3A_130 = arith.constant 5 : i32
    %dma_start3A_131 = arith.constant 640 : i32
    %dma_start3A_132 = arith.constant 0 : i32
    %dma_start3A_133 = tpu.memref_slice %arg11[%dma_start3A_131, %dma_start3A_132] : memref<768x16xf32, #tpu.memory_space<vmem>> -> memref<128x16xf32, #tpu.memory_space<vmem>>
    %dma_start3A_134 = arith.constant 0 : i32
    %dma_start3A_135 = tpu.memref_slice %arg8[%dma_start3A_130, %dma_start3A_134] : memref<6x128xi32, #tpu.memory_space<vmem>> -> memref<1x128xi32, #tpu.memory_space<vmem>>
    %dma_start3A_136 = tpu.memref_squeeze %dma_start3A_135 : memref<1x128xi32, #tpu.memory_space<vmem>> -> memref<128xi32, #tpu.memory_space<vmem>>
    %dma_start3A_137 = arith.constant 0 : i32
    %dma_start3A_138 = arith.constant 0 : i32
    %dma_start3A_139 = tpu.memref_slice %arg2[%dma_start3A_137, %dma_start3A_138] : memref<100096x16xf32, #tpu.memory_space<hbm>> -> memref<100096x16xf32, #tpu.memory_space<hbm>>
    tpu.enqueue_indirect_dma source(%dma_start3A_139 : memref<100096x16xf32, #tpu.memory_space<hbm>>) target(%dma_start3A_133 : memref<128x16xf32, #tpu.memory_space<vmem>>) offsets(%dma_start3A_136 : memref<128xi32, #tpu.memory_space<vmem>>) semaphore(%arg20 : memref<!tpu.dma_semaphore, #tpu.memory_space<semaphore_mem>>)
    %add3A_140 = arith.constant 6 : i32
    %add3A_141 = arith.addi %mul3A_4, %add3A_140 : i32
    %dma_start3A_142 = arith.constant 0 : i32
    %dma_start3A_143 = tpu.memref_slice %arg3[%add3A_141, %dma_start3A_142] : memref<25344x128xi32, #tpu.memory_space<hbm>> -> memref<6x128xi32, #tpu.memory_space<hbm>>
    %dma_start3A_144 = arith.constant 0 : i32
    %dma_start3A_145 = tpu.memref_slice %arg3[%add3A_141, %dma_start3A_144] : memref<25344x128xi32, #tpu.memory_space<hbm>> -> memref<6x128xi32, #tpu.memory_space<hbm>>
    tpu.enqueue_dma source(%dma_start3A_145 : memref<6x128xi32, #tpu.memory_space<hbm>>) target(%arg13 : memref<6x128xi32, #tpu.memory_space<vmem>>) target_semaphore(%arg22 : memref<!tpu.dma_semaphore, #tpu.memory_space<semaphore_mem>>)
    %add3A_146 = arith.constant 6 : i32
    %add3A_147 = arith.addi %mul3A_4, %add3A_146 : i32
    %dma_start3A_148 = arith.constant 0 : i32
    %dma_start3A_149 = tpu.memref_slice %arg4[%add3A_147, %dma_start3A_148] : memref<25344x128xi32, #tpu.memory_space<hbm>> -> memref<6x128xi32, #tpu.memory_space<hbm>>
    %dma_start3A_150 = arith.constant 0 : i32
    %dma_start3A_151 = tpu.memref_slice %arg4[%add3A_147, %dma_start3A_150] : memref<25344x128xi32, #tpu.memory_space<hbm>> -> memref<6x128xi32, #tpu.memory_space<hbm>>
    tpu.enqueue_dma source(%dma_start3A_151 : memref<6x128xi32, #tpu.memory_space<hbm>>) target(%arg14 : memref<6x128xi32, #tpu.memory_space<vmem>>) target_semaphore(%arg22 : memref<!tpu.dma_semaphore, #tpu.memory_space<semaphore_mem>>)
    %scan3A_152 = arith.constant 0 : i32
    %scan3A_153 = arith.constant 0 : i32
    %scan3A_154 = arith.constant 66 : i32
    %scan3A_155 = arith.addi %scan3A_153, %scan3A_154 : i32
    %scan3A_156 = arith.constant 1 : i32
    scf.for %scan3A_218 = %scan3A_153 to %scan3A_155 step %scan3A_156  : i32 {
      %mul3A_219 = arith.constant 2 : i32
      %mul3A_220 = arith.muli %mul3A_219, %scan3A_218 : i32
      %gt3A = arith.constant 0 : i32
      %gt3A_221 = arith.cmpi sgt, %mul3A_220, %gt3A : i32
      %convert_element_type3A = arith.extui %gt3A_221 : i1 to i32
      %cond3A = arith.constant 0 : i32
      %cond3A_222 = arith.cmpi ne, %convert_element_type3A, %cond3A : i32
      scf.if %cond3A_222 {
        %dma_wait3A_631 = arith.constant 0 : i32
        %dma_wait3A_632 = arith.constant 0 : i32
        %dma_wait3A_633 = arith.constant 0 : i32
        %dma_wait3A_634 = tpu.memref_slice %arg18[%dma_wait3A_632, %dma_wait3A_633] : memref<768x8xf32, #tpu.memory_space<vmem>> -> memref<128x8xf32, #tpu.memory_space<vmem>>
        %dma_wait3A_635 = arith.constant 0 : i32
        %dma_wait3A_636 = tpu.memref_slice %arg15[%dma_wait3A_631, %dma_wait3A_635] : memref<6x128xi32, #tpu.memory_space<vmem>> -> memref<1x128xi32, #tpu.memory_space<vmem>>
        %dma_wait3A_637 = tpu.memref_squeeze %dma_wait3A_636 : memref<1x128xi32, #tpu.memory_space<vmem>> -> memref<128xi32, #tpu.memory_space<vmem>>
        %dma_wait3A_638 = arith.constant 0 : i32
        %dma_wait3A_639 = arith.constant 0 : i32
        %dma_wait3A_640 = tpu.memref_slice %arg19[%dma_wait3A_638, %dma_wait3A_639] : memref<100096x8xf32, #tpu.memory_space<vmem_shared>> -> memref<100096x8xf32, #tpu.memory_space<vmem_shared>>
        tpu.wait_indirect_dma semaphore(%arg23 : memref<!tpu.dma_semaphore, #tpu.memory_space<semaphore_mem>>) src(%dma_wait3A_634 : memref<128x8xf32, #tpu.memory_space<vmem>>) dst(%dma_wait3A_640 : memref<100096x8xf32, #tpu.memory_space<vmem_shared>>)
        %dma_wait3A_641 = arith.constant 1 : i32
        %dma_wait3A_642 = arith.constant 128 : i32
        %dma_wait3A_643 = arith.constant 0 : i32
        %dma_wait3A_644 = tpu.memref_slice %arg18[%dma_wait3A_642, %dma_wait3A_643] : memref<768x8xf32, #tpu.memory_space<vmem>> -> memref<128x8xf32, #tpu.memory_space<vmem>>
        %dma_wait3A_645 = arith.constant 0 : i32
        %dma_wait3A_646 = tpu.memref_slice %arg15[%dma_wait3A_641, %dma_wait3A_645] : memref<6x128xi32, #tpu.memory_space<vmem>> -> memref<1x128xi32, #tpu.memory_space<vmem>>
        %dma_wait3A_647 = tpu.memref_squeeze %dma_wait3A_646 : memref<1x128xi32, #tpu.memory_space<vmem>> -> memref<128xi32, #tpu.memory_space<vmem>>
        %dma_wait3A_648 = arith.constant 0 : i32
        %dma_wait3A_649 = arith.constant 0 : i32
        %dma_wait3A_650 = tpu.memref_slice %arg19[%dma_wait3A_648, %dma_wait3A_649] : memref<100096x8xf32, #tpu.memory_space<vmem_shared>> -> memref<100096x8xf32, #tpu.memory_space<vmem_shared>>
        tpu.wait_indirect_dma semaphore(%arg23 : memref<!tpu.dma_semaphore, #tpu.memory_space<semaphore_mem>>) src(%dma_wait3A_644 : memref<128x8xf32, #tpu.memory_space<vmem>>) dst(%dma_wait3A_650 : memref<100096x8xf32, #tpu.memory_space<vmem_shared>>)
        %dma_wait3A_651 = arith.constant 2 : i32
        %dma_wait3A_652 = arith.constant 256 : i32
        %dma_wait3A_653 = arith.constant 0 : i32
        %dma_wait3A_654 = tpu.memref_slice %arg18[%dma_wait3A_652, %dma_wait3A_653] : memref<768x8xf32, #tpu.memory_space<vmem>> -> memref<128x8xf32, #tpu.memory_space<vmem>>
        %dma_wait3A_655 = arith.constant 0 : i32
        %dma_wait3A_656 = tpu.memref_slice %arg15[%dma_wait3A_651, %dma_wait3A_655] : memref<6x128xi32, #tpu.memory_space<vmem>> -> memref<1x128xi32, #tpu.memory_space<vmem>>
        %dma_wait3A_657 = tpu.memref_squeeze %dma_wait3A_656 : memref<1x128xi32, #tpu.memory_space<vmem>> -> memref<128xi32, #tpu.memory_space<vmem>>
        %dma_wait3A_658 = arith.constant 0 : i32
        %dma_wait3A_659 = arith.constant 0 : i32
        %dma_wait3A_660 = tpu.memref_slice %arg19[%dma_wait3A_658, %dma_wait3A_659] : memref<100096x8xf32, #tpu.memory_space<vmem_shared>> -> memref<100096x8xf32, #tpu.memory_space<vmem_shared>>
        tpu.wait_indirect_dma semaphore(%arg23 : memref<!tpu.dma_semaphore, #tpu.memory_space<semaphore_mem>>) src(%dma_wait3A_654 : memref<128x8xf32, #tpu.memory_space<vmem>>) dst(%dma_wait3A_660 : memref<100096x8xf32, #tpu.memory_space<vmem_shared>>)
        %dma_wait3A_661 = arith.constant 3 : i32
        %dma_wait3A_662 = arith.constant 384 : i32
        %dma_wait3A_663 = arith.constant 0 : i32
        %dma_wait3A_664 = tpu.memref_slice %arg18[%dma_wait3A_662, %dma_wait3A_663] : memref<768x8xf32, #tpu.memory_space<vmem>> -> memref<128x8xf32, #tpu.memory_space<vmem>>
        %dma_wait3A_665 = arith.constant 0 : i32
        %dma_wait3A_666 = tpu.memref_slice %arg15[%dma_wait3A_661, %dma_wait3A_665] : memref<6x128xi32, #tpu.memory_space<vmem>> -> memref<1x128xi32, #tpu.memory_space<vmem>>
        %dma_wait3A_667 = tpu.memref_squeeze %dma_wait3A_666 : memref<1x128xi32, #tpu.memory_space<vmem>> -> memref<128xi32, #tpu.memory_space<vmem>>
        %dma_wait3A_668 = arith.constant 0 : i32
        %dma_wait3A_669 = arith.constant 0 : i32
        %dma_wait3A_670 = tpu.memref_slice %arg19[%dma_wait3A_668, %dma_wait3A_669] : memref<100096x8xf32, #tpu.memory_space<vmem_shared>> -> memref<100096x8xf32, #tpu.memory_space<vmem_shared>>
        tpu.wait_indirect_dma semaphore(%arg23 : memref<!tpu.dma_semaphore, #tpu.memory_space<semaphore_mem>>) src(%dma_wait3A_664 : memref<128x8xf32, #tpu.memory_space<vmem>>) dst(%dma_wait3A_670 : memref<100096x8xf32, #tpu.memory_space<vmem_shared>>)
        %dma_wait3A_671 = arith.constant 4 : i32
        %dma_wait3A_672 = arith.constant 512 : i32
        %dma_wait3A_673 = arith.constant 0 : i32
        %dma_wait3A_674 = tpu.memref_slice %arg18[%dma_wait3A_672, %dma_wait3A_673] : memref<768x8xf32, #tpu.memory_space<vmem>> -> memref<128x8xf32, #tpu.memory_space<vmem>>
        %dma_wait3A_675 = arith.constant 0 : i32
        %dma_wait3A_676 = tpu.memref_slice %arg15[%dma_wait3A_671, %dma_wait3A_675] : memref<6x128xi32, #tpu.memory_space<vmem>> -> memref<1x128xi32, #tpu.memory_space<vmem>>
        %dma_wait3A_677 = tpu.memref_squeeze %dma_wait3A_676 : memref<1x128xi32, #tpu.memory_space<vmem>> -> memref<128xi32, #tpu.memory_space<vmem>>
        %dma_wait3A_678 = arith.constant 0 : i32
        %dma_wait3A_679 = arith.constant 0 : i32
        %dma_wait3A_680 = tpu.memref_slice %arg19[%dma_wait3A_678, %dma_wait3A_679] : memref<100096x8xf32, #tpu.memory_space<vmem_shared>> -> memref<100096x8xf32, #tpu.memory_space<vmem_shared>>
        tpu.wait_indirect_dma semaphore(%arg23 : memref<!tpu.dma_semaphore, #tpu.memory_space<semaphore_mem>>) src(%dma_wait3A_674 : memref<128x8xf32, #tpu.memory_space<vmem>>) dst(%dma_wait3A_680 : memref<100096x8xf32, #tpu.memory_space<vmem_shared>>)
        %dma_wait3A_681 = arith.constant 5 : i32
        %dma_wait3A_682 = arith.constant 640 : i32
        %dma_wait3A_683 = arith.constant 0 : i32
        %dma_wait3A_684 = tpu.memref_slice %arg18[%dma_wait3A_682, %dma_wait3A_683] : memref<768x8xf32, #tpu.memory_space<vmem>> -> memref<128x8xf32, #tpu.memory_space<vmem>>
        %dma_wait3A_685 = arith.constant 0 : i32
        %dma_wait3A_686 = tpu.memref_slice %arg15[%dma_wait3A_681, %dma_wait3A_685] : memref<6x128xi32, #tpu.memory_space<vmem>> -> memref<1x128xi32, #tpu.memory_space<vmem>>
        %dma_wait3A_687 = tpu.memref_squeeze %dma_wait3A_686 : memref<1x128xi32, #tpu.memory_space<vmem>> -> memref<128xi32, #tpu.memory_space<vmem>>
        %dma_wait3A_688 = arith.constant 0 : i32
        %dma_wait3A_689 = arith.constant 0 : i32
        %dma_wait3A_690 = tpu.memref_slice %arg19[%dma_wait3A_688, %dma_wait3A_689] : memref<100096x8xf32, #tpu.memory_space<vmem_shared>> -> memref<100096x8xf32, #tpu.memory_space<vmem_shared>>
        tpu.wait_indirect_dma semaphore(%arg23 : memref<!tpu.dma_semaphore, #tpu.memory_space<semaphore_mem>>) src(%dma_wait3A_684 : memref<128x8xf32, #tpu.memory_space<vmem>>) dst(%dma_wait3A_690 : memref<100096x8xf32, #tpu.memory_space<vmem_shared>>)
      } else {
      }
      %add3A_223 = arith.constant 1 : i32
      %add3A_224 = arith.addi %mul3A_220, %add3A_223 : i32
      %lt3A = arith.constant 132 : i32
      %lt3A_225 = arith.cmpi slt, %add3A_224, %lt3A : i32
      %convert_element_type3A_226 = arith.extui %lt3A_225 : i1 to i32
      %cond3A_227 = arith.constant 0 : i32
      %cond3A_228 = arith.cmpi ne, %convert_element_type3A_226, %cond3A_227 : i32
      scf.if %cond3A_228 {
        %dma_wait3A_631 = arith.constant 0 : i32
        %dma_wait3A_632 = tpu.memref_slice %arg3[%mul3A_4, %dma_wait3A_631] : memref<25344x128xi32, #tpu.memory_space<hbm>> -> memref<6x128xi32, #tpu.memory_space<hbm>>
        %dma_wait3A_633 = arith.constant 0 : i32
        %dma_wait3A_634 = tpu.memref_slice %arg3[%mul3A_4, %dma_wait3A_633] : memref<25344x128xi32, #tpu.memory_space<hbm>> -> memref<6x128xi32, #tpu.memory_space<hbm>>
        tpu.wait_dma2 semaphore(%arg22 : memref<!tpu.dma_semaphore, #tpu.memory_space<semaphore_mem>>) src(%dma_wait3A_634 : memref<6x128xi32, #tpu.memory_space<hbm>>) dst(%arg13 : memref<6x128xi32, #tpu.memory_space<vmem>>)
        %dma_wait3A_635 = arith.constant 0 : i32
        %dma_wait3A_636 = tpu.memref_slice %arg4[%mul3A_4, %dma_wait3A_635] : memref<25344x128xi32, #tpu.memory_space<hbm>> -> memref<6x128xi32, #tpu.memory_space<hbm>>
        %dma_wait3A_637 = arith.constant 0 : i32
        %dma_wait3A_638 = tpu.memref_slice %arg4[%mul3A_4, %dma_wait3A_637] : memref<25344x128xi32, #tpu.memory_space<hbm>> -> memref<6x128xi32, #tpu.memory_space<hbm>>
        tpu.wait_dma2 semaphore(%arg22 : memref<!tpu.dma_semaphore, #tpu.memory_space<semaphore_mem>>) src(%dma_wait3A_638 : memref<6x128xi32, #tpu.memory_space<hbm>>) dst(%arg14 : memref<6x128xi32, #tpu.memory_space<vmem>>)
        %scan3A_639 = arith.constant 0 : i32
        %scan3A_640 = arith.constant 0 : i32
        %scan3A_641 = arith.constant 48 : i32
        %scan3A_642 = arith.addi %scan3A_640, %scan3A_641 : i32
        %scan3A_643 = arith.constant 1 : i32
        scf.for %scan3A_765 = %scan3A_640 to %scan3A_642 step %scan3A_643  : i32 {
          %shift_right_arithmetic3A = arith.constant 3 : i32
          %shift_right_arithmetic3A_766 = arith.shrsi %scan3A_765, %shift_right_arithmetic3A : i32
          %and3A = arith.constant 7 : i32
          %and3A_767 = arith.andi %scan3A_765, %and3A : i32
          %mul3A_768 = arith.constant 16 : i32
          %mul3A_769 = arith.muli %and3A_767, %mul3A_768 : i32
          %get3A = arith.index_cast %shift_right_arithmetic3A_766 : i32 to index
          %get3A_770 = arith.index_cast %mul3A_769 : i32 to index
          %get3A_771 = tpu.vector_load %arg13[%get3A, %get3A_770] {strides = array<i32>} : memref<6x128xi32, #tpu.memory_space<vmem>>, vector<16xi32>,
          %shift_right_arithmetic3A_772 = arith.constant 3 : i32
          %shift_right_arithmetic3A_773 = arith.shrsi %scan3A_765, %shift_right_arithmetic3A_772 : i32
          %and3A_774 = arith.constant 7 : i32
          %and3A_775 = arith.andi %scan3A_765, %and3A_774 : i32
          %mul3A_776 = arith.constant 16 : i32
          %mul3A_777 = arith.muli %and3A_775, %mul3A_776 : i32
          %get3A_778 = arith.index_cast %shift_right_arithmetic3A_773 : i32 to index
          %get3A_779 = arith.index_cast %mul3A_777 : i32 to index
          %get3A_780 = tpu.vector_load %arg14[%get3A_778, %get3A_779] {strides = array<i32>} : memref<6x128xi32, #tpu.memory_space<vmem>>, vector<16xi32>,
          %eq3A = arith.cmpi eq, %get3A_771, %get3A_780 : vector<16xi32>
          %jit3A = arith.constant 100000 : i32
          %broadcast_in_dim3A_781 = vector.broadcast %jit3A : i32 to vector<16xi32>
          %select_n3A = arith.select %eq3A, %broadcast_in_dim3A_781, %get3A_780 : vector<16xi1>, vector<16xi32>
          %shift_right_arithmetic3A_782 = arith.constant 3 : i32
          %shift_right_arithmetic3A_783 = arith.shrsi %scan3A_765, %shift_right_arithmetic3A_782 : i32
          %and3A_784 = arith.constant 7 : i32
          %and3A_785 = arith.andi %scan3A_765, %and3A_784 : i32
          %mul3A_786 = arith.constant 16 : i32
          %mul3A_787 = arith.muli %and3A_785, %mul3A_786 : i32
          %swap3A = arith.index_cast %shift_right_arithmetic3A_783 : i32 to index
          %swap3A_788 = arith.index_cast %mul3A_787 : i32 to index
          %swap3A_789 = tpu.vector_load %arg15[%swap3A, %swap3A_788] {strides = array<i32>} : memref<6x128xi32, #tpu.memory_space<vmem>>, vector<16xi32>,
          tpu.vector_store %arg15[%swap3A, %swap3A_788], %select_n3A {strides = array<i32>} : memref<6x128xi32, #tpu.memory_space<vmem>>, vector<16xi32>,
        }
        %scan3A_644 = arith.constant 48 : i32
        %dma_start3A_645 = arith.constant 0 : i32
        %dma_start3A_646 = arith.constant 0 : i32
        %dma_start3A_647 = arith.constant 0 : i32
        %dma_start3A_648 = tpu.memref_slice %arg16[%dma_start3A_646, %dma_start3A_647] : memref<768x16xf32, #tpu.memory_space<vmem>> -> memref<128x16xf32, #tpu.memory_space<vmem>>
        %dma_start3A_649 = arith.constant 0 : i32
        %dma_start3A_650 = tpu.memref_slice %arg13[%dma_start3A_645, %dma_start3A_649] : memref<6x128xi32, #tpu.memory_space<vmem>> -> memref<1x128xi32, #tpu.memory_space<vmem>>
        %dma_start3A_651 = tpu.memref_squeeze %dma_start3A_650 : memref<1x128xi32, #tpu.memory_space<vmem>> -> memref<128xi32, #tpu.memory_space<vmem>>
        %dma_start3A_652 = arith.constant 0 : i32
        %dma_start3A_653 = arith.constant 0 : i32
        %dma_start3A_654 = tpu.memref_slice %arg2[%dma_start3A_652, %dma_start3A_653] : memref<100096x16xf32, #tpu.memory_space<hbm>> -> memref<100096x16xf32, #tpu.memory_space<hbm>>
        tpu.enqueue_indirect_dma source(%dma_start3A_654 : memref<100096x16xf32, #tpu.memory_space<hbm>>) target(%dma_start3A_648 : memref<128x16xf32, #tpu.memory_space<vmem>>) offsets(%dma_start3A_651 : memref<128xi32, #tpu.memory_space<vmem>>) semaphore(%arg21 : memref<!tpu.dma_semaphore, #tpu.memory_space<semaphore_mem>>)
        %dma_start3A_655 = arith.constant 0 : i32
        %dma_start3A_656 = arith.constant 0 : i32
        %dma_start3A_657 = arith.constant 0 : i32
        %dma_start3A_658 = tpu.memref_slice %arg17[%dma_start3A_656, %dma_start3A_657] : memref<768x16xf32, #tpu.memory_space<vmem>> -> memref<128x16xf32, #tpu.memory_space<vmem>>
        %dma_start3A_659 = arith.constant 0 : i32
        %dma_start3A_660 = tpu.memref_slice %arg14[%dma_start3A_655, %dma_start3A_659] : memref<6x128xi32, #tpu.memory_space<vmem>> -> memref<1x128xi32, #tpu.memory_space<vmem>>
        %dma_start3A_661 = tpu.memref_squeeze %dma_start3A_660 : memref<1x128xi32, #tpu.memory_space<vmem>> -> memref<128xi32, #tpu.memory_space<vmem>>
        %dma_start3A_662 = arith.constant 0 : i32
        %dma_start3A_663 = arith.constant 0 : i32
        %dma_start3A_664 = tpu.memref_slice %arg2[%dma_start3A_662, %dma_start3A_663] : memref<100096x16xf32, #tpu.memory_space<hbm>> -> memref<100096x16xf32, #tpu.memory_space<hbm>>
        tpu.enqueue_indirect_dma source(%dma_start3A_664 : memref<100096x16xf32, #tpu.memory_space<hbm>>) target(%dma_start3A_658 : memref<128x16xf32, #tpu.memory_space<vmem>>) offsets(%dma_start3A_661 : memref<128xi32, #tpu.memory_space<vmem>>) semaphore(%arg21 : memref<!tpu.dma_semaphore, #tpu.memory_space<semaphore_mem>>)
        %dma_start3A_665 = arith.constant 1 : i32
        %dma_start3A_666 = arith.constant 128 : i32
        %dma_start3A_667 = arith.constant 0 : i32
        %dma_start3A_668 = tpu.memref_slice %arg16[%dma_start3A_666, %dma_start3A_667] : memref<768x16xf32, #tpu.memory_space<vmem>> -> memref<128x16xf32, #tpu.memory_space<vmem>>
        %dma_start3A_669 = arith.constant 0 : i32
        %dma_start3A_670 = tpu.memref_slice %arg13[%dma_start3A_665, %dma_start3A_669] : memref<6x128xi32, #tpu.memory_space<vmem>> -> memref<1x128xi32, #tpu.memory_space<vmem>>
        %dma_start3A_671 = tpu.memref_squeeze %dma_start3A_670 : memref<1x128xi32, #tpu.memory_space<vmem>> -> memref<128xi32, #tpu.memory_space<vmem>>
        %dma_start3A_672 = arith.constant 0 : i32
        %dma_start3A_673 = arith.constant 0 : i32
        %dma_start3A_674 = tpu.memref_slice %arg2[%dma_start3A_672, %dma_start3A_673] : memref<100096x16xf32, #tpu.memory_space<hbm>> -> memref<100096x16xf32, #tpu.memory_space<hbm>>
        tpu.enqueue_indirect_dma source(%dma_start3A_674 : memref<100096x16xf32, #tpu.memory_space<hbm>>) target(%dma_start3A_668 : memref<128x16xf32, #tpu.memory_space<vmem>>) offsets(%dma_start3A_671 : memref<128xi32, #tpu.memory_space<vmem>>) semaphore(%arg21 : memref<!tpu.dma_semaphore, #tpu.memory_space<semaphore_mem>>)
        %dma_start3A_675 = arith.constant 1 : i32
        %dma_start3A_676 = arith.constant 128 : i32
        %dma_start3A_677 = arith.constant 0 : i32
        %dma_start3A_678 = tpu.memref_slice %arg17[%dma_start3A_676, %dma_start3A_677] : memref<768x16xf32, #tpu.memory_space<vmem>> -> memref<128x16xf32, #tpu.memory_space<vmem>>
        %dma_start3A_679 = arith.constant 0 : i32
        %dma_start3A_680 = tpu.memref_slice %arg14[%dma_start3A_675, %dma_start3A_679] : memref<6x128xi32, #tpu.memory_space<vmem>> -> memref<1x128xi32, #tpu.memory_space<vmem>>
        %dma_start3A_681 = tpu.memref_squeeze %dma_start3A_680 : memref<1x128xi32, #tpu.memory_space<vmem>> -> memref<128xi32, #tpu.memory_space<vmem>>
        %dma_start3A_682 = arith.constant 0 : i32
        %dma_start3A_683 = arith.constant 0 : i32
        %dma_start3A_684 = tpu.memref_slice %arg2[%dma_start3A_682, %dma_start3A_683] : memref<100096x16xf32, #tpu.memory_space<hbm>> -> memref<100096x16xf32, #tpu.memory_space<hbm>>
        tpu.enqueue_indirect_dma source(%dma_start3A_684 : memref<100096x16xf32, #tpu.memory_space<hbm>>) target(%dma_start3A_678 : memref<128x16xf32, #tpu.memory_space<vmem>>) offsets(%dma_start3A_681 : memref<128xi32, #tpu.memory_space<vmem>>) semaphore(%arg21 : memref<!tpu.dma_semaphore, #tpu.memory_space<semaphore_mem>>)
        %dma_start3A_685 = arith.constant 2 : i32
        %dma_start3A_686 = arith.constant 256 : i32
        %dma_start3A_687 = arith.constant 0 : i32
        %dma_start3A_688 = tpu.memref_slice %arg16[%dma_start3A_686, %dma_start3A_687] : memref<768x16xf32, #tpu.memory_space<vmem>> -> memref<128x16xf32, #tpu.memory_space<vmem>>
        %dma_start3A_689 = arith.constant 0 : i32
        %dma_start3A_690 = tpu.memref_slice %arg13[%dma_start3A_685, %dma_start3A_689] : memref<6x128xi32, #tpu.memory_space<vmem>> -> memref<1x128xi32, #tpu.memory_space<vmem>>
        %dma_start3A_691 = tpu.memref_squeeze %dma_start3A_690 : memref<1x128xi32, #tpu.memory_space<vmem>> -> memref<128xi32, #tpu.memory_space<vmem>>
        %dma_start3A_692 = arith.constant 0 : i32
        %dma_start3A_693 = arith.constant 0 : i32
        %dma_start3A_694 = tpu.memref_slice %arg2[%dma_start3A_692, %dma_start3A_693] : memref<100096x16xf32, #tpu.memory_space<hbm>> -> memref<100096x16xf32, #tpu.memory_space<hbm>>
        tpu.enqueue_indirect_dma source(%dma_start3A_694 : memref<100096x16xf32, #tpu.memory_space<hbm>>) target(%dma_start3A_688 : memref<128x16xf32, #tpu.memory_space<vmem>>) offsets(%dma_start3A_691 : memref<128xi32, #tpu.memory_space<vmem>>) semaphore(%arg21 : memref<!tpu.dma_semaphore, #tpu.memory_space<semaphore_mem>>)
        %dma_start3A_695 = arith.constant 2 : i32
        %dma_start3A_696 = arith.constant 256 : i32
        %dma_start3A_697 = arith.constant 0 : i32
        %dma_start3A_698 = tpu.memref_slice %arg17[%dma_start3A_696, %dma_start3A_697] : memref<768x16xf32, #tpu.memory_space<vmem>> -> memref<128x16xf32, #tpu.memory_space<vmem>>
        %dma_start3A_699 = arith.constant 0 : i32
        %dma_start3A_700 = tpu.memref_slice %arg14[%dma_start3A_695, %dma_start3A_699] : memref<6x128xi32, #tpu.memory_space<vmem>> -> memref<1x128xi32, #tpu.memory_space<vmem>>
        %dma_start3A_701 = tpu.memref_squeeze %dma_start3A_700 : memref<1x128xi32, #tpu.memory_space<vmem>> -> memref<128xi32, #tpu.memory_space<vmem>>
        %dma_start3A_702 = arith.constant 0 : i32
        %dma_start3A_703 = arith.constant 0 : i32
        %dma_start3A_704 = tpu.memref_slice %arg2[%dma_start3A_702, %dma_start3A_703] : memref<100096x16xf32, #tpu.memory_space<hbm>> -> memref<100096x16xf32, #tpu.memory_space<hbm>>
        tpu.enqueue_indirect_dma source(%dma_start3A_704 : memref<100096x16xf32, #tpu.memory_space<hbm>>) target(%dma_start3A_698 : memref<128x16xf32, #tpu.memory_space<vmem>>) offsets(%dma_start3A_701 : memref<128xi32, #tpu.memory_space<vmem>>) semaphore(%arg21 : memref<!tpu.dma_semaphore, #tpu.memory_space<semaphore_mem>>)
        %dma_start3A_705 = arith.constant 3 : i32
        %dma_start3A_706 = arith.constant 384 : i32
        %dma_start3A_707 = arith.constant 0 : i32
        %dma_start3A_708 = tpu.memref_slice %arg16[%dma_start3A_706, %dma_start3A_707] : memref<768x16xf32, #tpu.memory_space<vmem>> -> memref<128x16xf32, #tpu.memory_space<vmem>>
        %dma_start3A_709 = arith.constant 0 : i32
        %dma_start3A_710 = tpu.memref_slice %arg13[%dma_start3A_705, %dma_start3A_709] : memref<6x128xi32, #tpu.memory_space<vmem>> -> memref<1x128xi32, #tpu.memory_space<vmem>>
        %dma_start3A_711 = tpu.memref_squeeze %dma_start3A_710 : memref<1x128xi32, #tpu.memory_space<vmem>> -> memref<128xi32, #tpu.memory_space<vmem>>
        %dma_start3A_712 = arith.constant 0 : i32
        %dma_start3A_713 = arith.constant 0 : i32
        %dma_start3A_714 = tpu.memref_slice %arg2[%dma_start3A_712, %dma_start3A_713] : memref<100096x16xf32, #tpu.memory_space<hbm>> -> memref<100096x16xf32, #tpu.memory_space<hbm>>
        tpu.enqueue_indirect_dma source(%dma_start3A_714 : memref<100096x16xf32, #tpu.memory_space<hbm>>) target(%dma_start3A_708 : memref<128x16xf32, #tpu.memory_space<vmem>>) offsets(%dma_start3A_711 : memref<128xi32, #tpu.memory_space<vmem>>) semaphore(%arg21 : memref<!tpu.dma_semaphore, #tpu.memory_space<semaphore_mem>>)
        %dma_start3A_715 = arith.constant 3 : i32
        %dma_start3A_716 = arith.constant 384 : i32
        %dma_start3A_717 = arith.constant 0 : i32
        %dma_start3A_718 = tpu.memref_slice %arg17[%dma_start3A_716, %dma_start3A_717] : memref<768x16xf32, #tpu.memory_space<vmem>> -> memref<128x16xf32, #tpu.memory_space<vmem>>
        %dma_start3A_719 = arith.constant 0 : i32
        %dma_start3A_720 = tpu.memref_slice %arg14[%dma_start3A_715, %dma_start3A_719] : memref<6x128xi32, #tpu.memory_space<vmem>> -> memref<1x128xi32, #tpu.memory_space<vmem>>
        %dma_start3A_721 = tpu.memref_squeeze %dma_start3A_720 : memref<1x128xi32, #tpu.memory_space<vmem>> -> memref<128xi32, #tpu.memory_space<vmem>>
        %dma_start3A_722 = arith.constant 0 : i32
        %dma_start3A_723 = arith.constant 0 : i32
        %dma_start3A_724 = tpu.memref_slice %arg2[%dma_start3A_722, %dma_start3A_723] : memref<100096x16xf32, #tpu.memory_space<hbm>> -> memref<100096x16xf32, #tpu.memory_space<hbm>>
        tpu.enqueue_indirect_dma source(%dma_start3A_724 : memref<100096x16xf32, #tpu.memory_space<hbm>>) target(%dma_start3A_718 : memref<128x16xf32, #tpu.memory_space<vmem>>) offsets(%dma_start3A_721 : memref<128xi32, #tpu.memory_space<vmem>>) semaphore(%arg21 : memref<!tpu.dma_semaphore, #tpu.memory_space<semaphore_mem>>)
        %dma_start3A_725 = arith.constant 4 : i32
        %dma_start3A_726 = arith.constant 512 : i32
        %dma_start3A_727 = arith.constant 0 : i32
        %dma_start3A_728 = tpu.memref_slice %arg16[%dma_start3A_726, %dma_start3A_727] : memref<768x16xf32, #tpu.memory_space<vmem>> -> memref<128x16xf32, #tpu.memory_space<vmem>>
        %dma_start3A_729 = arith.constant 0 : i32
        %dma_start3A_730 = tpu.memref_slice %arg13[%dma_start3A_725, %dma_start3A_729] : memref<6x128xi32, #tpu.memory_space<vmem>> -> memref<1x128xi32, #tpu.memory_space<vmem>>
        %dma_start3A_731 = tpu.memref_squeeze %dma_start3A_730 : memref<1x128xi32, #tpu.memory_space<vmem>> -> memref<128xi32, #tpu.memory_space<vmem>>
        %dma_start3A_732 = arith.constant 0 : i32
        %dma_start3A_733 = arith.constant 0 : i32
        %dma_start3A_734 = tpu.memref_slice %arg2[%dma_start3A_732, %dma_start3A_733] : memref<100096x16xf32, #tpu.memory_space<hbm>> -> memref<100096x16xf32, #tpu.memory_space<hbm>>
        tpu.enqueue_indirect_dma source(%dma_start3A_734 : memref<100096x16xf32, #tpu.memory_space<hbm>>) target(%dma_start3A_728 : memref<128x16xf32, #tpu.memory_space<vmem>>) offsets(%dma_start3A_731 : memref<128xi32, #tpu.memory_space<vmem>>) semaphore(%arg21 : memref<!tpu.dma_semaphore, #tpu.memory_space<semaphore_mem>>)
        %dma_start3A_735 = arith.constant 4 : i32
        %dma_start3A_736 = arith.constant 512 : i32
        %dma_start3A_737 = arith.constant 0 : i32
        %dma_start3A_738 = tpu.memref_slice %arg17[%dma_start3A_736, %dma_start3A_737] : memref<768x16xf32, #tpu.memory_space<vmem>> -> memref<128x16xf32, #tpu.memory_space<vmem>>
        %dma_start3A_739 = arith.constant 0 : i32
        %dma_start3A_740 = tpu.memref_slice %arg14[%dma_start3A_735, %dma_start3A_739] : memref<6x128xi32, #tpu.memory_space<vmem>> -> memref<1x128xi32, #tpu.memory_space<vmem>>
        %dma_start3A_741 = tpu.memref_squeeze %dma_start3A_740 : memref<1x128xi32, #tpu.memory_space<vmem>> -> memref<128xi32, #tpu.memory_space<vmem>>
        %dma_start3A_742 = arith.constant 0 : i32
        %dma_start3A_743 = arith.constant 0 : i32
        %dma_start3A_744 = tpu.memref_slice %arg2[%dma_start3A_742, %dma_start3A_743] : memref<100096x16xf32, #tpu.memory_space<hbm>> -> memref<100096x16xf32, #tpu.memory_space<hbm>>
        tpu.enqueue_indirect_dma source(%dma_start3A_744 : memref<100096x16xf32, #tpu.memory_space<hbm>>) target(%dma_start3A_738 : memref<128x16xf32, #tpu.memory_space<vmem>>) offsets(%dma_start3A_741 : memref<128xi32, #tpu.memory_space<vmem>>) semaphore(%arg21 : memref<!tpu.dma_semaphore, #tpu.memory_space<semaphore_mem>>)
        %dma_start3A_745 = arith.constant 5 : i32
        %dma_start3A_746 = arith.constant 640 : i32
        %dma_start3A_747 = arith.constant 0 : i32
        %dma_start3A_748 = tpu.memref_slice %arg16[%dma_start3A_746, %dma_start3A_747] : memref<768x16xf32, #tpu.memory_space<vmem>> -> memref<128x16xf32, #tpu.memory_space<vmem>>
        %dma_start3A_749 = arith.constant 0 : i32
        %dma_start3A_750 = tpu.memref_slice %arg13[%dma_start3A_745, %dma_start3A_749] : memref<6x128xi32, #tpu.memory_space<vmem>> -> memref<1x128xi32, #tpu.memory_space<vmem>>
        %dma_start3A_751 = tpu.memref_squeeze %dma_start3A_750 : memref<1x128xi32, #tpu.memory_space<vmem>> -> memref<128xi32, #tpu.memory_space<vmem>>
        %dma_start3A_752 = arith.constant 0 : i32
        %dma_start3A_753 = arith.constant 0 : i32
        %dma_start3A_754 = tpu.memref_slice %arg2[%dma_start3A_752, %dma_start3A_753] : memref<100096x16xf32, #tpu.memory_space<hbm>> -> memref<100096x16xf32, #tpu.memory_space<hbm>>
        tpu.enqueue_indirect_dma source(%dma_start3A_754 : memref<100096x16xf32, #tpu.memory_space<hbm>>) target(%dma_start3A_748 : memref<128x16xf32, #tpu.memory_space<vmem>>) offsets(%dma_start3A_751 : memref<128xi32, #tpu.memory_space<vmem>>) semaphore(%arg21 : memref<!tpu.dma_semaphore, #tpu.memory_space<semaphore_mem>>)
        %dma_start3A_755 = arith.constant 5 : i32
        %dma_start3A_756 = arith.constant 640 : i32
        %dma_start3A_757 = arith.constant 0 : i32
        %dma_start3A_758 = tpu.memref_slice %arg17[%dma_start3A_756, %dma_start3A_757] : memref<768x16xf32, #tpu.memory_space<vmem>> -> memref<128x16xf32, #tpu.memory_space<vmem>>
        %dma_start3A_759 = arith.constant 0 : i32
        %dma_start3A_760 = tpu.memref_slice %arg14[%dma_start3A_755, %dma_start3A_759] : memref<6x128xi32, #tpu.memory_space<vmem>> -> memref<1x128xi32, #tpu.memory_space<vmem>>
        %dma_start3A_761 = tpu.memref_squeeze %dma_start3A_760 : memref<1x128xi32, #tpu.memory_space<vmem>> -> memref<128xi32, #tpu.memory_space<vmem>>
        %dma_start3A_762 = arith.constant 0 : i32
        %dma_start3A_763 = arith.constant 0 : i32
        %dma_start3A_764 = tpu.memref_slice %arg2[%dma_start3A_762, %dma_start3A_763] : memref<100096x16xf32, #tpu.memory_space<hbm>> -> memref<100096x16xf32, #tpu.memory_space<hbm>>
        tpu.enqueue_indirect_dma source(%dma_start3A_764 : memref<100096x16xf32, #tpu.memory_space<hbm>>) target(%dma_start3A_758 : memref<128x16xf32, #tpu.memory_space<vmem>>) offsets(%dma_start3A_761 : memref<128xi32, #tpu.memory_space<vmem>>) semaphore(%arg21 : memref<!tpu.dma_semaphore, #tpu.memory_space<semaphore_mem>>)
      } else {
      }
      %dma_wait3A_229 = arith.constant 0 : i32
      %dma_wait3A_230 = arith.constant 0 : i32
      %dma_wait3A_231 = arith.constant 0 : i32
      %dma_wait3A_232 = tpu.memref_slice %arg10[%dma_wait3A_230, %dma_wait3A_231] : memref<768x16xf32, #tpu.memory_space<vmem>> -> memref<128x16xf32, #tpu.memory_space<vmem>>
      %dma_wait3A_233 = arith.constant 0 : i32
      %dma_wait3A_234 = tpu.memref_slice %arg7[%dma_wait3A_229, %dma_wait3A_233] : memref<6x128xi32, #tpu.memory_space<vmem>> -> memref<1x128xi32, #tpu.memory_space<vmem>>
      %dma_wait3A_235 = tpu.memref_squeeze %dma_wait3A_234 : memref<1x128xi32, #tpu.memory_space<vmem>> -> memref<128xi32, #tpu.memory_space<vmem>>
      %dma_wait3A_236 = arith.constant 0 : i32
      %dma_wait3A_237 = arith.constant 0 : i32
      %dma_wait3A_238 = tpu.memref_slice %arg2[%dma_wait3A_236, %dma_wait3A_237] : memref<100096x16xf32, #tpu.memory_space<hbm>> -> memref<100096x16xf32, #tpu.memory_space<hbm>>
      tpu.wait_indirect_dma semaphore(%arg20 : memref<!tpu.dma_semaphore, #tpu.memory_space<semaphore_mem>>) src(%dma_wait3A_238 : memref<100096x16xf32, #tpu.memory_space<hbm>>) dst(%dma_wait3A_232 : memref<128x16xf32, #tpu.memory_space<vmem>>)
      %dma_wait3A_239 = arith.constant 0 : i32
      %dma_wait3A_240 = arith.constant 0 : i32
      %dma_wait3A_241 = arith.constant 0 : i32
      %dma_wait3A_242 = tpu.memref_slice %arg11[%dma_wait3A_240, %dma_wait3A_241] : memref<768x16xf32, #tpu.memory_space<vmem>> -> memref<128x16xf32, #tpu.memory_space<vmem>>
      %dma_wait3A_243 = arith.constant 0 : i32
      %dma_wait3A_244 = tpu.memref_slice %arg8[%dma_wait3A_239, %dma_wait3A_243] : memref<6x128xi32, #tpu.memory_space<vmem>> -> memref<1x128xi32, #tpu.memory_space<vmem>>
      %dma_wait3A_245 = tpu.memref_squeeze %dma_wait3A_244 : memref<1x128xi32, #tpu.memory_space<vmem>> -> memref<128xi32, #tpu.memory_space<vmem>>
      %dma_wait3A_246 = arith.constant 0 : i32
      %dma_wait3A_247 = arith.constant 0 : i32
      %dma_wait3A_248 = tpu.memref_slice %arg2[%dma_wait3A_246, %dma_wait3A_247] : memref<100096x16xf32, #tpu.memory_space<hbm>> -> memref<100096x16xf32, #tpu.memory_space<hbm>>
      tpu.wait_indirect_dma semaphore(%arg20 : memref<!tpu.dma_semaphore, #tpu.memory_space<semaphore_mem>>) src(%dma_wait3A_248 : memref<100096x16xf32, #tpu.memory_space<hbm>>) dst(%dma_wait3A_242 : memref<128x16xf32, #tpu.memory_space<vmem>>)
      %dma_wait3A_249 = arith.constant 1 : i32
      %dma_wait3A_250 = arith.constant 128 : i32
      %dma_wait3A_251 = arith.constant 0 : i32
      %dma_wait3A_252 = tpu.memref_slice %arg10[%dma_wait3A_250, %dma_wait3A_251] : memref<768x16xf32, #tpu.memory_space<vmem>> -> memref<128x16xf32, #tpu.memory_space<vmem>>
      %dma_wait3A_253 = arith.constant 0 : i32
      %dma_wait3A_254 = tpu.memref_slice %arg7[%dma_wait3A_249, %dma_wait3A_253] : memref<6x128xi32, #tpu.memory_space<vmem>> -> memref<1x128xi32, #tpu.memory_space<vmem>>
      %dma_wait3A_255 = tpu.memref_squeeze %dma_wait3A_254 : memref<1x128xi32, #tpu.memory_space<vmem>> -> memref<128xi32, #tpu.memory_space<vmem>>
      %dma_wait3A_256 = arith.constant 0 : i32
      %dma_wait3A_257 = arith.constant 0 : i32
      %dma_wait3A_258 = tpu.memref_slice %arg2[%dma_wait3A_256, %dma_wait3A_257] : memref<100096x16xf32, #tpu.memory_space<hbm>> -> memref<100096x16xf32, #tpu.memory_space<hbm>>
      tpu.wait_indirect_dma semaphore(%arg20 : memref<!tpu.dma_semaphore, #tpu.memory_space<semaphore_mem>>) src(%dma_wait3A_258 : memref<100096x16xf32, #tpu.memory_space<hbm>>) dst(%dma_wait3A_252 : memref<128x16xf32, #tpu.memory_space<vmem>>)
      %dma_wait3A_259 = arith.constant 1 : i32
      %dma_wait3A_260 = arith.constant 128 : i32
      %dma_wait3A_261 = arith.constant 0 : i32
      %dma_wait3A_262 = tpu.memref_slice %arg11[%dma_wait3A_260, %dma_wait3A_261] : memref<768x16xf32, #tpu.memory_space<vmem>> -> memref<128x16xf32, #tpu.memory_space<vmem>>
      %dma_wait3A_263 = arith.constant 0 : i32
      %dma_wait3A_264 = tpu.memref_slice %arg8[%dma_wait3A_259, %dma_wait3A_263] : memref<6x128xi32, #tpu.memory_space<vmem>> -> memref<1x128xi32, #tpu.memory_space<vmem>>
      %dma_wait3A_265 = tpu.memref_squeeze %dma_wait3A_264 : memref<1x128xi32, #tpu.memory_space<vmem>> -> memref<128xi32, #tpu.memory_space<vmem>>
      %dma_wait3A_266 = arith.constant 0 : i32
      %dma_wait3A_267 = arith.constant 0 : i32
      %dma_wait3A_268 = tpu.memref_slice %arg2[%dma_wait3A_266, %dma_wait3A_267] : memref<100096x16xf32, #tpu.memory_space<hbm>> -> memref<100096x16xf32, #tpu.memory_space<hbm>>
      tpu.wait_indirect_dma semaphore(%arg20 : memref<!tpu.dma_semaphore, #tpu.memory_space<semaphore_mem>>) src(%dma_wait3A_268 : memref<100096x16xf32, #tpu.memory_space<hbm>>) dst(%dma_wait3A_262 : memref<128x16xf32, #tpu.memory_space<vmem>>)
      %dma_wait3A_269 = arith.constant 2 : i32
      %dma_wait3A_270 = arith.constant 256 : i32
      %dma_wait3A_271 = arith.constant 0 : i32
      %dma_wait3A_272 = tpu.memref_slice %arg10[%dma_wait3A_270, %dma_wait3A_271] : memref<768x16xf32, #tpu.memory_space<vmem>> -> memref<128x16xf32, #tpu.memory_space<vmem>>
      %dma_wait3A_273 = arith.constant 0 : i32
      %dma_wait3A_274 = tpu.memref_slice %arg7[%dma_wait3A_269, %dma_wait3A_273] : memref<6x128xi32, #tpu.memory_space<vmem>> -> memref<1x128xi32, #tpu.memory_space<vmem>>
      %dma_wait3A_275 = tpu.memref_squeeze %dma_wait3A_274 : memref<1x128xi32, #tpu.memory_space<vmem>> -> memref<128xi32, #tpu.memory_space<vmem>>
      %dma_wait3A_276 = arith.constant 0 : i32
      %dma_wait3A_277 = arith.constant 0 : i32
      %dma_wait3A_278 = tpu.memref_slice %arg2[%dma_wait3A_276, %dma_wait3A_277] : memref<100096x16xf32, #tpu.memory_space<hbm>> -> memref<100096x16xf32, #tpu.memory_space<hbm>>
      tpu.wait_indirect_dma semaphore(%arg20 : memref<!tpu.dma_semaphore, #tpu.memory_space<semaphore_mem>>) src(%dma_wait3A_278 : memref<100096x16xf32, #tpu.memory_space<hbm>>) dst(%dma_wait3A_272 : memref<128x16xf32, #tpu.memory_space<vmem>>)
      %dma_wait3A_279 = arith.constant 2 : i32
      %dma_wait3A_280 = arith.constant 256 : i32
      %dma_wait3A_281 = arith.constant 0 : i32
      %dma_wait3A_282 = tpu.memref_slice %arg11[%dma_wait3A_280, %dma_wait3A_281] : memref<768x16xf32, #tpu.memory_space<vmem>> -> memref<128x16xf32, #tpu.memory_space<vmem>>
      %dma_wait3A_283 = arith.constant 0 : i32
      %dma_wait3A_284 = tpu.memref_slice %arg8[%dma_wait3A_279, %dma_wait3A_283] : memref<6x128xi32, #tpu.memory_space<vmem>> -> memref<1x128xi32, #tpu.memory_space<vmem>>
      %dma_wait3A_285 = tpu.memref_squeeze %dma_wait3A_284 : memref<1x128xi32, #tpu.memory_space<vmem>> -> memref<128xi32, #tpu.memory_space<vmem>>
      %dma_wait3A_286 = arith.constant 0 : i32
      %dma_wait3A_287 = arith.constant 0 : i32
      %dma_wait3A_288 = tpu.memref_slice %arg2[%dma_wait3A_286, %dma_wait3A_287] : memref<100096x16xf32, #tpu.memory_space<hbm>> -> memref<100096x16xf32, #tpu.memory_space<hbm>>
      tpu.wait_indirect_dma semaphore(%arg20 : memref<!tpu.dma_semaphore, #tpu.memory_space<semaphore_mem>>) src(%dma_wait3A_288 : memref<100096x16xf32, #tpu.memory_space<hbm>>) dst(%dma_wait3A_282 : memref<128x16xf32, #tpu.memory_space<vmem>>)
      %dma_wait3A_289 = arith.constant 3 : i32
      %dma_wait3A_290 = arith.constant 384 : i32
      %dma_wait3A_291 = arith.constant 0 : i32
      %dma_wait3A_292 = tpu.memref_slice %arg10[%dma_wait3A_290, %dma_wait3A_291] : memref<768x16xf32, #tpu.memory_space<vmem>> -> memref<128x16xf32, #tpu.memory_space<vmem>>
      %dma_wait3A_293 = arith.constant 0 : i32
      %dma_wait3A_294 = tpu.memref_slice %arg7[%dma_wait3A_289, %dma_wait3A_293] : memref<6x128xi32, #tpu.memory_space<vmem>> -> memref<1x128xi32, #tpu.memory_space<vmem>>
      %dma_wait3A_295 = tpu.memref_squeeze %dma_wait3A_294 : memref<1x128xi32, #tpu.memory_space<vmem>> -> memref<128xi32, #tpu.memory_space<vmem>>
      %dma_wait3A_296 = arith.constant 0 : i32
      %dma_wait3A_297 = arith.constant 0 : i32
      %dma_wait3A_298 = tpu.memref_slice %arg2[%dma_wait3A_296, %dma_wait3A_297] : memref<100096x16xf32, #tpu.memory_space<hbm>> -> memref<100096x16xf32, #tpu.memory_space<hbm>>
      tpu.wait_indirect_dma semaphore(%arg20 : memref<!tpu.dma_semaphore, #tpu.memory_space<semaphore_mem>>) src(%dma_wait3A_298 : memref<100096x16xf32, #tpu.memory_space<hbm>>) dst(%dma_wait3A_292 : memref<128x16xf32, #tpu.memory_space<vmem>>)
      %dma_wait3A_299 = arith.constant 3 : i32
      %dma_wait3A_300 = arith.constant 384 : i32
      %dma_wait3A_301 = arith.constant 0 : i32
      %dma_wait3A_302 = tpu.memref_slice %arg11[%dma_wait3A_300, %dma_wait3A_301] : memref<768x16xf32, #tpu.memory_space<vmem>> -> memref<128x16xf32, #tpu.memory_space<vmem>>
      %dma_wait3A_303 = arith.constant 0 : i32
      %dma_wait3A_304 = tpu.memref_slice %arg8[%dma_wait3A_299, %dma_wait3A_303] : memref<6x128xi32, #tpu.memory_space<vmem>> -> memref<1x128xi32, #tpu.memory_space<vmem>>
      %dma_wait3A_305 = tpu.memref_squeeze %dma_wait3A_304 : memref<1x128xi32, #tpu.memory_space<vmem>> -> memref<128xi32, #tpu.memory_space<vmem>>
      %dma_wait3A_306 = arith.constant 0 : i32
      %dma_wait3A_307 = arith.constant 0 : i32
      %dma_wait3A_308 = tpu.memref_slice %arg2[%dma_wait3A_306, %dma_wait3A_307] : memref<100096x16xf32, #tpu.memory_space<hbm>> -> memref<100096x16xf32, #tpu.memory_space<hbm>>
      tpu.wait_indirect_dma semaphore(%arg20 : memref<!tpu.dma_semaphore, #tpu.memory_space<semaphore_mem>>) src(%dma_wait3A_308 : memref<100096x16xf32, #tpu.memory_space<hbm>>) dst(%dma_wait3A_302 : memref<128x16xf32, #tpu.memory_space<vmem>>)
      %dma_wait3A_309 = arith.constant 4 : i32
      %dma_wait3A_310 = arith.constant 512 : i32
      %dma_wait3A_311 = arith.constant 0 : i32
      %dma_wait3A_312 = tpu.memref_slice %arg10[%dma_wait3A_310, %dma_wait3A_311] : memref<768x16xf32, #tpu.memory_space<vmem>> -> memref<128x16xf32, #tpu.memory_space<vmem>>
      %dma_wait3A_313 = arith.constant 0 : i32
      %dma_wait3A_314 = tpu.memref_slice %arg7[%dma_wait3A_309, %dma_wait3A_313] : memref<6x128xi32, #tpu.memory_space<vmem>> -> memref<1x128xi32, #tpu.memory_space<vmem>>
      %dma_wait3A_315 = tpu.memref_squeeze %dma_wait3A_314 : memref<1x128xi32, #tpu.memory_space<vmem>> -> memref<128xi32, #tpu.memory_space<vmem>>
      %dma_wait3A_316 = arith.constant 0 : i32
      %dma_wait3A_317 = arith.constant 0 : i32
      %dma_wait3A_318 = tpu.memref_slice %arg2[%dma_wait3A_316, %dma_wait3A_317] : memref<100096x16xf32, #tpu.memory_space<hbm>> -> memref<100096x16xf32, #tpu.memory_space<hbm>>
      tpu.wait_indirect_dma semaphore(%arg20 : memref<!tpu.dma_semaphore, #tpu.memory_space<semaphore_mem>>) src(%dma_wait3A_318 : memref<100096x16xf32, #tpu.memory_space<hbm>>) dst(%dma_wait3A_312 : memref<128x16xf32, #tpu.memory_space<vmem>>)
      %dma_wait3A_319 = arith.constant 4 : i32
      %dma_wait3A_320 = arith.constant 512 : i32
      %dma_wait3A_321 = arith.constant 0 : i32
      %dma_wait3A_322 = tpu.memref_slice %arg11[%dma_wait3A_320, %dma_wait3A_321] : memref<768x16xf32, #tpu.memory_space<vmem>> -> memref<128x16xf32, #tpu.memory_space<vmem>>
      %dma_wait3A_323 = arith.constant 0 : i32
      %dma_wait3A_324 = tpu.memref_slice %arg8[%dma_wait3A_319, %dma_wait3A_323] : memref<6x128xi32, #tpu.memory_space<vmem>> -> memref<1x128xi32, #tpu.memory_space<vmem>>
      %dma_wait3A_325 = tpu.memref_squeeze %dma_wait3A_324 : memref<1x128xi32, #tpu.memory_space<vmem>> -> memref<128xi32, #tpu.memory_space<vmem>>
      %dma_wait3A_326 = arith.constant 0 : i32
      %dma_wait3A_327 = arith.constant 0 : i32
      %dma_wait3A_328 = tpu.memref_slice %arg2[%dma_wait3A_326, %dma_wait3A_327] : memref<100096x16xf32, #tpu.memory_space<hbm>> -> memref<100096x16xf32, #tpu.memory_space<hbm>>
      tpu.wait_indirect_dma semaphore(%arg20 : memref<!tpu.dma_semaphore, #tpu.memory_space<semaphore_mem>>) src(%dma_wait3A_328 : memref<100096x16xf32, #tpu.memory_space<hbm>>) dst(%dma_wait3A_322 : memref<128x16xf32, #tpu.memory_space<vmem>>)
      %dma_wait3A_329 = arith.constant 5 : i32
      %dma_wait3A_330 = arith.constant 640 : i32
      %dma_wait3A_331 = arith.constant 0 : i32
      %dma_wait3A_332 = tpu.memref_slice %arg10[%dma_wait3A_330, %dma_wait3A_331] : memref<768x16xf32, #tpu.memory_space<vmem>> -> memref<128x16xf32, #tpu.memory_space<vmem>>
      %dma_wait3A_333 = arith.constant 0 : i32
      %dma_wait3A_334 = tpu.memref_slice %arg7[%dma_wait3A_329, %dma_wait3A_333] : memref<6x128xi32, #tpu.memory_space<vmem>> -> memref<1x128xi32, #tpu.memory_space<vmem>>
      %dma_wait3A_335 = tpu.memref_squeeze %dma_wait3A_334 : memref<1x128xi32, #tpu.memory_space<vmem>> -> memref<128xi32, #tpu.memory_space<vmem>>
      %dma_wait3A_336 = arith.constant 0 : i32
      %dma_wait3A_337 = arith.constant 0 : i32
      %dma_wait3A_338 = tpu.memref_slice %arg2[%dma_wait3A_336, %dma_wait3A_337] : memref<100096x16xf32, #tpu.memory_space<hbm>> -> memref<100096x16xf32, #tpu.memory_space<hbm>>
      tpu.wait_indirect_dma semaphore(%arg20 : memref<!tpu.dma_semaphore, #tpu.memory_space<semaphore_mem>>) src(%dma_wait3A_338 : memref<100096x16xf32, #tpu.memory_space<hbm>>) dst(%dma_wait3A_332 : memref<128x16xf32, #tpu.memory_space<vmem>>)
      %dma_wait3A_339 = arith.constant 5 : i32
      %dma_wait3A_340 = arith.constant 640 : i32
      %dma_wait3A_341 = arith.constant 0 : i32
      %dma_wait3A_342 = tpu.memref_slice %arg11[%dma_wait3A_340, %dma_wait3A_341] : memref<768x16xf32, #tpu.memory_space<vmem>> -> memref<128x16xf32, #tpu.memory_space<vmem>>
      %dma_wait3A_343 = arith.constant 0 : i32
      %dma_wait3A_344 = tpu.memref_slice %arg8[%dma_wait3A_339, %dma_wait3A_343] : memref<6x128xi32, #tpu.memory_space<vmem>> -> memref<1x128xi32, #tpu.memory_space<vmem>>
      %dma_wait3A_345 = tpu.memref_squeeze %dma_wait3A_344 : memref<1x128xi32, #tpu.memory_space<vmem>> -> memref<128xi32, #tpu.memory_space<vmem>>
      %dma_wait3A_346 = arith.constant 0 : i32
      %dma_wait3A_347 = arith.constant 0 : i32
      %dma_wait3A_348 = tpu.memref_slice %arg2[%dma_wait3A_346, %dma_wait3A_347] : memref<100096x16xf32, #tpu.memory_space<hbm>> -> memref<100096x16xf32, #tpu.memory_space<hbm>>
      tpu.wait_indirect_dma semaphore(%arg20 : memref<!tpu.dma_semaphore, #tpu.memory_space<semaphore_mem>>) src(%dma_wait3A_348 : memref<100096x16xf32, #tpu.memory_space<hbm>>) dst(%dma_wait3A_342 : memref<128x16xf32, #tpu.memory_space<vmem>>)
      %add3A_349 = arith.constant 2 : i32
      %add3A_350 = arith.addi %mul3A_220, %add3A_349 : i32
      %lt3A_351 = arith.constant 132 : i32
      %lt3A_352 = arith.cmpi slt, %add3A_350, %lt3A_351 : i32
      %convert_element_type3A_353 = arith.extui %lt3A_352 : i1 to i32
      %cond3A_354 = arith.constant 0 : i32
      %cond3A_355 = arith.cmpi ne, %convert_element_type3A_353, %cond3A_354 : i32
      scf.if %cond3A_355 {
        %add3A_631 = arith.constant 2 : i32
        %add3A_632 = arith.addi %mul3A_220, %add3A_631 : i32
        %mul3A_633 = arith.constant 6 : i32
        %mul3A_634 = arith.muli %add3A_632, %mul3A_633 : i32
        %add3A_635 = arith.addi %mul3A_4, %mul3A_634 : i32
        %dma_start3A_636 = arith.constant 0 : i32
        %dma_start3A_637 = tpu.memref_slice %arg3[%add3A_635, %dma_start3A_636] : memref<25344x128xi32, #tpu.memory_space<hbm>> -> memref<6x128xi32, #tpu.memory_space<hbm>>
        %dma_start3A_638 = arith.constant 0 : i32
        %dma_start3A_639 = tpu.memref_slice %arg3[%add3A_635, %dma_start3A_638] : memref<25344x128xi32, #tpu.memory_space<hbm>> -> memref<6x128xi32, #tpu.memory_space<hbm>>
        tpu.enqueue_dma source(%dma_start3A_639 : memref<6x128xi32, #tpu.memory_space<hbm>>) target(%arg7 : memref<6x128xi32, #tpu.memory_space<vmem>>) target_semaphore(%arg22 : memref<!tpu.dma_semaphore, #tpu.memory_space<semaphore_mem>>)
        %dma_start3A_640 = arith.constant 0 : i32
        %dma_start3A_641 = tpu.memref_slice %arg4[%add3A_635, %dma_start3A_640] : memref<25344x128xi32, #tpu.memory_space<hbm>> -> memref<6x128xi32, #tpu.memory_space<hbm>>
        %dma_start3A_642 = arith.constant 0 : i32
        %dma_start3A_643 = tpu.memref_slice %arg4[%add3A_635, %dma_start3A_642] : memref<25344x128xi32, #tpu.memory_space<hbm>> -> memref<6x128xi32, #tpu.memory_space<hbm>>
        tpu.enqueue_dma source(%dma_start3A_643 : memref<6x128xi32, #tpu.memory_space<hbm>>) target(%arg8 : memref<6x128xi32, #tpu.memory_space<vmem>>) target_semaphore(%arg22 : memref<!tpu.dma_semaphore, #tpu.memory_space<semaphore_mem>>)
      } else {
      }
      %scan3A_356 = arith.constant 0 : i32
      %scan3A_357 = arith.constant 0 : i32
      %scan3A_358 = arith.constant 48 : i32
      %scan3A_359 = arith.addi %scan3A_357, %scan3A_358 : i32
      %scan3A_360 = arith.constant 1 : i32
      scf.for %scan3A_631 = %scan3A_357 to %scan3A_359 step %scan3A_360  : i32 {
        %mul3A_632 = arith.constant 16 : i32
        %mul3A_633 = arith.muli %scan3A_631, %mul3A_632 : i32
        %add3A_634 = vector.broadcast %mul3A_633 : i32 to vector<16xi32>
        %add3A_635 = arith.addi %add3A_634, %iota3A : vector<16xi32>
        %gather3A = tpu.vector_load_idx %arg10[%add3A_635, %broadcast_in_dim3A_5] : memref<768x16xf32, #tpu.memory_space<vmem>>[vector<16xi32>, vector<16xi32>], vector<16xf32>,
        %gather3A_636 = tpu.vector_load_idx %arg10[%add3A_635, %broadcast_in_dim3A_7] : memref<768x16xf32, #tpu.memory_space<vmem>>[vector<16xi32>, vector<16xi32>], vector<16xf32>,
        %gather3A_637 = tpu.vector_load_idx %arg10[%add3A_635, %broadcast_in_dim3A_9] : memref<768x16xf32, #tpu.memory_space<vmem>>[vector<16xi32>, vector<16xi32>], vector<16xf32>,
        %gather3A_638 = tpu.vector_load_idx %arg10[%add3A_635, %broadcast_in_dim3A_11] : memref<768x16xf32, #tpu.memory_space<vmem>>[vector<16xi32>, vector<16xi32>], vector<16xf32>,
        %gather3A_639 = tpu.vector_load_idx %arg11[%add3A_635, %broadcast_in_dim3A_5] : memref<768x16xf32, #tpu.memory_space<vmem>>[vector<16xi32>, vector<16xi32>], vector<16xf32>,
        %gather3A_640 = tpu.vector_load_idx %arg11[%add3A_635, %broadcast_in_dim3A_7] : memref<768x16xf32, #tpu.memory_space<vmem>>[vector<16xi32>, vector<16xi32>], vector<16xf32>,
        %gather3A_641 = tpu.vector_load_idx %arg11[%add3A_635, %broadcast_in_dim3A_13] : memref<768x16xf32, #tpu.memory_space<vmem>>[vector<16xi32>, vector<16xi32>], vector<16xf32>,
        %gather3A_642 = tpu.vector_load_idx %arg11[%add3A_635, %broadcast_in_dim3A_15] : memref<768x16xf32, #tpu.memory_space<vmem>>[vector<16xi32>, vector<16xi32>], vector<16xf32>,
        %sub3A = arith.subf %gather3A_639, %gather3A : vector<16xf32>
        %exp3A = math.exp %sub3A : vector<16xf32>
        %sub3A_643 = arith.subf %gather3A_640, %gather3A_636 : vector<16xf32>
        %exp3A_644 = math.exp %sub3A_643 : vector<16xf32>
        %add3A_645 = arith.addf %gather3A_637, %gather3A_641 : vector<16xf32>
        %add3A_646 = arith.addf %gather3A_638, %gather3A_642 : vector<16xf32>
        tpu.vector_store_idx %arg12[%add3A_635, %broadcast_in_dim3A_5], %exp3A : memref<768x8xf32, #tpu.memory_space<vmem>>[vector<16xi32>, vector<16xi32>], vector<16xf32>,
        tpu.vector_store_idx %arg12[%add3A_635, %broadcast_in_dim3A_7], %exp3A_644 : memref<768x8xf32, #tpu.memory_space<vmem>>[vector<16xi32>, vector<16xi32>], vector<16xf32>,
        %mul3A_647 = arith.mulf %exp3A, %add3A_645 : vector<16xf32>
        tpu.vector_store_idx %arg12[%add3A_635, %broadcast_in_dim3A_9], %mul3A_647 : memref<768x8xf32, #tpu.memory_space<vmem>>[vector<16xi32>, vector<16xi32>], vector<16xf32>,
        %mul3A_648 = arith.mulf %exp3A_644, %add3A_646 : vector<16xf32>
        tpu.vector_store_idx %arg12[%add3A_635, %broadcast_in_dim3A_11], %mul3A_648 : memref<768x8xf32, #tpu.memory_space<vmem>>[vector<16xi32>, vector<16xi32>], vector<16xf32>,
      }
      %scan3A_361 = arith.constant 48 : i32
      %dma_start3A_362 = arith.constant 0 : i32
      %dma_start3A_363 = arith.constant 0 : i32
      %dma_start3A_364 = arith.constant 0 : i32
      %dma_start3A_365 = tpu.memref_slice %arg12[%dma_start3A_363, %dma_start3A_364] : memref<768x8xf32, #tpu.memory_space<vmem>> -> memref<128x8xf32, #tpu.memory_space<vmem>>
      %dma_start3A_366 = arith.constant 0 : i32
      %dma_start3A_367 = tpu.memref_slice %arg9[%dma_start3A_362, %dma_start3A_366] : memref<6x128xi32, #tpu.memory_space<vmem>> -> memref<1x128xi32, #tpu.memory_space<vmem>>
      %dma_start3A_368 = tpu.memref_squeeze %dma_start3A_367 : memref<1x128xi32, #tpu.memory_space<vmem>> -> memref<128xi32, #tpu.memory_space<vmem>>
      %dma_start3A_369 = arith.constant 0 : i32
      %dma_start3A_370 = arith.constant 0 : i32
      %dma_start3A_371 = tpu.memref_slice %arg19[%dma_start3A_369, %dma_start3A_370] : memref<100096x8xf32, #tpu.memory_space<vmem_shared>> -> memref<100096x8xf32, #tpu.memory_space<vmem_shared>>
      tpu.enqueue_indirect_dma source(%dma_start3A_365 : memref<128x8xf32, #tpu.memory_space<vmem>>) target(%dma_start3A_371 : memref<100096x8xf32, #tpu.memory_space<vmem_shared>>) offsets(%dma_start3A_368 : memref<128xi32, #tpu.memory_space<vmem>>) semaphore(%arg23 : memref<!tpu.dma_semaphore, #tpu.memory_space<semaphore_mem>>) {add = true}
      %dma_start3A_372 = arith.constant 1 : i32
      %dma_start3A_373 = arith.constant 128 : i32
      %dma_start3A_374 = arith.constant 0 : i32
      %dma_start3A_375 = tpu.memref_slice %arg12[%dma_start3A_373, %dma_start3A_374] : memref<768x8xf32, #tpu.memory_space<vmem>> -> memref<128x8xf32, #tpu.memory_space<vmem>>
      %dma_start3A_376 = arith.constant 0 : i32
      %dma_start3A_377 = tpu.memref_slice %arg9[%dma_start3A_372, %dma_start3A_376] : memref<6x128xi32, #tpu.memory_space<vmem>> -> memref<1x128xi32, #tpu.memory_space<vmem>>
      %dma_start3A_378 = tpu.memref_squeeze %dma_start3A_377 : memref<1x128xi32, #tpu.memory_space<vmem>> -> memref<128xi32, #tpu.memory_space<vmem>>
      %dma_start3A_379 = arith.constant 0 : i32
      %dma_start3A_380 = arith.constant 0 : i32
      %dma_start3A_381 = tpu.memref_slice %arg19[%dma_start3A_379, %dma_start3A_380] : memref<100096x8xf32, #tpu.memory_space<vmem_shared>> -> memref<100096x8xf32, #tpu.memory_space<vmem_shared>>
      tpu.enqueue_indirect_dma source(%dma_start3A_375 : memref<128x8xf32, #tpu.memory_space<vmem>>) target(%dma_start3A_381 : memref<100096x8xf32, #tpu.memory_space<vmem_shared>>) offsets(%dma_start3A_378 : memref<128xi32, #tpu.memory_space<vmem>>) semaphore(%arg23 : memref<!tpu.dma_semaphore, #tpu.memory_space<semaphore_mem>>) {add = true}
      %dma_start3A_382 = arith.constant 2 : i32
      %dma_start3A_383 = arith.constant 256 : i32
      %dma_start3A_384 = arith.constant 0 : i32
      %dma_start3A_385 = tpu.memref_slice %arg12[%dma_start3A_383, %dma_start3A_384] : memref<768x8xf32, #tpu.memory_space<vmem>> -> memref<128x8xf32, #tpu.memory_space<vmem>>
      %dma_start3A_386 = arith.constant 0 : i32
      %dma_start3A_387 = tpu.memref_slice %arg9[%dma_start3A_382, %dma_start3A_386] : memref<6x128xi32, #tpu.memory_space<vmem>> -> memref<1x128xi32, #tpu.memory_space<vmem>>
      %dma_start3A_388 = tpu.memref_squeeze %dma_start3A_387 : memref<1x128xi32, #tpu.memory_space<vmem>> -> memref<128xi32, #tpu.memory_space<vmem>>
      %dma_start3A_389 = arith.constant 0 : i32
      %dma_start3A_390 = arith.constant 0 : i32
      %dma_start3A_391 = tpu.memref_slice %arg19[%dma_start3A_389, %dma_start3A_390] : memref<100096x8xf32, #tpu.memory_space<vmem_shared>> -> memref<100096x8xf32, #tpu.memory_space<vmem_shared>>
      tpu.enqueue_indirect_dma source(%dma_start3A_385 : memref<128x8xf32, #tpu.memory_space<vmem>>) target(%dma_start3A_391 : memref<100096x8xf32, #tpu.memory_space<vmem_shared>>) offsets(%dma_start3A_388 : memref<128xi32, #tpu.memory_space<vmem>>) semaphore(%arg23 : memref<!tpu.dma_semaphore, #tpu.memory_space<semaphore_mem>>) {add = true}
      %dma_start3A_392 = arith.constant 3 : i32
      %dma_start3A_393 = arith.constant 384 : i32
      %dma_start3A_394 = arith.constant 0 : i32
      %dma_start3A_395 = tpu.memref_slice %arg12[%dma_start3A_393, %dma_start3A_394] : memref<768x8xf32, #tpu.memory_space<vmem>> -> memref<128x8xf32, #tpu.memory_space<vmem>>
      %dma_start3A_396 = arith.constant 0 : i32
      %dma_start3A_397 = tpu.memref_slice %arg9[%dma_start3A_392, %dma_start3A_396] : memref<6x128xi32, #tpu.memory_space<vmem>> -> memref<1x128xi32, #tpu.memory_space<vmem>>
      %dma_start3A_398 = tpu.memref_squeeze %dma_start3A_397 : memref<1x128xi32, #tpu.memory_space<vmem>> -> memref<128xi32, #tpu.memory_space<vmem>>
      %dma_start3A_399 = arith.constant 0 : i32
      %dma_start3A_400 = arith.constant 0 : i32
      %dma_start3A_401 = tpu.memref_slice %arg19[%dma_start3A_399, %dma_start3A_400] : memref<100096x8xf32, #tpu.memory_space<vmem_shared>> -> memref<100096x8xf32, #tpu.memory_space<vmem_shared>>
      tpu.enqueue_indirect_dma source(%dma_start3A_395 : memref<128x8xf32, #tpu.memory_space<vmem>>) target(%dma_start3A_401 : memref<100096x8xf32, #tpu.memory_space<vmem_shared>>) offsets(%dma_start3A_398 : memref<128xi32, #tpu.memory_space<vmem>>) semaphore(%arg23 : memref<!tpu.dma_semaphore, #tpu.memory_space<semaphore_mem>>) {add = true}
      %dma_start3A_402 = arith.constant 4 : i32
      %dma_start3A_403 = arith.constant 512 : i32
      %dma_start3A_404 = arith.constant 0 : i32
      %dma_start3A_405 = tpu.memref_slice %arg12[%dma_start3A_403, %dma_start3A_404] : memref<768x8xf32, #tpu.memory_space<vmem>> -> memref<128x8xf32, #tpu.memory_space<vmem>>
      %dma_start3A_406 = arith.constant 0 : i32
      %dma_start3A_407 = tpu.memref_slice %arg9[%dma_start3A_402, %dma_start3A_406] : memref<6x128xi32, #tpu.memory_space<vmem>> -> memref<1x128xi32, #tpu.memory_space<vmem>>
      %dma_start3A_408 = tpu.memref_squeeze %dma_start3A_407 : memref<1x128xi32, #tpu.memory_space<vmem>> -> memref<128xi32, #tpu.memory_space<vmem>>
      %dma_start3A_409 = arith.constant 0 : i32
      %dma_start3A_410 = arith.constant 0 : i32
      %dma_start3A_411 = tpu.memref_slice %arg19[%dma_start3A_409, %dma_start3A_410] : memref<100096x8xf32, #tpu.memory_space<vmem_shared>> -> memref<100096x8xf32, #tpu.memory_space<vmem_shared>>
      tpu.enqueue_indirect_dma source(%dma_start3A_405 : memref<128x8xf32, #tpu.memory_space<vmem>>) target(%dma_start3A_411 : memref<100096x8xf32, #tpu.memory_space<vmem_shared>>) offsets(%dma_start3A_408 : memref<128xi32, #tpu.memory_space<vmem>>) semaphore(%arg23 : memref<!tpu.dma_semaphore, #tpu.memory_space<semaphore_mem>>) {add = true}
      %dma_start3A_412 = arith.constant 5 : i32
      %dma_start3A_413 = arith.constant 640 : i32
      %dma_start3A_414 = arith.constant 0 : i32
      %dma_start3A_415 = tpu.memref_slice %arg12[%dma_start3A_413, %dma_start3A_414] : memref<768x8xf32, #tpu.memory_space<vmem>> -> memref<128x8xf32, #tpu.memory_space<vmem>>
      %dma_start3A_416 = arith.constant 0 : i32
      %dma_start3A_417 = tpu.memref_slice %arg9[%dma_start3A_412, %dma_start3A_416] : memref<6x128xi32, #tpu.memory_space<vmem>> -> memref<1x128xi32, #tpu.memory_space<vmem>>
      %dma_start3A_418 = tpu.memref_squeeze %dma_start3A_417 : memref<1x128xi32, #tpu.memory_space<vmem>> -> memref<128xi32, #tpu.memory_space<vmem>>
      %dma_start3A_419 = arith.constant 0 : i32
      %dma_start3A_420 = arith.constant 0 : i32
      %dma_start3A_421 = tpu.memref_slice %arg19[%dma_start3A_419, %dma_start3A_420] : memref<100096x8xf32, #tpu.memory_space<vmem_shared>> -> memref<100096x8xf32, #tpu.memory_space<vmem_shared>>
      tpu.enqueue_indirect_dma source(%dma_start3A_415 : memref<128x8xf32, #tpu.memory_space<vmem>>) target(%dma_start3A_421 : memref<100096x8xf32, #tpu.memory_space<vmem_shared>>) offsets(%dma_start3A_418 : memref<128xi32, #tpu.memory_space<vmem>>) semaphore(%arg23 : memref<!tpu.dma_semaphore, #tpu.memory_space<semaphore_mem>>) {add = true}
      %mul3A_422 = arith.constant 2 : i32
      %mul3A_423 = arith.muli %mul3A_422, %scan3A_218 : i32
      %add3A_424 = arith.constant 1 : i32
      %add3A_425 = arith.addi %mul3A_423, %add3A_424 : i32
      %gt3A_426 = arith.constant 0 : i32
      %gt3A_427 = arith.cmpi sgt, %add3A_425, %gt3A_426 : i32
      %convert_element_type3A_428 = arith.extui %gt3A_427 : i1 to i32
      %cond3A_429 = arith.constant 0 : i32
      %cond3A_430 = arith.cmpi ne, %convert_element_type3A_428, %cond3A_429 : i32
      scf.if %cond3A_430 {
        %dma_wait3A_631 = arith.constant 0 : i32
        %dma_wait3A_632 = arith.constant 0 : i32
        %dma_wait3A_633 = arith.constant 0 : i32
        %dma_wait3A_634 = tpu.memref_slice %arg12[%dma_wait3A_632, %dma_wait3A_633] : memref<768x8xf32, #tpu.memory_space<vmem>> -> memref<128x8xf32, #tpu.memory_space<vmem>>
        %dma_wait3A_635 = arith.constant 0 : i32
        %dma_wait3A_636 = tpu.memref_slice %arg9[%dma_wait3A_631, %dma_wait3A_635] : memref<6x128xi32, #tpu.memory_space<vmem>> -> memref<1x128xi32, #tpu.memory_space<vmem>>
        %dma_wait3A_637 = tpu.memref_squeeze %dma_wait3A_636 : memref<1x128xi32, #tpu.memory_space<vmem>> -> memref<128xi32, #tpu.memory_space<vmem>>
        %dma_wait3A_638 = arith.constant 0 : i32
        %dma_wait3A_639 = arith.constant 0 : i32
        %dma_wait3A_640 = tpu.memref_slice %arg19[%dma_wait3A_638, %dma_wait3A_639] : memref<100096x8xf32, #tpu.memory_space<vmem_shared>> -> memref<100096x8xf32, #tpu.memory_space<vmem_shared>>
        tpu.wait_indirect_dma semaphore(%arg23 : memref<!tpu.dma_semaphore, #tpu.memory_space<semaphore_mem>>) src(%dma_wait3A_634 : memref<128x8xf32, #tpu.memory_space<vmem>>) dst(%dma_wait3A_640 : memref<100096x8xf32, #tpu.memory_space<vmem_shared>>)
        %dma_wait3A_641 = arith.constant 1 : i32
        %dma_wait3A_642 = arith.constant 128 : i32
        %dma_wait3A_643 = arith.constant 0 : i32
        %dma_wait3A_644 = tpu.memref_slice %arg12[%dma_wait3A_642, %dma_wait3A_643] : memref<768x8xf32, #tpu.memory_space<vmem>> -> memref<128x8xf32, #tpu.memory_space<vmem>>
        %dma_wait3A_645 = arith.constant 0 : i32
        %dma_wait3A_646 = tpu.memref_slice %arg9[%dma_wait3A_641, %dma_wait3A_645] : memref<6x128xi32, #tpu.memory_space<vmem>> -> memref<1x128xi32, #tpu.memory_space<vmem>>
        %dma_wait3A_647 = tpu.memref_squeeze %dma_wait3A_646 : memref<1x128xi32, #tpu.memory_space<vmem>> -> memref<128xi32, #tpu.memory_space<vmem>>
        %dma_wait3A_648 = arith.constant 0 : i32
        %dma_wait3A_649 = arith.constant 0 : i32
        %dma_wait3A_650 = tpu.memref_slice %arg19[%dma_wait3A_648, %dma_wait3A_649] : memref<100096x8xf32, #tpu.memory_space<vmem_shared>> -> memref<100096x8xf32, #tpu.memory_space<vmem_shared>>
        tpu.wait_indirect_dma semaphore(%arg23 : memref<!tpu.dma_semaphore, #tpu.memory_space<semaphore_mem>>) src(%dma_wait3A_644 : memref<128x8xf32, #tpu.memory_space<vmem>>) dst(%dma_wait3A_650 : memref<100096x8xf32, #tpu.memory_space<vmem_shared>>)
        %dma_wait3A_651 = arith.constant 2 : i32
        %dma_wait3A_652 = arith.constant 256 : i32
        %dma_wait3A_653 = arith.constant 0 : i32
        %dma_wait3A_654 = tpu.memref_slice %arg12[%dma_wait3A_652, %dma_wait3A_653] : memref<768x8xf32, #tpu.memory_space<vmem>> -> memref<128x8xf32, #tpu.memory_space<vmem>>
        %dma_wait3A_655 = arith.constant 0 : i32
        %dma_wait3A_656 = tpu.memref_slice %arg9[%dma_wait3A_651, %dma_wait3A_655] : memref<6x128xi32, #tpu.memory_space<vmem>> -> memref<1x128xi32, #tpu.memory_space<vmem>>
        %dma_wait3A_657 = tpu.memref_squeeze %dma_wait3A_656 : memref<1x128xi32, #tpu.memory_space<vmem>> -> memref<128xi32, #tpu.memory_space<vmem>>
        %dma_wait3A_658 = arith.constant 0 : i32
        %dma_wait3A_659 = arith.constant 0 : i32
        %dma_wait3A_660 = tpu.memref_slice %arg19[%dma_wait3A_658, %dma_wait3A_659] : memref<100096x8xf32, #tpu.memory_space<vmem_shared>> -> memref<100096x8xf32, #tpu.memory_space<vmem_shared>>
        tpu.wait_indirect_dma semaphore(%arg23 : memref<!tpu.dma_semaphore, #tpu.memory_space<semaphore_mem>>) src(%dma_wait3A_654 : memref<128x8xf32, #tpu.memory_space<vmem>>) dst(%dma_wait3A_660 : memref<100096x8xf32, #tpu.memory_space<vmem_shared>>)
        %dma_wait3A_661 = arith.constant 3 : i32
        %dma_wait3A_662 = arith.constant 384 : i32
        %dma_wait3A_663 = arith.constant 0 : i32
        %dma_wait3A_664 = tpu.memref_slice %arg12[%dma_wait3A_662, %dma_wait3A_663] : memref<768x8xf32, #tpu.memory_space<vmem>> -> memref<128x8xf32, #tpu.memory_space<vmem>>
        %dma_wait3A_665 = arith.constant 0 : i32
        %dma_wait3A_666 = tpu.memref_slice %arg9[%dma_wait3A_661, %dma_wait3A_665] : memref<6x128xi32, #tpu.memory_space<vmem>> -> memref<1x128xi32, #tpu.memory_space<vmem>>
        %dma_wait3A_667 = tpu.memref_squeeze %dma_wait3A_666 : memref<1x128xi32, #tpu.memory_space<vmem>> -> memref<128xi32, #tpu.memory_space<vmem>>
        %dma_wait3A_668 = arith.constant 0 : i32
        %dma_wait3A_669 = arith.constant 0 : i32
        %dma_wait3A_670 = tpu.memref_slice %arg19[%dma_wait3A_668, %dma_wait3A_669] : memref<100096x8xf32, #tpu.memory_space<vmem_shared>> -> memref<100096x8xf32, #tpu.memory_space<vmem_shared>>
        tpu.wait_indirect_dma semaphore(%arg23 : memref<!tpu.dma_semaphore, #tpu.memory_space<semaphore_mem>>) src(%dma_wait3A_664 : memref<128x8xf32, #tpu.memory_space<vmem>>) dst(%dma_wait3A_670 : memref<100096x8xf32, #tpu.memory_space<vmem_shared>>)
        %dma_wait3A_671 = arith.constant 4 : i32
        %dma_wait3A_672 = arith.constant 512 : i32
        %dma_wait3A_673 = arith.constant 0 : i32
        %dma_wait3A_674 = tpu.memref_slice %arg12[%dma_wait3A_672, %dma_wait3A_673] : memref<768x8xf32, #tpu.memory_space<vmem>> -> memref<128x8xf32, #tpu.memory_space<vmem>>
        %dma_wait3A_675 = arith.constant 0 : i32
        %dma_wait3A_676 = tpu.memref_slice %arg9[%dma_wait3A_671, %dma_wait3A_675] : memref<6x128xi32, #tpu.memory_space<vmem>> -> memref<1x128xi32, #tpu.memory_space<vmem>>
        %dma_wait3A_677 = tpu.memref_squeeze %dma_wait3A_676 : memref<1x128xi32, #tpu.memory_space<vmem>> -> memref<128xi32, #tpu.memory_space<vmem>>
        %dma_wait3A_678 = arith.constant 0 : i32
        %dma_wait3A_679 = arith.constant 0 : i32
        %dma_wait3A_680 = tpu.memref_slice %arg19[%dma_wait3A_678, %dma_wait3A_679] : memref<100096x8xf32, #tpu.memory_space<vmem_shared>> -> memref<100096x8xf32, #tpu.memory_space<vmem_shared>>
        tpu.wait_indirect_dma semaphore(%arg23 : memref<!tpu.dma_semaphore, #tpu.memory_space<semaphore_mem>>) src(%dma_wait3A_674 : memref<128x8xf32, #tpu.memory_space<vmem>>) dst(%dma_wait3A_680 : memref<100096x8xf32, #tpu.memory_space<vmem_shared>>)
        %dma_wait3A_681 = arith.constant 5 : i32
        %dma_wait3A_682 = arith.constant 640 : i32
        %dma_wait3A_683 = arith.constant 0 : i32
        %dma_wait3A_684 = tpu.memref_slice %arg12[%dma_wait3A_682, %dma_wait3A_683] : memref<768x8xf32, #tpu.memory_space<vmem>> -> memref<128x8xf32, #tpu.memory_space<vmem>>
        %dma_wait3A_685 = arith.constant 0 : i32
        %dma_wait3A_686 = tpu.memref_slice %arg9[%dma_wait3A_681, %dma_wait3A_685] : memref<6x128xi32, #tpu.memory_space<vmem>> -> memref<1x128xi32, #tpu.memory_space<vmem>>
        %dma_wait3A_687 = tpu.memref_squeeze %dma_wait3A_686 : memref<1x128xi32, #tpu.memory_space<vmem>> -> memref<128xi32, #tpu.memory_space<vmem>>
        %dma_wait3A_688 = arith.constant 0 : i32
        %dma_wait3A_689 = arith.constant 0 : i32
        %dma_wait3A_690 = tpu.memref_slice %arg19[%dma_wait3A_688, %dma_wait3A_689] : memref<100096x8xf32, #tpu.memory_space<vmem_shared>> -> memref<100096x8xf32, #tpu.memory_space<vmem_shared>>
        tpu.wait_indirect_dma semaphore(%arg23 : memref<!tpu.dma_semaphore, #tpu.memory_space<semaphore_mem>>) src(%dma_wait3A_684 : memref<128x8xf32, #tpu.memory_space<vmem>>) dst(%dma_wait3A_690 : memref<100096x8xf32, #tpu.memory_space<vmem_shared>>)
      } else {
      }
      %add3A_431 = arith.constant 1 : i32
      %add3A_432 = arith.addi %add3A_425, %add3A_431 : i32
      %lt3A_433 = arith.constant 132 : i32
      %lt3A_434 = arith.cmpi slt, %add3A_432, %lt3A_433 : i32
      %convert_element_type3A_435 = arith.extui %lt3A_434 : i1 to i32
      %cond3A_436 = arith.constant 0 : i32
      %cond3A_437 = arith.cmpi ne, %convert_element_type3A_435, %cond3A_436 : i32
      scf.if %cond3A_437 {
        %dma_wait3A_631 = arith.constant 0 : i32
        %dma_wait3A_632 = tpu.memref_slice %arg3[%mul3A_4, %dma_wait3A_631] : memref<25344x128xi32, #tpu.memory_space<hbm>> -> memref<6x128xi32, #tpu.memory_space<hbm>>
        %dma_wait3A_633 = arith.constant 0 : i32
        %dma_wait3A_634 = tpu.memref_slice %arg3[%mul3A_4, %dma_wait3A_633] : memref<25344x128xi32, #tpu.memory_space<hbm>> -> memref<6x128xi32, #tpu.memory_space<hbm>>
        tpu.wait_dma2 semaphore(%arg22 : memref<!tpu.dma_semaphore, #tpu.memory_space<semaphore_mem>>) src(%dma_wait3A_634 : memref<6x128xi32, #tpu.memory_space<hbm>>) dst(%arg7 : memref<6x128xi32, #tpu.memory_space<vmem>>)
        %dma_wait3A_635 = arith.constant 0 : i32
        %dma_wait3A_636 = tpu.memref_slice %arg4[%mul3A_4, %dma_wait3A_635] : memref<25344x128xi32, #tpu.memory_space<hbm>> -> memref<6x128xi32, #tpu.memory_space<hbm>>
        %dma_wait3A_637 = arith.constant 0 : i32
        %dma_wait3A_638 = tpu.memref_slice %arg4[%mul3A_4, %dma_wait3A_637] : memref<25344x128xi32, #tpu.memory_space<hbm>> -> memref<6x128xi32, #tpu.memory_space<hbm>>
        tpu.wait_dma2 semaphore(%arg22 : memref<!tpu.dma_semaphore, #tpu.memory_space<semaphore_mem>>) src(%dma_wait3A_638 : memref<6x128xi32, #tpu.memory_space<hbm>>) dst(%arg8 : memref<6x128xi32, #tpu.memory_space<vmem>>)
        %scan3A_639 = arith.constant 0 : i32
        %scan3A_640 = arith.constant 0 : i32
        %scan3A_641 = arith.constant 48 : i32
        %scan3A_642 = arith.addi %scan3A_640, %scan3A_641 : i32
        %scan3A_643 = arith.constant 1 : i32
        scf.for %scan3A_765 = %scan3A_640 to %scan3A_642 step %scan3A_643  : i32 {
          %shift_right_arithmetic3A = arith.constant 3 : i32
          %shift_right_arithmetic3A_766 = arith.shrsi %scan3A_765, %shift_right_arithmetic3A : i32
          %and3A = arith.constant 7 : i32
          %and3A_767 = arith.andi %scan3A_765, %and3A : i32
          %mul3A_768 = arith.constant 16 : i32
          %mul3A_769 = arith.muli %and3A_767, %mul3A_768 : i32
          %get3A = arith.index_cast %shift_right_arithmetic3A_766 : i32 to index
          %get3A_770 = arith.index_cast %mul3A_769 : i32 to index
          %get3A_771 = tpu.vector_load %arg7[%get3A, %get3A_770] {strides = array<i32>} : memref<6x128xi32, #tpu.memory_space<vmem>>, vector<16xi32>,
          %shift_right_arithmetic3A_772 = arith.constant 3 : i32
          %shift_right_arithmetic3A_773 = arith.shrsi %scan3A_765, %shift_right_arithmetic3A_772 : i32
          %and3A_774 = arith.constant 7 : i32
          %and3A_775 = arith.andi %scan3A_765, %and3A_774 : i32
          %mul3A_776 = arith.constant 16 : i32
          %mul3A_777 = arith.muli %and3A_775, %mul3A_776 : i32
          %get3A_778 = arith.index_cast %shift_right_arithmetic3A_773 : i32 to index
          %get3A_779 = arith.index_cast %mul3A_777 : i32 to index
          %get3A_780 = tpu.vector_load %arg8[%get3A_778, %get3A_779] {strides = array<i32>} : memref<6x128xi32, #tpu.memory_space<vmem>>, vector<16xi32>,
          %eq3A = arith.cmpi eq, %get3A_771, %get3A_780 : vector<16xi32>
          %jit3A = arith.constant 100000 : i32
          %broadcast_in_dim3A_781 = vector.broadcast %jit3A : i32 to vector<16xi32>
          %select_n3A = arith.select %eq3A, %broadcast_in_dim3A_781, %get3A_780 : vector<16xi1>, vector<16xi32>
          %shift_right_arithmetic3A_782 = arith.constant 3 : i32
          %shift_right_arithmetic3A_783 = arith.shrsi %scan3A_765, %shift_right_arithmetic3A_782 : i32
          %and3A_784 = arith.constant 7 : i32
          %and3A_785 = arith.andi %scan3A_765, %and3A_784 : i32
          %mul3A_786 = arith.constant 16 : i32
          %mul3A_787 = arith.muli %and3A_785, %mul3A_786 : i32
          %swap3A = arith.index_cast %shift_right_arithmetic3A_783 : i32 to index
          %swap3A_788 = arith.index_cast %mul3A_787 : i32 to index
          %swap3A_789 = tpu.vector_load %arg9[%swap3A, %swap3A_788] {strides = array<i32>} : memref<6x128xi32, #tpu.memory_space<vmem>>, vector<16xi32>,
          tpu.vector_store %arg9[%swap3A, %swap3A_788], %select_n3A {strides = array<i32>} : memref<6x128xi32, #tpu.memory_space<vmem>>, vector<16xi32>,
        }
        %scan3A_644 = arith.constant 48 : i32
        %dma_start3A_645 = arith.constant 0 : i32
        %dma_start3A_646 = arith.constant 0 : i32
        %dma_start3A_647 = arith.constant 0 : i32
        %dma_start3A_648 = tpu.memref_slice %arg10[%dma_start3A_646, %dma_start3A_647] : memref<768x16xf32, #tpu.memory_space<vmem>> -> memref<128x16xf32, #tpu.memory_space<vmem>>
        %dma_start3A_649 = arith.constant 0 : i32
        %dma_start3A_650 = tpu.memref_slice %arg7[%dma_start3A_645, %dma_start3A_649] : memref<6x128xi32, #tpu.memory_space<vmem>> -> memref<1x128xi32, #tpu.memory_space<vmem>>
        %dma_start3A_651 = tpu.memref_squeeze %dma_start3A_650 : memref<1x128xi32, #tpu.memory_space<vmem>> -> memref<128xi32, #tpu.memory_space<vmem>>
        %dma_start3A_652 = arith.constant 0 : i32
        %dma_start3A_653 = arith.constant 0 : i32
        %dma_start3A_654 = tpu.memref_slice %arg2[%dma_start3A_652, %dma_start3A_653] : memref<100096x16xf32, #tpu.memory_space<hbm>> -> memref<100096x16xf32, #tpu.memory_space<hbm>>
        tpu.enqueue_indirect_dma source(%dma_start3A_654 : memref<100096x16xf32, #tpu.memory_space<hbm>>) target(%dma_start3A_648 : memref<128x16xf32, #tpu.memory_space<vmem>>) offsets(%dma_start3A_651 : memref<128xi32, #tpu.memory_space<vmem>>) semaphore(%arg20 : memref<!tpu.dma_semaphore, #tpu.memory_space<semaphore_mem>>)
        %dma_start3A_655 = arith.constant 0 : i32
        %dma_start3A_656 = arith.constant 0 : i32
        %dma_start3A_657 = arith.constant 0 : i32
        %dma_start3A_658 = tpu.memref_slice %arg11[%dma_start3A_656, %dma_start3A_657] : memref<768x16xf32, #tpu.memory_space<vmem>> -> memref<128x16xf32, #tpu.memory_space<vmem>>
        %dma_start3A_659 = arith.constant 0 : i32
        %dma_start3A_660 = tpu.memref_slice %arg8[%dma_start3A_655, %dma_start3A_659] : memref<6x128xi32, #tpu.memory_space<vmem>> -> memref<1x128xi32, #tpu.memory_space<vmem>>
        %dma_start3A_661 = tpu.memref_squeeze %dma_start3A_660 : memref<1x128xi32, #tpu.memory_space<vmem>> -> memref<128xi32, #tpu.memory_space<vmem>>
        %dma_start3A_662 = arith.constant 0 : i32
        %dma_start3A_663 = arith.constant 0 : i32
        %dma_start3A_664 = tpu.memref_slice %arg2[%dma_start3A_662, %dma_start3A_663] : memref<100096x16xf32, #tpu.memory_space<hbm>> -> memref<100096x16xf32, #tpu.memory_space<hbm>>
        tpu.enqueue_indirect_dma source(%dma_start3A_664 : memref<100096x16xf32, #tpu.memory_space<hbm>>) target(%dma_start3A_658 : memref<128x16xf32, #tpu.memory_space<vmem>>) offsets(%dma_start3A_661 : memref<128xi32, #tpu.memory_space<vmem>>) semaphore(%arg20 : memref<!tpu.dma_semaphore, #tpu.memory_space<semaphore_mem>>)
        %dma_start3A_665 = arith.constant 1 : i32
        %dma_start3A_666 = arith.constant 128 : i32
        %dma_start3A_667 = arith.constant 0 : i32
        %dma_start3A_668 = tpu.memref_slice %arg10[%dma_start3A_666, %dma_start3A_667] : memref<768x16xf32, #tpu.memory_space<vmem>> -> memref<128x16xf32, #tpu.memory_space<vmem>>
        %dma_start3A_669 = arith.constant 0 : i32
        %dma_start3A_670 = tpu.memref_slice %arg7[%dma_start3A_665, %dma_start3A_669] : memref<6x128xi32, #tpu.memory_space<vmem>> -> memref<1x128xi32, #tpu.memory_space<vmem>>
        %dma_start3A_671 = tpu.memref_squeeze %dma_start3A_670 : memref<1x128xi32, #tpu.memory_space<vmem>> -> memref<128xi32, #tpu.memory_space<vmem>>
        %dma_start3A_672 = arith.constant 0 : i32
        %dma_start3A_673 = arith.constant 0 : i32
        %dma_start3A_674 = tpu.memref_slice %arg2[%dma_start3A_672, %dma_start3A_673] : memref<100096x16xf32, #tpu.memory_space<hbm>> -> memref<100096x16xf32, #tpu.memory_space<hbm>>
        tpu.enqueue_indirect_dma source(%dma_start3A_674 : memref<100096x16xf32, #tpu.memory_space<hbm>>) target(%dma_start3A_668 : memref<128x16xf32, #tpu.memory_space<vmem>>) offsets(%dma_start3A_671 : memref<128xi32, #tpu.memory_space<vmem>>) semaphore(%arg20 : memref<!tpu.dma_semaphore, #tpu.memory_space<semaphore_mem>>)
        %dma_start3A_675 = arith.constant 1 : i32
        %dma_start3A_676 = arith.constant 128 : i32
        %dma_start3A_677 = arith.constant 0 : i32
        %dma_start3A_678 = tpu.memref_slice %arg11[%dma_start3A_676, %dma_start3A_677] : memref<768x16xf32, #tpu.memory_space<vmem>> -> memref<128x16xf32, #tpu.memory_space<vmem>>
        %dma_start3A_679 = arith.constant 0 : i32
        %dma_start3A_680 = tpu.memref_slice %arg8[%dma_start3A_675, %dma_start3A_679] : memref<6x128xi32, #tpu.memory_space<vmem>> -> memref<1x128xi32, #tpu.memory_space<vmem>>
        %dma_start3A_681 = tpu.memref_squeeze %dma_start3A_680 : memref<1x128xi32, #tpu.memory_space<vmem>> -> memref<128xi32, #tpu.memory_space<vmem>>
        %dma_start3A_682 = arith.constant 0 : i32
        %dma_start3A_683 = arith.constant 0 : i32
        %dma_start3A_684 = tpu.memref_slice %arg2[%dma_start3A_682, %dma_start3A_683] : memref<100096x16xf32, #tpu.memory_space<hbm>> -> memref<100096x16xf32, #tpu.memory_space<hbm>>
        tpu.enqueue_indirect_dma source(%dma_start3A_684 : memref<100096x16xf32, #tpu.memory_space<hbm>>) target(%dma_start3A_678 : memref<128x16xf32, #tpu.memory_space<vmem>>) offsets(%dma_start3A_681 : memref<128xi32, #tpu.memory_space<vmem>>) semaphore(%arg20 : memref<!tpu.dma_semaphore, #tpu.memory_space<semaphore_mem>>)
        %dma_start3A_685 = arith.constant 2 : i32
        %dma_start3A_686 = arith.constant 256 : i32
        %dma_start3A_687 = arith.constant 0 : i32
        %dma_start3A_688 = tpu.memref_slice %arg10[%dma_start3A_686, %dma_start3A_687] : memref<768x16xf32, #tpu.memory_space<vmem>> -> memref<128x16xf32, #tpu.memory_space<vmem>>
        %dma_start3A_689 = arith.constant 0 : i32
        %dma_start3A_690 = tpu.memref_slice %arg7[%dma_start3A_685, %dma_start3A_689] : memref<6x128xi32, #tpu.memory_space<vmem>> -> memref<1x128xi32, #tpu.memory_space<vmem>>
        %dma_start3A_691 = tpu.memref_squeeze %dma_start3A_690 : memref<1x128xi32, #tpu.memory_space<vmem>> -> memref<128xi32, #tpu.memory_space<vmem>>
        %dma_start3A_692 = arith.constant 0 : i32
        %dma_start3A_693 = arith.constant 0 : i32
        %dma_start3A_694 = tpu.memref_slice %arg2[%dma_start3A_692, %dma_start3A_693] : memref<100096x16xf32, #tpu.memory_space<hbm>> -> memref<100096x16xf32, #tpu.memory_space<hbm>>
        tpu.enqueue_indirect_dma source(%dma_start3A_694 : memref<100096x16xf32, #tpu.memory_space<hbm>>) target(%dma_start3A_688 : memref<128x16xf32, #tpu.memory_space<vmem>>) offsets(%dma_start3A_691 : memref<128xi32, #tpu.memory_space<vmem>>) semaphore(%arg20 : memref<!tpu.dma_semaphore, #tpu.memory_space<semaphore_mem>>)
        %dma_start3A_695 = arith.constant 2 : i32
        %dma_start3A_696 = arith.constant 256 : i32
        %dma_start3A_697 = arith.constant 0 : i32
        %dma_start3A_698 = tpu.memref_slice %arg11[%dma_start3A_696, %dma_start3A_697] : memref<768x16xf32, #tpu.memory_space<vmem>> -> memref<128x16xf32, #tpu.memory_space<vmem>>
        %dma_start3A_699 = arith.constant 0 : i32
        %dma_start3A_700 = tpu.memref_slice %arg8[%dma_start3A_695, %dma_start3A_699] : memref<6x128xi32, #tpu.memory_space<vmem>> -> memref<1x128xi32, #tpu.memory_space<vmem>>
        %dma_start3A_701 = tpu.memref_squeeze %dma_start3A_700 : memref<1x128xi32, #tpu.memory_space<vmem>> -> memref<128xi32, #tpu.memory_space<vmem>>
        %dma_start3A_702 = arith.constant 0 : i32
        %dma_start3A_703 = arith.constant 0 : i32
        %dma_start3A_704 = tpu.memref_slice %arg2[%dma_start3A_702, %dma_start3A_703] : memref<100096x16xf32, #tpu.memory_space<hbm>> -> memref<100096x16xf32, #tpu.memory_space<hbm>>
        tpu.enqueue_indirect_dma source(%dma_start3A_704 : memref<100096x16xf32, #tpu.memory_space<hbm>>) target(%dma_start3A_698 : memref<128x16xf32, #tpu.memory_space<vmem>>) offsets(%dma_start3A_701 : memref<128xi32, #tpu.memory_space<vmem>>) semaphore(%arg20 : memref<!tpu.dma_semaphore, #tpu.memory_space<semaphore_mem>>)
        %dma_start3A_705 = arith.constant 3 : i32
        %dma_start3A_706 = arith.constant 384 : i32
        %dma_start3A_707 = arith.constant 0 : i32
        %dma_start3A_708 = tpu.memref_slice %arg10[%dma_start3A_706, %dma_start3A_707] : memref<768x16xf32, #tpu.memory_space<vmem>> -> memref<128x16xf32, #tpu.memory_space<vmem>>
        %dma_start3A_709 = arith.constant 0 : i32
        %dma_start3A_710 = tpu.memref_slice %arg7[%dma_start3A_705, %dma_start3A_709] : memref<6x128xi32, #tpu.memory_space<vmem>> -> memref<1x128xi32, #tpu.memory_space<vmem>>
        %dma_start3A_711 = tpu.memref_squeeze %dma_start3A_710 : memref<1x128xi32, #tpu.memory_space<vmem>> -> memref<128xi32, #tpu.memory_space<vmem>>
        %dma_start3A_712 = arith.constant 0 : i32
        %dma_start3A_713 = arith.constant 0 : i32
        %dma_start3A_714 = tpu.memref_slice %arg2[%dma_start3A_712, %dma_start3A_713] : memref<100096x16xf32, #tpu.memory_space<hbm>> -> memref<100096x16xf32, #tpu.memory_space<hbm>>
        tpu.enqueue_indirect_dma source(%dma_start3A_714 : memref<100096x16xf32, #tpu.memory_space<hbm>>) target(%dma_start3A_708 : memref<128x16xf32, #tpu.memory_space<vmem>>) offsets(%dma_start3A_711 : memref<128xi32, #tpu.memory_space<vmem>>) semaphore(%arg20 : memref<!tpu.dma_semaphore, #tpu.memory_space<semaphore_mem>>)
        %dma_start3A_715 = arith.constant 3 : i32
        %dma_start3A_716 = arith.constant 384 : i32
        %dma_start3A_717 = arith.constant 0 : i32
        %dma_start3A_718 = tpu.memref_slice %arg11[%dma_start3A_716, %dma_start3A_717] : memref<768x16xf32, #tpu.memory_space<vmem>> -> memref<128x16xf32, #tpu.memory_space<vmem>>
        %dma_start3A_719 = arith.constant 0 : i32
        %dma_start3A_720 = tpu.memref_slice %arg8[%dma_start3A_715, %dma_start3A_719] : memref<6x128xi32, #tpu.memory_space<vmem>> -> memref<1x128xi32, #tpu.memory_space<vmem>>
        %dma_start3A_721 = tpu.memref_squeeze %dma_start3A_720 : memref<1x128xi32, #tpu.memory_space<vmem>> -> memref<128xi32, #tpu.memory_space<vmem>>
        %dma_start3A_722 = arith.constant 0 : i32
        %dma_start3A_723 = arith.constant 0 : i32
        %dma_start3A_724 = tpu.memref_slice %arg2[%dma_start3A_722, %dma_start3A_723] : memref<100096x16xf32, #tpu.memory_space<hbm>> -> memref<100096x16xf32, #tpu.memory_space<hbm>>
        tpu.enqueue_indirect_dma source(%dma_start3A_724 : memref<100096x16xf32, #tpu.memory_space<hbm>>) target(%dma_start3A_718 : memref<128x16xf32, #tpu.memory_space<vmem>>) offsets(%dma_start3A_721 : memref<128xi32, #tpu.memory_space<vmem>>) semaphore(%arg20 : memref<!tpu.dma_semaphore, #tpu.memory_space<semaphore_mem>>)
        %dma_start3A_725 = arith.constant 4 : i32
        %dma_start3A_726 = arith.constant 512 : i32
        %dma_start3A_727 = arith.constant 0 : i32
        %dma_start3A_728 = tpu.memref_slice %arg10[%dma_start3A_726, %dma_start3A_727] : memref<768x16xf32, #tpu.memory_space<vmem>> -> memref<128x16xf32, #tpu.memory_space<vmem>>
        %dma_start3A_729 = arith.constant 0 : i32
        %dma_start3A_730 = tpu.memref_slice %arg7[%dma_start3A_725, %dma_start3A_729] : memref<6x128xi32, #tpu.memory_space<vmem>> -> memref<1x128xi32, #tpu.memory_space<vmem>>
        %dma_start3A_731 = tpu.memref_squeeze %dma_start3A_730 : memref<1x128xi32, #tpu.memory_space<vmem>> -> memref<128xi32, #tpu.memory_space<vmem>>
        %dma_start3A_732 = arith.constant 0 : i32
        %dma_start3A_733 = arith.constant 0 : i32
        %dma_start3A_734 = tpu.memref_slice %arg2[%dma_start3A_732, %dma_start3A_733] : memref<100096x16xf32, #tpu.memory_space<hbm>> -> memref<100096x16xf32, #tpu.memory_space<hbm>>
        tpu.enqueue_indirect_dma source(%dma_start3A_734 : memref<100096x16xf32, #tpu.memory_space<hbm>>) target(%dma_start3A_728 : memref<128x16xf32, #tpu.memory_space<vmem>>) offsets(%dma_start3A_731 : memref<128xi32, #tpu.memory_space<vmem>>) semaphore(%arg20 : memref<!tpu.dma_semaphore, #tpu.memory_space<semaphore_mem>>)
        %dma_start3A_735 = arith.constant 4 : i32
        %dma_start3A_736 = arith.constant 512 : i32
        %dma_start3A_737 = arith.constant 0 : i32
        %dma_start3A_738 = tpu.memref_slice %arg11[%dma_start3A_736, %dma_start3A_737] : memref<768x16xf32, #tpu.memory_space<vmem>> -> memref<128x16xf32, #tpu.memory_space<vmem>>
        %dma_start3A_739 = arith.constant 0 : i32
        %dma_start3A_740 = tpu.memref_slice %arg8[%dma_start3A_735, %dma_start3A_739] : memref<6x128xi32, #tpu.memory_space<vmem>> -> memref<1x128xi32, #tpu.memory_space<vmem>>
        %dma_start3A_741 = tpu.memref_squeeze %dma_start3A_740 : memref<1x128xi32, #tpu.memory_space<vmem>> -> memref<128xi32, #tpu.memory_space<vmem>>
        %dma_start3A_742 = arith.constant 0 : i32
        %dma_start3A_743 = arith.constant 0 : i32
        %dma_start3A_744 = tpu.memref_slice %arg2[%dma_start3A_742, %dma_start3A_743] : memref<100096x16xf32, #tpu.memory_space<hbm>> -> memref<100096x16xf32, #tpu.memory_space<hbm>>
        tpu.enqueue_indirect_dma source(%dma_start3A_744 : memref<100096x16xf32, #tpu.memory_space<hbm>>) target(%dma_start3A_738 : memref<128x16xf32, #tpu.memory_space<vmem>>) offsets(%dma_start3A_741 : memref<128xi32, #tpu.memory_space<vmem>>) semaphore(%arg20 : memref<!tpu.dma_semaphore, #tpu.memory_space<semaphore_mem>>)
        %dma_start3A_745 = arith.constant 5 : i32
        %dma_start3A_746 = arith.constant 640 : i32
        %dma_start3A_747 = arith.constant 0 : i32
        %dma_start3A_748 = tpu.memref_slice %arg10[%dma_start3A_746, %dma_start3A_747] : memref<768x16xf32, #tpu.memory_space<vmem>> -> memref<128x16xf32, #tpu.memory_space<vmem>>
        %dma_start3A_749 = arith.constant 0 : i32
        %dma_start3A_750 = tpu.memref_slice %arg7[%dma_start3A_745, %dma_start3A_749] : memref<6x128xi32, #tpu.memory_space<vmem>> -> memref<1x128xi32, #tpu.memory_space<vmem>>
        %dma_start3A_751 = tpu.memref_squeeze %dma_start3A_750 : memref<1x128xi32, #tpu.memory_space<vmem>> -> memref<128xi32, #tpu.memory_space<vmem>>
        %dma_start3A_752 = arith.constant 0 : i32
        %dma_start3A_753 = arith.constant 0 : i32
        %dma_start3A_754 = tpu.memref_slice %arg2[%dma_start3A_752, %dma_start3A_753] : memref<100096x16xf32, #tpu.memory_space<hbm>> -> memref<100096x16xf32, #tpu.memory_space<hbm>>
        tpu.enqueue_indirect_dma source(%dma_start3A_754 : memref<100096x16xf32, #tpu.memory_space<hbm>>) target(%dma_start3A_748 : memref<128x16xf32, #tpu.memory_space<vmem>>) offsets(%dma_start3A_751 : memref<128xi32, #tpu.memory_space<vmem>>) semaphore(%arg20 : memref<!tpu.dma_semaphore, #tpu.memory_space<semaphore_mem>>)
        %dma_start3A_755 = arith.constant 5 : i32
        %dma_start3A_756 = arith.constant 640 : i32
        %dma_start3A_757 = arith.constant 0 : i32
        %dma_start3A_758 = tpu.memref_slice %arg11[%dma_start3A_756, %dma_start3A_757] : memref<768x16xf32, #tpu.memory_space<vmem>> -> memref<128x16xf32, #tpu.memory_space<vmem>>
        %dma_start3A_759 = arith.constant 0 : i32
        %dma_start3A_760 = tpu.memref_slice %arg8[%dma_start3A_755, %dma_start3A_759] : memref<6x128xi32, #tpu.memory_space<vmem>> -> memref<1x128xi32, #tpu.memory_space<vmem>>
        %dma_start3A_761 = tpu.memref_squeeze %dma_start3A_760 : memref<1x128xi32, #tpu.memory_space<vmem>> -> memref<128xi32, #tpu.memory_space<vmem>>
        %dma_start3A_762 = arith.constant 0 : i32
        %dma_start3A_763 = arith.constant 0 : i32
        %dma_start3A_764 = tpu.memref_slice %arg2[%dma_start3A_762, %dma_start3A_763] : memref<100096x16xf32, #tpu.memory_space<hbm>> -> memref<100096x16xf32, #tpu.memory_space<hbm>>
        tpu.enqueue_indirect_dma source(%dma_start3A_764 : memref<100096x16xf32, #tpu.memory_space<hbm>>) target(%dma_start3A_758 : memref<128x16xf32, #tpu.memory_space<vmem>>) offsets(%dma_start3A_761 : memref<128xi32, #tpu.memory_space<vmem>>) semaphore(%arg20 : memref<!tpu.dma_semaphore, #tpu.memory_space<semaphore_mem>>)
      } else {
      }
      %dma_wait3A_438 = arith.constant 0 : i32
      %dma_wait3A_439 = arith.constant 0 : i32
      %dma_wait3A_440 = arith.constant 0 : i32
      %dma_wait3A_441 = tpu.memref_slice %arg16[%dma_wait3A_439, %dma_wait3A_440] : memref<768x16xf32, #tpu.memory_space<vmem>> -> memref<128x16xf32, #tpu.memory_space<vmem>>
      %dma_wait3A_442 = arith.constant 0 : i32
      %dma_wait3A_443 = tpu.memref_slice %arg13[%dma_wait3A_438, %dma_wait3A_442] : memref<6x128xi32, #tpu.memory_space<vmem>> -> memref<1x128xi32, #tpu.memory_space<vmem>>
      %dma_wait3A_444 = tpu.memref_squeeze %dma_wait3A_443 : memref<1x128xi32, #tpu.memory_space<vmem>> -> memref<128xi32, #tpu.memory_space<vmem>>
      %dma_wait3A_445 = arith.constant 0 : i32
      %dma_wait3A_446 = arith.constant 0 : i32
      %dma_wait3A_447 = tpu.memref_slice %arg2[%dma_wait3A_445, %dma_wait3A_446] : memref<100096x16xf32, #tpu.memory_space<hbm>> -> memref<100096x16xf32, #tpu.memory_space<hbm>>
      tpu.wait_indirect_dma semaphore(%arg21 : memref<!tpu.dma_semaphore, #tpu.memory_space<semaphore_mem>>) src(%dma_wait3A_447 : memref<100096x16xf32, #tpu.memory_space<hbm>>) dst(%dma_wait3A_441 : memref<128x16xf32, #tpu.memory_space<vmem>>)
      %dma_wait3A_448 = arith.constant 0 : i32
      %dma_wait3A_449 = arith.constant 0 : i32
      %dma_wait3A_450 = arith.constant 0 : i32
      %dma_wait3A_451 = tpu.memref_slice %arg17[%dma_wait3A_449, %dma_wait3A_450] : memref<768x16xf32, #tpu.memory_space<vmem>> -> memref<128x16xf32, #tpu.memory_space<vmem>>
      %dma_wait3A_452 = arith.constant 0 : i32
      %dma_wait3A_453 = tpu.memref_slice %arg14[%dma_wait3A_448, %dma_wait3A_452] : memref<6x128xi32, #tpu.memory_space<vmem>> -> memref<1x128xi32, #tpu.memory_space<vmem>>
      %dma_wait3A_454 = tpu.memref_squeeze %dma_wait3A_453 : memref<1x128xi32, #tpu.memory_space<vmem>> -> memref<128xi32, #tpu.memory_space<vmem>>
      %dma_wait3A_455 = arith.constant 0 : i32
      %dma_wait3A_456 = arith.constant 0 : i32
      %dma_wait3A_457 = tpu.memref_slice %arg2[%dma_wait3A_455, %dma_wait3A_456] : memref<100096x16xf32, #tpu.memory_space<hbm>> -> memref<100096x16xf32, #tpu.memory_space<hbm>>
      tpu.wait_indirect_dma semaphore(%arg21 : memref<!tpu.dma_semaphore, #tpu.memory_space<semaphore_mem>>) src(%dma_wait3A_457 : memref<100096x16xf32, #tpu.memory_space<hbm>>) dst(%dma_wait3A_451 : memref<128x16xf32, #tpu.memory_space<vmem>>)
      %dma_wait3A_458 = arith.constant 1 : i32
      %dma_wait3A_459 = arith.constant 128 : i32
      %dma_wait3A_460 = arith.constant 0 : i32
      %dma_wait3A_461 = tpu.memref_slice %arg16[%dma_wait3A_459, %dma_wait3A_460] : memref<768x16xf32, #tpu.memory_space<vmem>> -> memref<128x16xf32, #tpu.memory_space<vmem>>
      %dma_wait3A_462 = arith.constant 0 : i32
      %dma_wait3A_463 = tpu.memref_slice %arg13[%dma_wait3A_458, %dma_wait3A_462] : memref<6x128xi32, #tpu.memory_space<vmem>> -> memref<1x128xi32, #tpu.memory_space<vmem>>
      %dma_wait3A_464 = tpu.memref_squeeze %dma_wait3A_463 : memref<1x128xi32, #tpu.memory_space<vmem>> -> memref<128xi32, #tpu.memory_space<vmem>>
      %dma_wait3A_465 = arith.constant 0 : i32
      %dma_wait3A_466 = arith.constant 0 : i32
      %dma_wait3A_467 = tpu.memref_slice %arg2[%dma_wait3A_465, %dma_wait3A_466] : memref<100096x16xf32, #tpu.memory_space<hbm>> -> memref<100096x16xf32, #tpu.memory_space<hbm>>
      tpu.wait_indirect_dma semaphore(%arg21 : memref<!tpu.dma_semaphore, #tpu.memory_space<semaphore_mem>>) src(%dma_wait3A_467 : memref<100096x16xf32, #tpu.memory_space<hbm>>) dst(%dma_wait3A_461 : memref<128x16xf32, #tpu.memory_space<vmem>>)
      %dma_wait3A_468 = arith.constant 1 : i32
      %dma_wait3A_469 = arith.constant 128 : i32
      %dma_wait3A_470 = arith.constant 0 : i32
      %dma_wait3A_471 = tpu.memref_slice %arg17[%dma_wait3A_469, %dma_wait3A_470] : memref<768x16xf32, #tpu.memory_space<vmem>> -> memref<128x16xf32, #tpu.memory_space<vmem>>
      %dma_wait3A_472 = arith.constant 0 : i32
      %dma_wait3A_473 = tpu.memref_slice %arg14[%dma_wait3A_468, %dma_wait3A_472] : memref<6x128xi32, #tpu.memory_space<vmem>> -> memref<1x128xi32, #tpu.memory_space<vmem>>
      %dma_wait3A_474 = tpu.memref_squeeze %dma_wait3A_473 : memref<1x128xi32, #tpu.memory_space<vmem>> -> memref<128xi32, #tpu.memory_space<vmem>>
      %dma_wait3A_475 = arith.constant 0 : i32
      %dma_wait3A_476 = arith.constant 0 : i32
      %dma_wait3A_477 = tpu.memref_slice %arg2[%dma_wait3A_475, %dma_wait3A_476] : memref<100096x16xf32, #tpu.memory_space<hbm>> -> memref<100096x16xf32, #tpu.memory_space<hbm>>
      tpu.wait_indirect_dma semaphore(%arg21 : memref<!tpu.dma_semaphore, #tpu.memory_space<semaphore_mem>>) src(%dma_wait3A_477 : memref<100096x16xf32, #tpu.memory_space<hbm>>) dst(%dma_wait3A_471 : memref<128x16xf32, #tpu.memory_space<vmem>>)
      %dma_wait3A_478 = arith.constant 2 : i32
      %dma_wait3A_479 = arith.constant 256 : i32
      %dma_wait3A_480 = arith.constant 0 : i32
      %dma_wait3A_481 = tpu.memref_slice %arg16[%dma_wait3A_479, %dma_wait3A_480] : memref<768x16xf32, #tpu.memory_space<vmem>> -> memref<128x16xf32, #tpu.memory_space<vmem>>
      %dma_wait3A_482 = arith.constant 0 : i32
      %dma_wait3A_483 = tpu.memref_slice %arg13[%dma_wait3A_478, %dma_wait3A_482] : memref<6x128xi32, #tpu.memory_space<vmem>> -> memref<1x128xi32, #tpu.memory_space<vmem>>
      %dma_wait3A_484 = tpu.memref_squeeze %dma_wait3A_483 : memref<1x128xi32, #tpu.memory_space<vmem>> -> memref<128xi32, #tpu.memory_space<vmem>>
      %dma_wait3A_485 = arith.constant 0 : i32
      %dma_wait3A_486 = arith.constant 0 : i32
      %dma_wait3A_487 = tpu.memref_slice %arg2[%dma_wait3A_485, %dma_wait3A_486] : memref<100096x16xf32, #tpu.memory_space<hbm>> -> memref<100096x16xf32, #tpu.memory_space<hbm>>
      tpu.wait_indirect_dma semaphore(%arg21 : memref<!tpu.dma_semaphore, #tpu.memory_space<semaphore_mem>>) src(%dma_wait3A_487 : memref<100096x16xf32, #tpu.memory_space<hbm>>) dst(%dma_wait3A_481 : memref<128x16xf32, #tpu.memory_space<vmem>>)
      %dma_wait3A_488 = arith.constant 2 : i32
      %dma_wait3A_489 = arith.constant 256 : i32
      %dma_wait3A_490 = arith.constant 0 : i32
      %dma_wait3A_491 = tpu.memref_slice %arg17[%dma_wait3A_489, %dma_wait3A_490] : memref<768x16xf32, #tpu.memory_space<vmem>> -> memref<128x16xf32, #tpu.memory_space<vmem>>
      %dma_wait3A_492 = arith.constant 0 : i32
      %dma_wait3A_493 = tpu.memref_slice %arg14[%dma_wait3A_488, %dma_wait3A_492] : memref<6x128xi32, #tpu.memory_space<vmem>> -> memref<1x128xi32, #tpu.memory_space<vmem>>
      %dma_wait3A_494 = tpu.memref_squeeze %dma_wait3A_493 : memref<1x128xi32, #tpu.memory_space<vmem>> -> memref<128xi32, #tpu.memory_space<vmem>>
      %dma_wait3A_495 = arith.constant 0 : i32
      %dma_wait3A_496 = arith.constant 0 : i32
      %dma_wait3A_497 = tpu.memref_slice %arg2[%dma_wait3A_495, %dma_wait3A_496] : memref<100096x16xf32, #tpu.memory_space<hbm>> -> memref<100096x16xf32, #tpu.memory_space<hbm>>
      tpu.wait_indirect_dma semaphore(%arg21 : memref<!tpu.dma_semaphore, #tpu.memory_space<semaphore_mem>>) src(%dma_wait3A_497 : memref<100096x16xf32, #tpu.memory_space<hbm>>) dst(%dma_wait3A_491 : memref<128x16xf32, #tpu.memory_space<vmem>>)
      %dma_wait3A_498 = arith.constant 3 : i32
      %dma_wait3A_499 = arith.constant 384 : i32
      %dma_wait3A_500 = arith.constant 0 : i32
      %dma_wait3A_501 = tpu.memref_slice %arg16[%dma_wait3A_499, %dma_wait3A_500] : memref<768x16xf32, #tpu.memory_space<vmem>> -> memref<128x16xf32, #tpu.memory_space<vmem>>
      %dma_wait3A_502 = arith.constant 0 : i32
      %dma_wait3A_503 = tpu.memref_slice %arg13[%dma_wait3A_498, %dma_wait3A_502] : memref<6x128xi32, #tpu.memory_space<vmem>> -> memref<1x128xi32, #tpu.memory_space<vmem>>
      %dma_wait3A_504 = tpu.memref_squeeze %dma_wait3A_503 : memref<1x128xi32, #tpu.memory_space<vmem>> -> memref<128xi32, #tpu.memory_space<vmem>>
      %dma_wait3A_505 = arith.constant 0 : i32
      %dma_wait3A_506 = arith.constant 0 : i32
      %dma_wait3A_507 = tpu.memref_slice %arg2[%dma_wait3A_505, %dma_wait3A_506] : memref<100096x16xf32, #tpu.memory_space<hbm>> -> memref<100096x16xf32, #tpu.memory_space<hbm>>
      tpu.wait_indirect_dma semaphore(%arg21 : memref<!tpu.dma_semaphore, #tpu.memory_space<semaphore_mem>>) src(%dma_wait3A_507 : memref<100096x16xf32, #tpu.memory_space<hbm>>) dst(%dma_wait3A_501 : memref<128x16xf32, #tpu.memory_space<vmem>>)
      %dma_wait3A_508 = arith.constant 3 : i32
      %dma_wait3A_509 = arith.constant 384 : i32
      %dma_wait3A_510 = arith.constant 0 : i32
      %dma_wait3A_511 = tpu.memref_slice %arg17[%dma_wait3A_509, %dma_wait3A_510] : memref<768x16xf32, #tpu.memory_space<vmem>> -> memref<128x16xf32, #tpu.memory_space<vmem>>
      %dma_wait3A_512 = arith.constant 0 : i32
      %dma_wait3A_513 = tpu.memref_slice %arg14[%dma_wait3A_508, %dma_wait3A_512] : memref<6x128xi32, #tpu.memory_space<vmem>> -> memref<1x128xi32, #tpu.memory_space<vmem>>
      %dma_wait3A_514 = tpu.memref_squeeze %dma_wait3A_513 : memref<1x128xi32, #tpu.memory_space<vmem>> -> memref<128xi32, #tpu.memory_space<vmem>>
      %dma_wait3A_515 = arith.constant 0 : i32
      %dma_wait3A_516 = arith.constant 0 : i32
      %dma_wait3A_517 = tpu.memref_slice %arg2[%dma_wait3A_515, %dma_wait3A_516] : memref<100096x16xf32, #tpu.memory_space<hbm>> -> memref<100096x16xf32, #tpu.memory_space<hbm>>
      tpu.wait_indirect_dma semaphore(%arg21 : memref<!tpu.dma_semaphore, #tpu.memory_space<semaphore_mem>>) src(%dma_wait3A_517 : memref<100096x16xf32, #tpu.memory_space<hbm>>) dst(%dma_wait3A_511 : memref<128x16xf32, #tpu.memory_space<vmem>>)
      %dma_wait3A_518 = arith.constant 4 : i32
      %dma_wait3A_519 = arith.constant 512 : i32
      %dma_wait3A_520 = arith.constant 0 : i32
      %dma_wait3A_521 = tpu.memref_slice %arg16[%dma_wait3A_519, %dma_wait3A_520] : memref<768x16xf32, #tpu.memory_space<vmem>> -> memref<128x16xf32, #tpu.memory_space<vmem>>
      %dma_wait3A_522 = arith.constant 0 : i32
      %dma_wait3A_523 = tpu.memref_slice %arg13[%dma_wait3A_518, %dma_wait3A_522] : memref<6x128xi32, #tpu.memory_space<vmem>> -> memref<1x128xi32, #tpu.memory_space<vmem>>
      %dma_wait3A_524 = tpu.memref_squeeze %dma_wait3A_523 : memref<1x128xi32, #tpu.memory_space<vmem>> -> memref<128xi32, #tpu.memory_space<vmem>>
      %dma_wait3A_525 = arith.constant 0 : i32
      %dma_wait3A_526 = arith.constant 0 : i32
      %dma_wait3A_527 = tpu.memref_slice %arg2[%dma_wait3A_525, %dma_wait3A_526] : memref<100096x16xf32, #tpu.memory_space<hbm>> -> memref<100096x16xf32, #tpu.memory_space<hbm>>
      tpu.wait_indirect_dma semaphore(%arg21 : memref<!tpu.dma_semaphore, #tpu.memory_space<semaphore_mem>>) src(%dma_wait3A_527 : memref<100096x16xf32, #tpu.memory_space<hbm>>) dst(%dma_wait3A_521 : memref<128x16xf32, #tpu.memory_space<vmem>>)
      %dma_wait3A_528 = arith.constant 4 : i32
      %dma_wait3A_529 = arith.constant 512 : i32
      %dma_wait3A_530 = arith.constant 0 : i32
      %dma_wait3A_531 = tpu.memref_slice %arg17[%dma_wait3A_529, %dma_wait3A_530] : memref<768x16xf32, #tpu.memory_space<vmem>> -> memref<128x16xf32, #tpu.memory_space<vmem>>
      %dma_wait3A_532 = arith.constant 0 : i32
      %dma_wait3A_533 = tpu.memref_slice %arg14[%dma_wait3A_528, %dma_wait3A_532] : memref<6x128xi32, #tpu.memory_space<vmem>> -> memref<1x128xi32, #tpu.memory_space<vmem>>
      %dma_wait3A_534 = tpu.memref_squeeze %dma_wait3A_533 : memref<1x128xi32, #tpu.memory_space<vmem>> -> memref<128xi32, #tpu.memory_space<vmem>>
      %dma_wait3A_535 = arith.constant 0 : i32
      %dma_wait3A_536 = arith.constant 0 : i32
      %dma_wait3A_537 = tpu.memref_slice %arg2[%dma_wait3A_535, %dma_wait3A_536] : memref<100096x16xf32, #tpu.memory_space<hbm>> -> memref<100096x16xf32, #tpu.memory_space<hbm>>
      tpu.wait_indirect_dma semaphore(%arg21 : memref<!tpu.dma_semaphore, #tpu.memory_space<semaphore_mem>>) src(%dma_wait3A_537 : memref<100096x16xf32, #tpu.memory_space<hbm>>) dst(%dma_wait3A_531 : memref<128x16xf32, #tpu.memory_space<vmem>>)
      %dma_wait3A_538 = arith.constant 5 : i32
      %dma_wait3A_539 = arith.constant 640 : i32
      %dma_wait3A_540 = arith.constant 0 : i32
      %dma_wait3A_541 = tpu.memref_slice %arg16[%dma_wait3A_539, %dma_wait3A_540] : memref<768x16xf32, #tpu.memory_space<vmem>> -> memref<128x16xf32, #tpu.memory_space<vmem>>
      %dma_wait3A_542 = arith.constant 0 : i32
      %dma_wait3A_543 = tpu.memref_slice %arg13[%dma_wait3A_538, %dma_wait3A_542] : memref<6x128xi32, #tpu.memory_space<vmem>> -> memref<1x128xi32, #tpu.memory_space<vmem>>
      %dma_wait3A_544 = tpu.memref_squeeze %dma_wait3A_543 : memref<1x128xi32, #tpu.memory_space<vmem>> -> memref<128xi32, #tpu.memory_space<vmem>>
      %dma_wait3A_545 = arith.constant 0 : i32
      %dma_wait3A_546 = arith.constant 0 : i32
      %dma_wait3A_547 = tpu.memref_slice %arg2[%dma_wait3A_545, %dma_wait3A_546] : memref<100096x16xf32, #tpu.memory_space<hbm>> -> memref<100096x16xf32, #tpu.memory_space<hbm>>
      tpu.wait_indirect_dma semaphore(%arg21 : memref<!tpu.dma_semaphore, #tpu.memory_space<semaphore_mem>>) src(%dma_wait3A_547 : memref<100096x16xf32, #tpu.memory_space<hbm>>) dst(%dma_wait3A_541 : memref<128x16xf32, #tpu.memory_space<vmem>>)
      %dma_wait3A_548 = arith.constant 5 : i32
      %dma_wait3A_549 = arith.constant 640 : i32
      %dma_wait3A_550 = arith.constant 0 : i32
      %dma_wait3A_551 = tpu.memref_slice %arg17[%dma_wait3A_549, %dma_wait3A_550] : memref<768x16xf32, #tpu.memory_space<vmem>> -> memref<128x16xf32, #tpu.memory_space<vmem>>
      %dma_wait3A_552 = arith.constant 0 : i32
      %dma_wait3A_553 = tpu.memref_slice %arg14[%dma_wait3A_548, %dma_wait3A_552] : memref<6x128xi32, #tpu.memory_space<vmem>> -> memref<1x128xi32, #tpu.memory_space<vmem>>
      %dma_wait3A_554 = tpu.memref_squeeze %dma_wait3A_553 : memref<1x128xi32, #tpu.memory_space<vmem>> -> memref<128xi32, #tpu.memory_space<vmem>>
      %dma_wait3A_555 = arith.constant 0 : i32
      %dma_wait3A_556 = arith.constant 0 : i32
      %dma_wait3A_557 = tpu.memref_slice %arg2[%dma_wait3A_555, %dma_wait3A_556] : memref<100096x16xf32, #tpu.memory_space<hbm>> -> memref<100096x16xf32, #tpu.memory_space<hbm>>
      tpu.wait_indirect_dma semaphore(%arg21 : memref<!tpu.dma_semaphore, #tpu.memory_space<semaphore_mem>>) src(%dma_wait3A_557 : memref<100096x16xf32, #tpu.memory_space<hbm>>) dst(%dma_wait3A_551 : memref<128x16xf32, #tpu.memory_space<vmem>>)
      %add3A_558 = arith.constant 2 : i32
      %add3A_559 = arith.addi %add3A_425, %add3A_558 : i32
      %lt3A_560 = arith.constant 132 : i32
      %lt3A_561 = arith.cmpi slt, %add3A_559, %lt3A_560 : i32
      %convert_element_type3A_562 = arith.extui %lt3A_561 : i1 to i32
      %cond3A_563 = arith.constant 0 : i32
      %cond3A_564 = arith.cmpi ne, %convert_element_type3A_562, %cond3A_563 : i32
      scf.if %cond3A_564 {
        %add3A_631 = arith.constant 2 : i32
        %add3A_632 = arith.addi %add3A_425, %add3A_631 : i32
        %mul3A_633 = arith.constant 6 : i32
        %mul3A_634 = arith.muli %add3A_632, %mul3A_633 : i32
        %add3A_635 = arith.addi %mul3A_4, %mul3A_634 : i32
        %dma_start3A_636 = arith.constant 0 : i32
        %dma_start3A_637 = tpu.memref_slice %arg3[%add3A_635, %dma_start3A_636] : memref<25344x128xi32, #tpu.memory_space<hbm>> -> memref<6x128xi32, #tpu.memory_space<hbm>>
        %dma_start3A_638 = arith.constant 0 : i32
        %dma_start3A_639 = tpu.memref_slice %arg3[%add3A_635, %dma_start3A_638] : memref<25344x128xi32, #tpu.memory_space<hbm>> -> memref<6x128xi32, #tpu.memory_space<hbm>>
        tpu.enqueue_dma source(%dma_start3A_639 : memref<6x128xi32, #tpu.memory_space<hbm>>) target(%arg13 : memref<6x128xi32, #tpu.memory_space<vmem>>) target_semaphore(%arg22 : memref<!tpu.dma_semaphore, #tpu.memory_space<semaphore_mem>>)
        %dma_start3A_640 = arith.constant 0 : i32
        %dma_start3A_641 = tpu.memref_slice %arg4[%add3A_635, %dma_start3A_640] : memref<25344x128xi32, #tpu.memory_space<hbm>> -> memref<6x128xi32, #tpu.memory_space<hbm>>
        %dma_start3A_642 = arith.constant 0 : i32
        %dma_start3A_643 = tpu.memref_slice %arg4[%add3A_635, %dma_start3A_642] : memref<25344x128xi32, #tpu.memory_space<hbm>> -> memref<6x128xi32, #tpu.memory_space<hbm>>
        tpu.enqueue_dma source(%dma_start3A_643 : memref<6x128xi32, #tpu.memory_space<hbm>>) target(%arg14 : memref<6x128xi32, #tpu.memory_space<vmem>>) target_semaphore(%arg22 : memref<!tpu.dma_semaphore, #tpu.memory_space<semaphore_mem>>)
      } else {
      }
      %scan3A_565 = arith.constant 0 : i32
      %scan3A_566 = arith.constant 0 : i32
      %scan3A_567 = arith.constant 48 : i32
      %scan3A_568 = arith.addi %scan3A_566, %scan3A_567 : i32
      %scan3A_569 = arith.constant 1 : i32
      scf.for %scan3A_631 = %scan3A_566 to %scan3A_568 step %scan3A_569  : i32 {
        %mul3A_632 = arith.constant 16 : i32
        %mul3A_633 = arith.muli %scan3A_631, %mul3A_632 : i32
        %add3A_634 = vector.broadcast %mul3A_633 : i32 to vector<16xi32>
        %add3A_635 = arith.addi %add3A_634, %iota3A : vector<16xi32>
        %gather3A = tpu.vector_load_idx %arg16[%add3A_635, %broadcast_in_dim3A_5] : memref<768x16xf32, #tpu.memory_space<vmem>>[vector<16xi32>, vector<16xi32>], vector<16xf32>,
        %gather3A_636 = tpu.vector_load_idx %arg16[%add3A_635, %broadcast_in_dim3A_7] : memref<768x16xf32, #tpu.memory_space<vmem>>[vector<16xi32>, vector<16xi32>], vector<16xf32>,
        %gather3A_637 = tpu.vector_load_idx %arg16[%add3A_635, %broadcast_in_dim3A_9] : memref<768x16xf32, #tpu.memory_space<vmem>>[vector<16xi32>, vector<16xi32>], vector<16xf32>,
        %gather3A_638 = tpu.vector_load_idx %arg16[%add3A_635, %broadcast_in_dim3A_11] : memref<768x16xf32, #tpu.memory_space<vmem>>[vector<16xi32>, vector<16xi32>], vector<16xf32>,
        %gather3A_639 = tpu.vector_load_idx %arg17[%add3A_635, %broadcast_in_dim3A_5] : memref<768x16xf32, #tpu.memory_space<vmem>>[vector<16xi32>, vector<16xi32>], vector<16xf32>,
        %gather3A_640 = tpu.vector_load_idx %arg17[%add3A_635, %broadcast_in_dim3A_7] : memref<768x16xf32, #tpu.memory_space<vmem>>[vector<16xi32>, vector<16xi32>], vector<16xf32>,
        %gather3A_641 = tpu.vector_load_idx %arg17[%add3A_635, %broadcast_in_dim3A_13] : memref<768x16xf32, #tpu.memory_space<vmem>>[vector<16xi32>, vector<16xi32>], vector<16xf32>,
        %gather3A_642 = tpu.vector_load_idx %arg17[%add3A_635, %broadcast_in_dim3A_15] : memref<768x16xf32, #tpu.memory_space<vmem>>[vector<16xi32>, vector<16xi32>], vector<16xf32>,
        %sub3A = arith.subf %gather3A_639, %gather3A : vector<16xf32>
        %exp3A = math.exp %sub3A : vector<16xf32>
        %sub3A_643 = arith.subf %gather3A_640, %gather3A_636 : vector<16xf32>
        %exp3A_644 = math.exp %sub3A_643 : vector<16xf32>
        %add3A_645 = arith.addf %gather3A_637, %gather3A_641 : vector<16xf32>
        %add3A_646 = arith.addf %gather3A_638, %gather3A_642 : vector<16xf32>
        tpu.vector_store_idx %arg18[%add3A_635, %broadcast_in_dim3A_5], %exp3A : memref<768x8xf32, #tpu.memory_space<vmem>>[vector<16xi32>, vector<16xi32>], vector<16xf32>,
        tpu.vector_store_idx %arg18[%add3A_635, %broadcast_in_dim3A_7], %exp3A_644 : memref<768x8xf32, #tpu.memory_space<vmem>>[vector<16xi32>, vector<16xi32>], vector<16xf32>,
        %mul3A_647 = arith.mulf %exp3A, %add3A_645 : vector<16xf32>
        tpu.vector_store_idx %arg18[%add3A_635, %broadcast_in_dim3A_9], %mul3A_647 : memref<768x8xf32, #tpu.memory_space<vmem>>[vector<16xi32>, vector<16xi32>], vector<16xf32>,
        %mul3A_648 = arith.mulf %exp3A_644, %add3A_646 : vector<16xf32>
        tpu.vector_store_idx %arg18[%add3A_635, %broadcast_in_dim3A_11], %mul3A_648 : memref<768x8xf32, #tpu.memory_space<vmem>>[vector<16xi32>, vector<16xi32>], vector<16xf32>,
      }
      %scan3A_570 = arith.constant 48 : i32
      %dma_start3A_571 = arith.constant 0 : i32
      %dma_start3A_572 = arith.constant 0 : i32
      %dma_start3A_573 = arith.constant 0 : i32
      %dma_start3A_574 = tpu.memref_slice %arg18[%dma_start3A_572, %dma_start3A_573] : memref<768x8xf32, #tpu.memory_space<vmem>> -> memref<128x8xf32, #tpu.memory_space<vmem>>
      %dma_start3A_575 = arith.constant 0 : i32
      %dma_start3A_576 = tpu.memref_slice %arg15[%dma_start3A_571, %dma_start3A_575] : memref<6x128xi32, #tpu.memory_space<vmem>> -> memref<1x128xi32, #tpu.memory_space<vmem>>
      %dma_start3A_577 = tpu.memref_squeeze %dma_start3A_576 : memref<1x128xi32, #tpu.memory_space<vmem>> -> memref<128xi32, #tpu.memory_space<vmem>>
      %dma_start3A_578 = arith.constant 0 : i32
      %dma_start3A_579 = arith.constant 0 : i32
      %dma_start3A_580 = tpu.memref_slice %arg19[%dma_start3A_578, %dma_start3A_579] : memref<100096x8xf32, #tpu.memory_space<vmem_shared>> -> memref<100096x8xf32, #tpu.memory_space<vmem_shared>>
      tpu.enqueue_indirect_dma source(%dma_start3A_574 : memref<128x8xf32, #tpu.memory_space<vmem>>) target(%dma_start3A_580 : memref<100096x8xf32, #tpu.memory_space<vmem_shared>>) offsets(%dma_start3A_577 : memref<128xi32, #tpu.memory_space<vmem>>) semaphore(%arg23 : memref<!tpu.dma_semaphore, #tpu.memory_space<semaphore_mem>>) {add = true}
      %dma_start3A_581 = arith.constant 1 : i32
      %dma_start3A_582 = arith.constant 128 : i32
      %dma_start3A_583 = arith.constant 0 : i32
      %dma_start3A_584 = tpu.memref_slice %arg18[%dma_start3A_582, %dma_start3A_583] : memref<768x8xf32, #tpu.memory_space<vmem>> -> memref<128x8xf32, #tpu.memory_space<vmem>>
      %dma_start3A_585 = arith.constant 0 : i32
      %dma_start3A_586 = tpu.memref_slice %arg15[%dma_start3A_581, %dma_start3A_585] : memref<6x128xi32, #tpu.memory_space<vmem>> -> memref<1x128xi32, #tpu.memory_space<vmem>>
      %dma_start3A_587 = tpu.memref_squeeze %dma_start3A_586 : memref<1x128xi32, #tpu.memory_space<vmem>> -> memref<128xi32, #tpu.memory_space<vmem>>
      %dma_start3A_588 = arith.constant 0 : i32
      %dma_start3A_589 = arith.constant 0 : i32
      %dma_start3A_590 = tpu.memref_slice %arg19[%dma_start3A_588, %dma_start3A_589] : memref<100096x8xf32, #tpu.memory_space<vmem_shared>> -> memref<100096x8xf32, #tpu.memory_space<vmem_shared>>
      tpu.enqueue_indirect_dma source(%dma_start3A_584 : memref<128x8xf32, #tpu.memory_space<vmem>>) target(%dma_start3A_590 : memref<100096x8xf32, #tpu.memory_space<vmem_shared>>) offsets(%dma_start3A_587 : memref<128xi32, #tpu.memory_space<vmem>>) semaphore(%arg23 : memref<!tpu.dma_semaphore, #tpu.memory_space<semaphore_mem>>) {add = true}
      %dma_start3A_591 = arith.constant 2 : i32
      %dma_start3A_592 = arith.constant 256 : i32
      %dma_start3A_593 = arith.constant 0 : i32
      %dma_start3A_594 = tpu.memref_slice %arg18[%dma_start3A_592, %dma_start3A_593] : memref<768x8xf32, #tpu.memory_space<vmem>> -> memref<128x8xf32, #tpu.memory_space<vmem>>
      %dma_start3A_595 = arith.constant 0 : i32
      %dma_start3A_596 = tpu.memref_slice %arg15[%dma_start3A_591, %dma_start3A_595] : memref<6x128xi32, #tpu.memory_space<vmem>> -> memref<1x128xi32, #tpu.memory_space<vmem>>
      %dma_start3A_597 = tpu.memref_squeeze %dma_start3A_596 : memref<1x128xi32, #tpu.memory_space<vmem>> -> memref<128xi32, #tpu.memory_space<vmem>>
      %dma_start3A_598 = arith.constant 0 : i32
      %dma_start3A_599 = arith.constant 0 : i32
      %dma_start3A_600 = tpu.memref_slice %arg19[%dma_start3A_598, %dma_start3A_599] : memref<100096x8xf32, #tpu.memory_space<vmem_shared>> -> memref<100096x8xf32, #tpu.memory_space<vmem_shared>>
      tpu.enqueue_indirect_dma source(%dma_start3A_594 : memref<128x8xf32, #tpu.memory_space<vmem>>) target(%dma_start3A_600 : memref<100096x8xf32, #tpu.memory_space<vmem_shared>>) offsets(%dma_start3A_597 : memref<128xi32, #tpu.memory_space<vmem>>) semaphore(%arg23 : memref<!tpu.dma_semaphore, #tpu.memory_space<semaphore_mem>>) {add = true}
      %dma_start3A_601 = arith.constant 3 : i32
      %dma_start3A_602 = arith.constant 384 : i32
      %dma_start3A_603 = arith.constant 0 : i32
      %dma_start3A_604 = tpu.memref_slice %arg18[%dma_start3A_602, %dma_start3A_603] : memref<768x8xf32, #tpu.memory_space<vmem>> -> memref<128x8xf32, #tpu.memory_space<vmem>>
      %dma_start3A_605 = arith.constant 0 : i32
      %dma_start3A_606 = tpu.memref_slice %arg15[%dma_start3A_601, %dma_start3A_605] : memref<6x128xi32, #tpu.memory_space<vmem>> -> memref<1x128xi32, #tpu.memory_space<vmem>>
      %dma_start3A_607 = tpu.memref_squeeze %dma_start3A_606 : memref<1x128xi32, #tpu.memory_space<vmem>> -> memref<128xi32, #tpu.memory_space<vmem>>
      %dma_start3A_608 = arith.constant 0 : i32
      %dma_start3A_609 = arith.constant 0 : i32
      %dma_start3A_610 = tpu.memref_slice %arg19[%dma_start3A_608, %dma_start3A_609] : memref<100096x8xf32, #tpu.memory_space<vmem_shared>> -> memref<100096x8xf32, #tpu.memory_space<vmem_shared>>
      tpu.enqueue_indirect_dma source(%dma_start3A_604 : memref<128x8xf32, #tpu.memory_space<vmem>>) target(%dma_start3A_610 : memref<100096x8xf32, #tpu.memory_space<vmem_shared>>) offsets(%dma_start3A_607 : memref<128xi32, #tpu.memory_space<vmem>>) semaphore(%arg23 : memref<!tpu.dma_semaphore, #tpu.memory_space<semaphore_mem>>) {add = true}
      %dma_start3A_611 = arith.constant 4 : i32
      %dma_start3A_612 = arith.constant 512 : i32
      %dma_start3A_613 = arith.constant 0 : i32
      %dma_start3A_614 = tpu.memref_slice %arg18[%dma_start3A_612, %dma_start3A_613] : memref<768x8xf32, #tpu.memory_space<vmem>> -> memref<128x8xf32, #tpu.memory_space<vmem>>
      %dma_start3A_615 = arith.constant 0 : i32
      %dma_start3A_616 = tpu.memref_slice %arg15[%dma_start3A_611, %dma_start3A_615] : memref<6x128xi32, #tpu.memory_space<vmem>> -> memref<1x128xi32, #tpu.memory_space<vmem>>
      %dma_start3A_617 = tpu.memref_squeeze %dma_start3A_616 : memref<1x128xi32, #tpu.memory_space<vmem>> -> memref<128xi32, #tpu.memory_space<vmem>>
      %dma_start3A_618 = arith.constant 0 : i32
      %dma_start3A_619 = arith.constant 0 : i32
      %dma_start3A_620 = tpu.memref_slice %arg19[%dma_start3A_618, %dma_start3A_619] : memref<100096x8xf32, #tpu.memory_space<vmem_shared>> -> memref<100096x8xf32, #tpu.memory_space<vmem_shared>>
      tpu.enqueue_indirect_dma source(%dma_start3A_614 : memref<128x8xf32, #tpu.memory_space<vmem>>) target(%dma_start3A_620 : memref<100096x8xf32, #tpu.memory_space<vmem_shared>>) offsets(%dma_start3A_617 : memref<128xi32, #tpu.memory_space<vmem>>) semaphore(%arg23 : memref<!tpu.dma_semaphore, #tpu.memory_space<semaphore_mem>>) {add = true}
      %dma_start3A_621 = arith.constant 5 : i32
      %dma_start3A_622 = arith.constant 640 : i32
      %dma_start3A_623 = arith.constant 0 : i32
      %dma_start3A_624 = tpu.memref_slice %arg18[%dma_start3A_622, %dma_start3A_623] : memref<768x8xf32, #tpu.memory_space<vmem>> -> memref<128x8xf32, #tpu.memory_space<vmem>>
      %dma_start3A_625 = arith.constant 0 : i32
      %dma_start3A_626 = tpu.memref_slice %arg15[%dma_start3A_621, %dma_start3A_625] : memref<6x128xi32, #tpu.memory_space<vmem>> -> memref<1x128xi32, #tpu.memory_space<vmem>>
      %dma_start3A_627 = tpu.memref_squeeze %dma_start3A_626 : memref<1x128xi32, #tpu.memory_space<vmem>> -> memref<128xi32, #tpu.memory_space<vmem>>
      %dma_start3A_628 = arith.constant 0 : i32
      %dma_start3A_629 = arith.constant 0 : i32
      %dma_start3A_630 = tpu.memref_slice %arg19[%dma_start3A_628, %dma_start3A_629] : memref<100096x8xf32, #tpu.memory_space<vmem_shared>> -> memref<100096x8xf32, #tpu.memory_space<vmem_shared>>
      tpu.enqueue_indirect_dma source(%dma_start3A_624 : memref<128x8xf32, #tpu.memory_space<vmem>>) target(%dma_start3A_630 : memref<100096x8xf32, #tpu.memory_space<vmem_shared>>) offsets(%dma_start3A_627 : memref<128xi32, #tpu.memory_space<vmem>>) semaphore(%arg23 : memref<!tpu.dma_semaphore, #tpu.memory_space<semaphore_mem>>) {add = true}
    }
    %scan3A_157 = arith.constant 66 : i32
    %dma_wait3A = arith.constant 0 : i32
    %dma_wait3A_158 = arith.constant 0 : i32
    %dma_wait3A_159 = arith.constant 0 : i32
    %dma_wait3A_160 = tpu.memref_slice %arg18[%dma_wait3A_158, %dma_wait3A_159] : memref<768x8xf32, #tpu.memory_space<vmem>> -> memref<128x8xf32, #tpu.memory_space<vmem>>
    %dma_wait3A_161 = arith.constant 0 : i32
    %dma_wait3A_162 = tpu.memref_slice %arg15[%dma_wait3A, %dma_wait3A_161] : memref<6x128xi32, #tpu.memory_space<vmem>> -> memref<1x128xi32, #tpu.memory_space<vmem>>
    %dma_wait3A_163 = tpu.memref_squeeze %dma_wait3A_162 : memref<1x128xi32, #tpu.memory_space<vmem>> -> memref<128xi32, #tpu.memory_space<vmem>>
    %dma_wait3A_164 = arith.constant 0 : i32
    %dma_wait3A_165 = arith.constant 0 : i32
    %dma_wait3A_166 = tpu.memref_slice %arg19[%dma_wait3A_164, %dma_wait3A_165] : memref<100096x8xf32, #tpu.memory_space<vmem_shared>> -> memref<100096x8xf32, #tpu.memory_space<vmem_shared>>
    tpu.wait_indirect_dma semaphore(%arg23 : memref<!tpu.dma_semaphore, #tpu.memory_space<semaphore_mem>>) src(%dma_wait3A_160 : memref<128x8xf32, #tpu.memory_space<vmem>>) dst(%dma_wait3A_166 : memref<100096x8xf32, #tpu.memory_space<vmem_shared>>)
    %dma_wait3A_167 = arith.constant 1 : i32
    %dma_wait3A_168 = arith.constant 128 : i32
    %dma_wait3A_169 = arith.constant 0 : i32
    %dma_wait3A_170 = tpu.memref_slice %arg18[%dma_wait3A_168, %dma_wait3A_169] : memref<768x8xf32, #tpu.memory_space<vmem>> -> memref<128x8xf32, #tpu.memory_space<vmem>>
    %dma_wait3A_171 = arith.constant 0 : i32
    %dma_wait3A_172 = tpu.memref_slice %arg15[%dma_wait3A_167, %dma_wait3A_171] : memref<6x128xi32, #tpu.memory_space<vmem>> -> memref<1x128xi32, #tpu.memory_space<vmem>>
    %dma_wait3A_173 = tpu.memref_squeeze %dma_wait3A_172 : memref<1x128xi32, #tpu.memory_space<vmem>> -> memref<128xi32, #tpu.memory_space<vmem>>
    %dma_wait3A_174 = arith.constant 0 : i32
    %dma_wait3A_175 = arith.constant 0 : i32
    %dma_wait3A_176 = tpu.memref_slice %arg19[%dma_wait3A_174, %dma_wait3A_175] : memref<100096x8xf32, #tpu.memory_space<vmem_shared>> -> memref<100096x8xf32, #tpu.memory_space<vmem_shared>>
    tpu.wait_indirect_dma semaphore(%arg23 : memref<!tpu.dma_semaphore, #tpu.memory_space<semaphore_mem>>) src(%dma_wait3A_170 : memref<128x8xf32, #tpu.memory_space<vmem>>) dst(%dma_wait3A_176 : memref<100096x8xf32, #tpu.memory_space<vmem_shared>>)
    %dma_wait3A_177 = arith.constant 2 : i32
    %dma_wait3A_178 = arith.constant 256 : i32
    %dma_wait3A_179 = arith.constant 0 : i32
    %dma_wait3A_180 = tpu.memref_slice %arg18[%dma_wait3A_178, %dma_wait3A_179] : memref<768x8xf32, #tpu.memory_space<vmem>> -> memref<128x8xf32, #tpu.memory_space<vmem>>
    %dma_wait3A_181 = arith.constant 0 : i32
    %dma_wait3A_182 = tpu.memref_slice %arg15[%dma_wait3A_177, %dma_wait3A_181] : memref<6x128xi32, #tpu.memory_space<vmem>> -> memref<1x128xi32, #tpu.memory_space<vmem>>
    %dma_wait3A_183 = tpu.memref_squeeze %dma_wait3A_182 : memref<1x128xi32, #tpu.memory_space<vmem>> -> memref<128xi32, #tpu.memory_space<vmem>>
    %dma_wait3A_184 = arith.constant 0 : i32
    %dma_wait3A_185 = arith.constant 0 : i32
    %dma_wait3A_186 = tpu.memref_slice %arg19[%dma_wait3A_184, %dma_wait3A_185] : memref<100096x8xf32, #tpu.memory_space<vmem_shared>> -> memref<100096x8xf32, #tpu.memory_space<vmem_shared>>
    tpu.wait_indirect_dma semaphore(%arg23 : memref<!tpu.dma_semaphore, #tpu.memory_space<semaphore_mem>>) src(%dma_wait3A_180 : memref<128x8xf32, #tpu.memory_space<vmem>>) dst(%dma_wait3A_186 : memref<100096x8xf32, #tpu.memory_space<vmem_shared>>)
    %dma_wait3A_187 = arith.constant 3 : i32
    %dma_wait3A_188 = arith.constant 384 : i32
    %dma_wait3A_189 = arith.constant 0 : i32
    %dma_wait3A_190 = tpu.memref_slice %arg18[%dma_wait3A_188, %dma_wait3A_189] : memref<768x8xf32, #tpu.memory_space<vmem>> -> memref<128x8xf32, #tpu.memory_space<vmem>>
    %dma_wait3A_191 = arith.constant 0 : i32
    %dma_wait3A_192 = tpu.memref_slice %arg15[%dma_wait3A_187, %dma_wait3A_191] : memref<6x128xi32, #tpu.memory_space<vmem>> -> memref<1x128xi32, #tpu.memory_space<vmem>>
    %dma_wait3A_193 = tpu.memref_squeeze %dma_wait3A_192 : memref<1x128xi32, #tpu.memory_space<vmem>> -> memref<128xi32, #tpu.memory_space<vmem>>
    %dma_wait3A_194 = arith.constant 0 : i32
    %dma_wait3A_195 = arith.constant 0 : i32
    %dma_wait3A_196 = tpu.memref_slice %arg19[%dma_wait3A_194, %dma_wait3A_195] : memref<100096x8xf32, #tpu.memory_space<vmem_shared>> -> memref<100096x8xf32, #tpu.memory_space<vmem_shared>>
    tpu.wait_indirect_dma semaphore(%arg23 : memref<!tpu.dma_semaphore, #tpu.memory_space<semaphore_mem>>) src(%dma_wait3A_190 : memref<128x8xf32, #tpu.memory_space<vmem>>) dst(%dma_wait3A_196 : memref<100096x8xf32, #tpu.memory_space<vmem_shared>>)
    %dma_wait3A_197 = arith.constant 4 : i32
    %dma_wait3A_198 = arith.constant 512 : i32
    %dma_wait3A_199 = arith.constant 0 : i32
    %dma_wait3A_200 = tpu.memref_slice %arg18[%dma_wait3A_198, %dma_wait3A_199] : memref<768x8xf32, #tpu.memory_space<vmem>> -> memref<128x8xf32, #tpu.memory_space<vmem>>
    %dma_wait3A_201 = arith.constant 0 : i32
    %dma_wait3A_202 = tpu.memref_slice %arg15[%dma_wait3A_197, %dma_wait3A_201] : memref<6x128xi32, #tpu.memory_space<vmem>> -> memref<1x128xi32, #tpu.memory_space<vmem>>
    %dma_wait3A_203 = tpu.memref_squeeze %dma_wait3A_202 : memref<1x128xi32, #tpu.memory_space<vmem>> -> memref<128xi32, #tpu.memory_space<vmem>>
    %dma_wait3A_204 = arith.constant 0 : i32
    %dma_wait3A_205 = arith.constant 0 : i32
    %dma_wait3A_206 = tpu.memref_slice %arg19[%dma_wait3A_204, %dma_wait3A_205] : memref<100096x8xf32, #tpu.memory_space<vmem_shared>> -> memref<100096x8xf32, #tpu.memory_space<vmem_shared>>
    tpu.wait_indirect_dma semaphore(%arg23 : memref<!tpu.dma_semaphore, #tpu.memory_space<semaphore_mem>>) src(%dma_wait3A_200 : memref<128x8xf32, #tpu.memory_space<vmem>>) dst(%dma_wait3A_206 : memref<100096x8xf32, #tpu.memory_space<vmem_shared>>)
    %dma_wait3A_207 = arith.constant 5 : i32
    %dma_wait3A_208 = arith.constant 640 : i32
    %dma_wait3A_209 = arith.constant 0 : i32
    %dma_wait3A_210 = tpu.memref_slice %arg18[%dma_wait3A_208, %dma_wait3A_209] : memref<768x8xf32, #tpu.memory_space<vmem>> -> memref<128x8xf32, #tpu.memory_space<vmem>>
    %dma_wait3A_211 = arith.constant 0 : i32
    %dma_wait3A_212 = tpu.memref_slice %arg15[%dma_wait3A_207, %dma_wait3A_211] : memref<6x128xi32, #tpu.memory_space<vmem>> -> memref<1x128xi32, #tpu.memory_space<vmem>>
    %dma_wait3A_213 = tpu.memref_squeeze %dma_wait3A_212 : memref<1x128xi32, #tpu.memory_space<vmem>> -> memref<128xi32, #tpu.memory_space<vmem>>
    %dma_wait3A_214 = arith.constant 0 : i32
    %dma_wait3A_215 = arith.constant 0 : i32
    %dma_wait3A_216 = tpu.memref_slice %arg19[%dma_wait3A_214, %dma_wait3A_215] : memref<100096x8xf32, #tpu.memory_space<vmem_shared>> -> memref<100096x8xf32, #tpu.memory_space<vmem_shared>>
    tpu.wait_indirect_dma semaphore(%arg23 : memref<!tpu.dma_semaphore, #tpu.memory_space<semaphore_mem>>) src(%dma_wait3A_210 : memref<128x8xf32, #tpu.memory_space<vmem>>) dst(%dma_wait3A_216 : memref<100096x8xf32, #tpu.memory_space<vmem_shared>>)
    %barrier3A_217 = arith.constant 0 : index
    tpu.barrier barrier_id(%barrier3A_217)
    "tpu.region"() ({
      %run_scoped3A = tpu.sem_alloc : memref<!tpu.dma_semaphore, #tpu.memory_space<semaphore_mem>>
      %dma_start3A_218 = arith.constant 0 : i32
      %dma_start3A_219 = tpu.memref_slice %arg6[%arg0, %mul3A_2, %dma_start3A_218] : memref<2x100096x8xf32, #tpu.memory_space<hbm>> -> memref<1x6256x8xf32, #tpu.memory_space<hbm>>
      %dma_start3A_220 = tpu.memref_squeeze %dma_start3A_219 : memref<1x6256x8xf32, #tpu.memory_space<hbm>> -> memref<6256x8xf32, #tpu.memory_space<hbm>>
      %dma_start3A_221 = arith.constant 0 : i32
      %dma_start3A_222 = tpu.memref_slice %arg19[%mul3A_2, %dma_start3A_221] : memref<100096x8xf32, #tpu.memory_space<vmem_shared>> -> memref<6256x8xf32, #tpu.memory_space<vmem_shared>>
      tpu.enqueue_dma source(%dma_start3A_222 : memref<6256x8xf32, #tpu.memory_space<vmem_shared>>) target(%dma_start3A_220 : memref<6256x8xf32, #tpu.memory_space<hbm>>) target_semaphore(%run_scoped3A : memref<!tpu.dma_semaphore, #tpu.memory_space<semaphore_mem>>)
      %dma_wait3A_223 = arith.constant 0 : i32
      %dma_wait3A_224 = tpu.memref_slice %arg6[%arg0, %mul3A_2, %dma_wait3A_223] : memref<2x100096x8xf32, #tpu.memory_space<hbm>> -> memref<1x6256x8xf32, #tpu.memory_space<hbm>>
      %dma_wait3A_225 = tpu.memref_squeeze %dma_wait3A_224 : memref<1x6256x8xf32, #tpu.memory_space<hbm>> -> memref<6256x8xf32, #tpu.memory_space<hbm>>
      %dma_wait3A_226 = arith.constant 0 : i32
      %dma_wait3A_227 = tpu.memref_slice %arg19[%mul3A_2, %dma_wait3A_226] : memref<100096x8xf32, #tpu.memory_space<vmem_shared>> -> memref<6256x8xf32, #tpu.memory_space<vmem_shared>>
      tpu.wait_dma2 semaphore(%run_scoped3A : memref<!tpu.dma_semaphore, #tpu.memory_space<semaphore_mem>>) src(%dma_wait3A_227 : memref<6256x8xf32, #tpu.memory_space<vmem_shared>>) dst(%dma_wait3A_225 : memref<6256x8xf32, #tpu.memory_space<hbm>>)
      tpu.yield
    }) : () -> ()
    return
  }
}

module attributes {stable_mosaic.version = 14 : i64} {
  func.func @_prologue_body(%arg0: i32, %arg1: memref<3128x15xf32, #tpu.memory_space<vmem>>, %arg2: memref<15x16xf32, #tpu.memory_space<vmem>>, %arg3: memref<1x16xf32, #tpu.memory_space<vmem>>, %arg4: memref<3128x16xf32, #tpu.memory_space<vmem>>) attributes {dimension_semantics = [#tpu.dimension_semantics<arbitrary>], iteration_bounds = array<i64: 32>, scalar_prefetch = 0 : i64, scratch_operands = 0 : i64, tpu.core_type = #tpu.core_type<tc>, window_params = [{transform_indices = @transform_0, window_bounds = array<i64: 3128, 15>}, {pipeline_mode = #tpu.pipeline_mode<synchronous>, transform_indices = @transform_1, window_bounds = array<i64: 15, 16>}, {pipeline_mode = #tpu.pipeline_mode<synchronous>, transform_indices = @transform_2, window_bounds = array<i64: 1, 16>}, {transform_indices = @transform_3, window_bounds = array<i64: 3128, 16>}]} {
    %get3A = arith.constant 0 : index
    %get3A_0 = arith.constant 0 : index
    %get3A_1 = vector.load %arg1[%get3A, %get3A_0] : memref<3128x15xf32, #tpu.memory_space<vmem>>, vector<3128x15xf32>
    %get3A_2 = arith.constant 0 : index
    %get3A_3 = arith.constant 0 : index
    %get3A_4 = vector.load %arg2[%get3A_2, %get3A_3] : memref<15x16xf32, #tpu.memory_space<vmem>>, vector<15x16xf32>
    %dot_general3A = arith.constant dense<0.000000e+00> : vector<3128x16xf32>
    %dot_general3A_5 = tpu.matmul %get3A_1, %get3A_4, %dot_general3A {dimension_numbers = #tpu.dot_dimension_numbers<[1], [0], [0], [1], [0, 0, 1, 1], [], []>, transpose_lhs_hint = false} : vector<3128x15xf32>, vector<15x16xf32>, vector<3128x16xf32> -> vector<3128x16xf32>
    %get3A_6 = arith.constant 0 : index
    %get3A_7 = arith.constant 0 : index
    %get3A_8 = vector.load %arg3[%get3A_6, %get3A_7] : memref<1x16xf32, #tpu.memory_space<vmem>>, vector<1x16xf32>
    %add3A = vector.broadcast %get3A_8 : vector<1x16xf32> to vector<3128x16xf32>
    %add3A_9 = arith.addf %dot_general3A_5, %add3A : vector<3128x16xf32>
    %swap3A = arith.constant 0 : index
    %swap3A_10 = arith.constant 0 : index
    %swap3A_11 = vector.load %arg4[%swap3A, %swap3A_10] : memref<3128x16xf32, #tpu.memory_space<vmem>>, vector<3128x16xf32>
    tpu.vector_store %arg4[%swap3A, %swap3A_10], %add3A_9 {strides = array<i32>} : memref<3128x16xf32, #tpu.memory_space<vmem>>, vector<3128x16xf32>,
    return
  }
  func.func @transform_0(%arg0: i32) -> (i32, i32) {
    %c0_i32 = arith.constant 0 : i32
    %c0_i32_0 = arith.constant 0 : i32
    return %arg0, %c0_i32 : i32, i32
  }
  func.func @transform_1(%arg0: i32) -> (i32, i32) {
    %c0_i32 = arith.constant 0 : i32
    %c0_i32_0 = arith.constant 0 : i32
    %c0_i32_1 = arith.constant 0 : i32
    return %c0_i32, %c0_i32_0 : i32, i32
  }
  func.func @transform_2(%arg0: i32) -> (i32, i32) {
    %c0_i32 = arith.constant 0 : i32
    %c0_i32_0 = arith.constant 0 : i32
    %c0_i32_1 = arith.constant 0 : i32
    return %c0_i32, %c0_i32_0 : i32, i32
  }
  func.func @transform_3(%arg0: i32) -> (i32, i32) {
    %c0_i32 = arith.constant 0 : i32
    %c0_i32_0 = arith.constant 0 : i32
    return %arg0, %c0_i32 : i32, i32
  }
}

module attributes {stable_mosaic.version = 14 : i64} {
  func.func @_epilogue_body(%arg0: i32, %arg1: memref<3128x16xf32, #tpu.memory_space<vmem>>, %arg2: memref<2x3128x8xf32, #tpu.memory_space<vmem>>, %arg3: memref<3128x2xf32, #tpu.memory_space<vmem>>) attributes {dimension_semantics = [#tpu.dimension_semantics<arbitrary>], iteration_bounds = array<i64: 32>, scalar_prefetch = 0 : i64, scratch_operands = 0 : i64, tpu.core_type = #tpu.core_type<tc>, window_params = [{transform_indices = @transform_0, window_bounds = array<i64: 3128, 16>}, {transform_indices = @transform_1, window_bounds = array<i64: 2, 3128, 8>}, {transform_indices = @transform_2, window_bounds = array<i64: 3128, 2>}]} {
    %get3A = arith.constant 0 : index
    %get3A_0 = arith.constant 0 : index
    %get3A_1 = vector.load %arg1[%get3A, %get3A_0] : memref<3128x16xf32, #tpu.memory_space<vmem>>, vector<3128x16xf32>
    %get3A_2 = arith.constant 0 : index
    %get3A_3 = arith.constant 0 : index
    %get3A_4 = arith.constant 0 : index
    %get3A_5 = vector.load %arg2[%get3A_2, %get3A_3, %get3A_4] : memref<2x3128x8xf32, #tpu.memory_space<vmem>>, vector<2x3128x8xf32>
    %slice3A = vector.extract_strided_slice %get3A_5 {offsets = [0, 0, 0], sizes = [1, 3128, 2], strides = [1, 1, 1]} : vector<2x3128x8xf32> to vector<1x3128x2xf32>
    %squeeze3A = vector.shape_cast %slice3A : vector<1x3128x2xf32> to vector<3128x2xf32>
    %add3A = arith.constant 1.000000e+00 : f32
    %add3A_6 = vector.broadcast %add3A : f32 to vector<3128x2xf32>
    %add3A_7 = arith.addf %add3A_6, %squeeze3A : vector<3128x2xf32>
    %slice3A_8 = vector.extract_strided_slice %get3A_5 {offsets = [1, 0, 0], sizes = [1, 3128, 2], strides = [1, 1, 1]} : vector<2x3128x8xf32> to vector<1x3128x2xf32>
    %squeeze3A_9 = vector.shape_cast %slice3A_8 : vector<1x3128x2xf32> to vector<3128x2xf32>
    %add3A_10 = arith.addf %add3A_7, %squeeze3A_9 : vector<3128x2xf32>
    %add3A_11 = arith.constant 1.000000e-16 : f32
    %add3A_12 = vector.broadcast %add3A_11 : f32 to vector<3128x2xf32>
    %add3A_13 = arith.addf %add3A_10, %add3A_12 : vector<3128x2xf32>
    %slice3A_14 = vector.extract_strided_slice %get3A_1 {offsets = [0, 2], sizes = [3128, 2], strides = [1, 1]} : vector<3128x16xf32> to vector<3128x2xf32>
    %slice3A_15 = vector.extract_strided_slice %get3A_1 {offsets = [0, 4], sizes = [3128, 2], strides = [1, 1]} : vector<3128x16xf32> to vector<3128x2xf32>
    %add3A_16 = arith.addf %slice3A_14, %slice3A_15 : vector<3128x2xf32>
    %slice3A_17 = vector.extract_strided_slice %get3A_5 {offsets = [0, 0, 2], sizes = [1, 3128, 2], strides = [1, 1, 1]} : vector<2x3128x8xf32> to vector<1x3128x2xf32>
    %squeeze3A_18 = vector.shape_cast %slice3A_17 : vector<1x3128x2xf32> to vector<3128x2xf32>
    %add3A_19 = arith.addf %add3A_16, %squeeze3A_18 : vector<3128x2xf32>
    %slice3A_20 = vector.extract_strided_slice %get3A_5 {offsets = [1, 0, 2], sizes = [1, 3128, 2], strides = [1, 1, 1]} : vector<2x3128x8xf32> to vector<1x3128x2xf32>
    %squeeze3A_21 = vector.shape_cast %slice3A_20 : vector<1x3128x2xf32> to vector<3128x2xf32>
    %add3A_22 = arith.addf %add3A_19, %squeeze3A_21 : vector<3128x2xf32>
    %div3A = arith.divf %add3A_22, %add3A_13 : vector<3128x2xf32>
    %swap3A = arith.constant 0 : index
    %swap3A_23 = arith.constant 0 : index
    %swap3A_24 = vector.load %arg3[%swap3A, %swap3A_23] : memref<3128x2xf32, #tpu.memory_space<vmem>>, vector<3128x2xf32>
    tpu.vector_store %arg3[%swap3A, %swap3A_23], %div3A {strides = array<i32>} : memref<3128x2xf32, #tpu.memory_space<vmem>>, vector<3128x2xf32>,
    return
  }
  func.func @transform_0(%arg0: i32) -> (i32, i32) {
    %c0_i32 = arith.constant 0 : i32
    %c0_i32_0 = arith.constant 0 : i32
    return %arg0, %c0_i32 : i32, i32
  }
  func.func @transform_1(%arg0: i32) -> (i32, i32, i32) {
    %c0_i32 = arith.constant 0 : i32
    %c0_i32_0 = arith.constant 0 : i32
    %c0_i32_1 = arith.constant 0 : i32
    return %c0_i32, %arg0, %c0_i32_0 : i32, i32, i32
  }
  func.func @transform_2(%arg0: i32) -> (i32, i32) {
    %c0_i32 = arith.constant 0 : i32
    %c0_i32_0 = arith.constant 0 : i32
    return %arg0, %c0_i32 : i32, i32
  }
}

</mosaic_0001>

<sc_bundles>
// kernel: kernel.5.cloned.1.call-start
scs
__scs_entry_jumppad:
0x0: {  	(pc) =	sbr.rel $0x88, $3  }
0x1: {  	(tag) =	ssettag $0x0;
	lr =	simm.s32 $0x1  }
0x2: {  	[smem:$0x3F9B] =	sst lr;
	_ =	strace $0xD0000000  }
0x3: {  	_ = 	snop  }
0x4: {  	_ = 	snop  }
0x5: {  	_ = 	snop  }
0x6: {  	_ = 	snop  }
0x7: {  	_ = 	snop  }
__scs_overlays_trampoline_lowered:
0x8: {  	[smem:$0x3FAA] =	sst s0  }
0x9: {  	[smem:$0x3FAB] =	sst s1  }
0xa: {  	[smem:$0x3FAC] =	sst s2  }
0xb: {  	[smem:$0x3FAD] =	sst s3  }
0xc: {  	[smem:$0x3FAE] =	sst s4  }
0xd: {  	[smem:$0x3FAF] =	sst s5  }
0xe: {  	[smem:$0x3FB0] =	sst s6  }
0xf: {  	[smem:$0x3FB1] =	sst s7  }
0x10: {  	[smem:$0x3FB2] =	sst s8  }
0x11: {  	[smem:$0x3FB3] =	sst s9;
	s0 =	simm.s32 @!p0 $0x0  }
0x12: {  	s1 =	sld [smem:$0x3F99];
	s0 =	simm.s32 @p0 $0x1  }
0x13: {  	[smem:$0x3FB4] =	sst s0;
	s0 =	simm.s32 @!p1 $0x0  }
0x14: {  	s2 =	sld [smem:$0x3F98];
	s0 =	simm.s32 @p1 $0x1  }
0x15: {  	[smem:$0x3FB5] =	sst s0;
	s0 =	simm.s32 @!p2 $0x0  }
0x16: {  	s3 =	sld [smem:$0x3FDB];
	s0 =	simm.s32 @p2 $0x1  }
0x17: {  	s4 =	simm.s32 $0x1BF5;
	[smem:$0x3FB7] =	sst s0  }
0x18: {  	s0 =	sld [smem:$0x3F9A];
	_ =	swait.ge [sflag:s4], $0x0  }
0x19: {  	s7 =	sld [smem:$0x3F9B]  }
0x1a: {  	s8 =	sadd.s32 $0xFFFFE003, lr  }
0x1b: {  	s9 =	sadd.s32 $0xFFFFFEF7, lr;
	s5 =	simm.s32 $0xFFFFFFFF;
	p2 =	slt.u32 s8, $0xFFFFF086  }
0x1c: {  	p1 =	slt.u32 s9, $0xF7A;
	s5 =	simm.s32 @!p2 $0x0  }
0x1d: {  	s5 =	simm.s32 @p1 $0x1;
	p0 =	seq.s32 s7, s2  }
0x1e: {  	s7 =	smul.u32 @!p0 $0xF7A, s2;
	p2 =	seq.s32 @!p0 s5, $0x0  }
0x1f: {  	s9 =	smul.u32 $0xF7A, s1;
	s8 =	simm.s32 @!p0 $0x1BF5;
	p2 =	por !p2, p0  }
0x20: {  	[sflag:s8] =	ssyncset.s32 @!p0 $0xFFFFF086;
	s6 =	sadd.s32 @!p0 s3, s7;
	s7 =	simm.s32 @!p0 $0x108  }
0x21: {  	s3 =	sadd.s32 s3, s9;
	s6 =	sadd.s32 @!p0 $0x88, s6;
	s7 =	simm.s32 @p2 $0x1082  }
0x22: {  	[simem:s7], [sflag:s8] =	dma.local @!p0 [hbm:s6], $0xF7A  }
0x23: {  	s9 =	sor.u32 $0xD0000000, s2;
	s6 =	simm.s32 $0x108;
	_ =	swait.ge @!p0 [sflag:s8], $0x0  }
0x24: {  	s3 =	sadd.s32 $0x88, s3;
	s6 =	simm.s32 @!p1 $0x1082;
	[sflag:s4] =	ssyncset.s32 $0xFFFFF086  }
0x25: {  	[simem:s6], [sflag:s4] =	dma.local [hbm:s3], $0xF7A  }
0x26: {  	[smem:$0x3F9B] =	sst s1;
	(tag) =	ssettag s2;
	_ =	strace s9  }
0x27: {  	s1 =	sld [smem:$0x3FAB]  }
0x28: {  	s2 =	sld [smem:$0x3FAC]  }
0x29: {  	s4 =	sld [smem:$0x3FAE]  }
0x2a: {  	p0 =	seq.s32 s5, $0x0;
	s5 =	sld [smem:$0x3FAF]  }
0x2b: {  	s6 =	sld [smem:$0x3FB0]  }
0x2c: {  	s7 =	sld [smem:$0x3FB1]  }
0x2d: {  	s3 =	simm.s32 $0x108;
	s8 =	sld [smem:$0x3FB2]  }
0x2e: {  	s3 =	simm.s32 @!p0 $0x1082;
	s9 =	sld [smem:$0x3FB3]  }
0x2f: {  	lr =	sadd.s32 s0, s3;
	s0 =	sld [smem:$0x3FAA]  }
0x30: {  	s3 =	sld [smem:$0x3FAD]  }
0x31: {  	[smem:$0x3FB6] =	sst s10  }
0x32: {  	s10 =	sld [smem:$0x3FB4];
	_ =	sdelay $0x3  }
0x33: {  	p0 =	seq.s32 s10, $0x1;
	s10 =	sld [smem:$0x3FB6];
	_ =	sdelay $0x3  }
0x34: {  	[smem:$0x3FB6] =	sst s10  }
0x35: {  	s10 =	sld [smem:$0x3FB5];
	_ =	sdelay $0x3  }
0x36: {  	p1 =	seq.s32 s10, $0x1;
	s10 =	sld [smem:$0x3FB6];
	_ =	sdelay $0x3  }
0x37: {  	[smem:$0x3FB6] =	sst s10  }
0x38: {  	s10 =	sld [smem:$0x3FB7]  }
0x39: {  	_ = 	snop;
	(pc) =	sbr.ind lr, $3  }
0x3a: {  	_ = 	snop  }
0x3b: {  	_ = 	snop  }
0x3c: {  	p2 =	seq.s32 s10, $0x1;
	s10 =	sld [smem:$0x3FB6]  }
0x3d: {  	_ =	shalt  }
0x3e: {  	_ =	shalt  }
0x3f: {  	_ =	shalt  }
0x40: {  	_ =	shalt  }
0x41: {  	_ =	shalt  }
0x42: {  	_ =	shalt  }
0x43: {  	_ =	shalt  }
0x44: {  	_ =	shalt  }
0x45: {  	_ =	shalt  }
0x46: {  	_ =	shalt  }
0x47: {  	_ =	shalt  }
0x48: {  	_ =	shalt  }
0x49: {  	_ =	shalt  }
0x4a: {  	_ =	shalt  }
0x4b: {  	_ =	shalt  }
0x4c: {  	_ =	shalt  }
0x4d: {  	_ =	shalt  }
0x4e: {  	_ =	shalt  }
0x4f: {  	_ =	shalt  }
0x50: {  	_ =	shalt  }
0x51: {  	_ =	shalt  }
0x52: {  	_ =	shalt  }
0x53: {  	_ =	shalt  }
0x54: {  	_ =	shalt  }
0x55: {  	_ =	shalt  }
0x56: {  	_ =	shalt  }
0x57: {  	_ =	shalt  }
0x58: {  	_ =	shalt  }
0x59: {  	_ =	shalt  }
0x5a: {  	_ =	shalt  }
0x5b: {  	_ =	shalt  }
0x5c: {  	_ =	shalt  }
0x5d: {  	_ =	shalt  }
0x5e: {  	_ =	shalt  }
0x5f: {  	_ =	shalt  }
0x60: {  	_ =	shalt  }
0x61: {  	_ =	shalt  }
0x62: {  	_ =	shalt  }
0x63: {  	_ =	shalt  }
0x64: {  	_ =	shalt  }
0x65: {  	_ =	shalt  }
0x66: {  	_ =	shalt  }
0x67: {  	_ =	shalt  }
0x68: {  	_ =	shalt  }
0x69: {  	_ =	shalt  }
0x6a: {  	_ =	shalt  }
0x6b: {  	_ =	shalt  }
0x6c: {  	_ =	shalt  }
0x6d: {  	_ =	shalt  }
0x6e: {  	_ =	shalt  }
0x6f: {  	_ =	shalt  }
0x70: {  	_ =	shalt  }
0x71: {  	_ =	shalt  }
0x72: {  	_ =	shalt  }
0x73: {  	_ =	shalt  }
0x74: {  	_ =	shalt  }
0x75: {  	_ =	shalt  }
0x76: {  	_ =	shalt  }
0x77: {  	_ =	shalt  }
0x78: {  	_ =	shalt  }
0x79: {  	_ =	shalt  }
0x7a: {  	_ =	shalt  }
0x7b: {  	_ =	shalt  }
0x7c: {  	_ =	shalt  }
0x7d: {  	_ =	shalt  }
0x7e: {  	_ =	shalt  }
0x7f: {  	_ =	shalt  }
0x80: {  	_ =	shalt  }
0x81: {  	_ =	shalt  }
0x82: {  	_ =	shalt  }
0x83: {  	_ =	shalt  }
0x84: {  	_ =	shalt  }
0x85: {  	_ =	shalt  }
0x86: {  	_ =	shalt  }
0x87: {  	_ =	shalt  }
.Lfunc_end0:
.L_simem_size_0:
called_computation_lowered:
.L_overlay_start_0:
0x88: {  	s2 =	sld [smem:$0x3FD9]  }
0x89: {  	s3 =	sld [smem:$0x3FFE];
	_ =	sdelay $0x1  }
0x8a: {  	s1 =	srdreg.scid  }
0x8b: {  	s0 =	sand.u32 $0x1, s1  }
0x8c: {  	s16 =	sshll.u32 s0, $0xA;
	s2 =	sadd.s32 s3, s2  }
0x8d: {  	s2 =	sadd.s32 s2, s16  }
0x8e: {  	[smem:$0x3FC2] =	sst s2  }
0x8f: {  	_ = 	snop  }
0x90: {  	(tm) =	ssettm $0x1  }
0x91: {  	s17 =	sld [smem:$0x3FFB];
	_ =	sdelay $0x3  }
0x92: {  	_ =	strace s17  }
0x93: {  	s2 =	sld [smem:$0x3FFC];
	_ =	sdelay $0x3  }
0x94: {  	_ =	strace s2  }
0x95: {  	s2 =	sld [smem:$0x3FFD];
	_ =	sdelay $0x3  }
0x96: {  	_ =	strace s2  }
0x97: {  	_ =	strace $0x8FFFFFFF  }
0x98: {  	s18 =	sld [smem:$0x3FDB];
	_ =	sdelay $0x1  }
0x99: {  	s19 =	simm.s32 $_scs_section_size  }
0x9a: {  	s4 =	simm.s32 $_size__tile_overlayer_lowered;
	s5 =	simm.s32 $_tile_overlayer_lowered  }
0x9b: {  	s22 =	simm.s32 $0x1BFF;
	s21 =	sshll.u32 s5, $0x1;
	s2 =	sadd.s32 s19, s18  }
0x9c: {  	s6 =	simm.s32 $0x0;
	s20 =	sshll.u32 s4, $0x1;
	s4 =	sadd.s32 s21, s2  }
0x9d: {  	[timem:s6], [sflag:s22] =	dma.local [hbm:s4], s20  }
0x9e: {  	_ =	swait.ge [sflag:s22], s20  }
0x9f: {  	s3 =	ssub.s32 $0x0, s20;
	[sflag:s22] =	ssyncset.done $0x0  }
0xa0: {  	[sflag:s22] =	ssyncadd.s32 s3;
	_ =	sdelay $0x1  }
0xa1: {  	s23 =	simm.s32 $0x1B8B  }
0xa2: {  	_ =	swait.ge [sflag:s23], $0x1  }
0xa3: {  	[sflag:s23] =	ssyncset.done $0x0  }
0xa4: {  	s25 =	simm.s32 $0x1B8E;
	s24 =	sld [smem:$0x3FFE];
	[sflag:s23] =	ssyncadd.s32 $0xFFFFFFFF  }
0xa5: {  	s26 =	simm.s32 $execute0_lowered;
	[smem:$0x3FD2] =	sst s25  }
0xa6: {  	s4 =	sshll.u32 s26, $0x1;
	_ =	strace $0x80000046;
	[dreg:$0x1] =	wrdreg $0xFFFFFFFF  }
0xa7: {  	s28 =	simm.s32 $_size_execute0_lowered;
	s2 =	sadd.s32 s2, s4;
	[dreg:$0x0] =	wrdreg $0x0  }
0xa8: {  	s4 =	sshll.u32 s28, $0x1;
	[dreg:$0x2] =	wrdreg s2  }
0xa9: {  	[dreg:$0x3] =	wrdreg s4  }
0xaa: {  	[dreg:$0x4] =	wrdreg $0xC0  }
0xab: {  	_ =	task [dreg:s6], $0x5FFFF  }
0xac: {  	[dreg:$0x1] =	wrdreg $0xFFFFFFFF  }
0xad: {  	[dreg:$0x0] =	wrdreg $0x60  }
0xae: {  	[dreg:$0x2] =	wrdreg s24  }
0xaf: {  	[dreg:$0x3] =	wrdreg $0x102000  }
0xb0: {  	[dreg:$0x4] =	wrdreg $0x9  }
0xb1: {  	_ =	task.clear_ibuf [dreg:s6], $0x5FFFF;
	_ =	strace $0x90000046  }
0xb2: {  	s29 =	simm.s32 $0x9;
	_ =	strace $0x80000048  }
0xb3: {  	_ =	swait.ge [sflag:s29], $0x1  }
0xb4: {  	[sflag:s29] =	ssyncadd.s32 $0xFFFFFFFF  }
0xb5: {  	_ =	strace $0x90000048  }
0xb6: {  	_ =	sfence  }
0xb7: {  	s30 =	sld [smem:$0x0];
	_ =	sdelay $0x2  }
0xb8: {  	s31 =	sshll.u32 s1, $0xD;
	s1 =	sshrl.u32 s1, $0x2  }
0xb9: {  	s3 =	sand.u32 $0x4000, s31;
	s1 =	sadd.s32 s1, s30  }
0xba: {  	s0 =	sor.u32 s3, s0;
	s1 =	sshll.u32 s1, $0x11  }
0xbb: {  	s0 =	sor.u32 s1, s0  }
0xbc: {  	s0 =	sadd.s32 $0x8F2B, s0  }
0xbd: {  	[sflag:s0] =	ssyncadd.remote.s32 $0x1  }
0xbe: {  	_ =	sfence.sel $0xFFFF  }
0xbf: {  	[dreg:$0x0] =	wrdreg $0xFFFFFFFF;
	(pc) =	sbr.abs _section_cstart, $3  }
0xc0: {  	[dreg:$0x1] =	wrdreg $0xFFFFFFFF  }
0xc1: {  	_ =	task.clear_ibuf [dreg:s6], $0x2FFFF;
	_ =	strace $0x9FFFFFFF  }
0xc2: {  	(tm) =	ssettm $0x7FFFFFFF  }
0xc3: {  	_ =	shalt  }
tec
execute0_lowered:
.L_overlay_start_1:
0x0: {  	(tag) =	ssettag $0x1  }
0x1: {  	s0 =	rddreg [dreg:$0x0]  }
0x2: {  	s2 =	rddreg [dreg:$0x1]  }
0x3: {  	s1 =	srdreg.scid;
	s9 =	stileid.u32;
	s4 =	simm.s32 $0x0  }
0x4: {  	s12 =	simm.s32 $0x5;
	s31 =	simm.s32 $0x3;
	s16 =	simm.s32 $0x1  }
0x5: {  	s30 =	simm.s32 $0x2;
	s13 =	simm.s32 $0xEE00;
	s17 =	simm.s32 $0x8800  }
0x6: {  	s18 =	simm.s32 $0xF600;
	s28 =	simm.s32 $0xFA00;
	s19 =	simm.s32 $0x8980  }
0x7: {  	s29 =	simm.s32 $0x0;
	s1 =	sand.u32 $0x1, s1;
	s3 =	smul.u32 $0xC380, s9  }
0x8: {  	[smem:$0x7FF] =	sst s4;
	s4 =	sadd.s32 $0xC7200, s0;
	s5 =	sadd.s32 $0x1200, s0  }
0x9: {  	s6 =	sadd.s32 $0x64200, s0;
	s11 =	sadd.s32 $0xF8000, s0;
	s7 =	smul.u32 $0xC3800, s1  }
0xa: {  	_ =	strace $0x80000047;
	s8 =	ssub.s32 $0x2, s1;
	s1 =	sshll.u32 s1, $0x4  }
0xb: {  	[dreg:$0x3] =	wrdreg s11;
	s20 =	sshrl.u32 s8, $0x1;
	s1 =	sor.u32 s9, s1  }
0xc: {  	s21 =	sadd.s32 s3, s2;
	s9 =	sshll.u32 s9, $0x6;
	s10 =	smul.u32 $0x3180, s1  }
0xd: {  	s7 =	sadd.s32 s3, s7;
	s3 =	sshrl.u32 s3, $0x3;
	s1 =	smul.u32 $0x318, s1  }
0xe: {  	s7 =	sshrl.u32 s7, $0x3;
	s3 =	sadd.s32 s11, s3;
	s11 =	sor.u32 $0x1C05, s9  }
0xf: {  	s9 =	simm.s32 $0x8880;
	s0 =	sadd.s32 s7, s0;
	s7 =	ssub.s32 s8, s20  }
0x10: {  	[dreg:$0x4] =	wrdreg s3;
	s22 =	sadd.s32 s5, s10;
	s23 =	sadd.s32 s6, s10  }
0x11: {  	s24 =	sor.u32 $0x60, s10;
	s14 =	sadd.s32 $0xC, s1;
	[dreg:$0x5] =	wrdreg s11  }
0x12: {  	s15 =	sadd.s32 $0x12, s1;
	s8 =	sshrl.u32 s21, $0x3;
	[dreg:$0x6] =	wrdreg s22  }
0x13: {  	s20 =	simm.s32 $0x6900;
	s21 =	simm.s32 $0xEA00;
	[dreg:$0x7] =	wrdreg s23  }
0x14: {  	s1 =	simm.s32 $0xBA00;
	s25 =	sadd.s32 s5, s24;
	[dreg:$0xc] =	wrdreg s8  }
0x15: {  	s10 =	simm.s32 $0x4;
	s3 =	sadd.s32 s6, s24;
	[dreg:$0x8] =	wrdreg s25  }
0x16: {  	s0 =	sadd.s32 $0x110800, s0;
	s26 =	smax.u32 s7, $0x1;
	[dreg:$0x9] =	wrdreg s3  }
0x17: {  	s23 =	simm.s32 $0x80;
	s24 =	simm.s32 $0x900;
	[dreg:$0xa] =	wrdreg s0  }
0x18: {  	s7 =	simm.s32 $0xF200;
	s22 =	simm.s32 $0xFE00;
	[dreg:$0xb] =	wrdreg s26  }
0x19: {  	v0 =	vlaneseq.u32;
	s25 =	simm.s32 $0x3900;
	s0 =	simm.s32 $0x8A00;
	s26 =	simm.s32 $0x8900  }
.LBB2_1:
0x1a: {  	[dreg:$0xd] =	wrdreg s29  }
0x1b: {  	s3 =	rddreg [dreg:$0x4]  }
0x1c: {  	[spmem:s8], [sflag:s11] =	dma.local [hbm:s3], $0x1870  }
0x1d: {  	_ =	swait.ge [sflag:s12], $0x1870  }
0x1e: {  	[sflag:s12] =	ssyncset.done $0x0  }
0x1f: {  	s3 =	simm.s32 $0x0;
	s11 =	rddreg [dreg:$0x3];
	[sflag:s12] =	ssyncadd.s32 $0xFFFFE790  }
0x20: {  	[tilespmem:s20], [sflag:$0x5] =	stream.linear.gather [hbm4b:s11+s3], $0x1800, $0x38;
	[tilespmem:$0x1C580] =	vst v63  }
0x21: {  	_ =	swait.ge [sflag:s12], $0x1800  }
0x22: {  	[sflag:s12] =	ssyncset.done $0x0  }
0x23: {  	[sflag:s12] =	ssyncadd.s32 $0xFFFFE800  }
0x24: {  	[tilespmem:s21], [sflag:$0x5] =	stream.linear.gather [hbm4b:s11+s3], $0x1800, $0x38;
	[tilespmem:$0x1C580] =	vst v63  }
0x25: {  	_ =	swait.ge [sflag:s12], $0x1800  }
0x26: {  	[sflag:s12] =	ssyncset.done $0x0  }
0x27: {  	[sflag:s12] =	ssyncadd.s32 $0xFFFFE800  }
0x28: {  	[bflag:$0x0] =	sbarrier.arrive $0xFFFF  }
0x29: {  	s29 =	rddreg [dreg:$0x6]  }
0x2a: {  	[tilespmem:s3], [sflag:$0x5] =	stream.linear.gather [hbm4b:s29+s3], $0x300, $0x38;
	[tilespmem:$0x1C580] =	vst v63  }
0x2b: {  	_ =	swait.ge [sflag:s12], $0x300  }
0x2c: {  	[sflag:s12] =	ssyncset.done $0x0  }
0x2d: {  	s29 =	simm.s32 $0x300;
	s11 =	rddreg [dreg:$0x7];
	[sflag:s12] =	ssyncadd.s32 $0xFFFFFD00  }
0x2e: {  	[tilespmem:s29], [sflag:$0x5] =	stream.linear.gather [hbm4b:s11+s3], $0x300, $0x38;
	[tilespmem:$0x1C580] =	vst v63  }
0x2f: {  	_ =	swait.ge [sflag:s12], $0x300  }
0x30: {  	[sflag:s12] =	ssyncset.done $0x0  }
0x31: {  	s3 =	simm.s32 $0x0;
	[sflag:s12] =	ssyncadd.s32 $0xFFFFFD00  }
0x32: {  	v1 =	vld [tilespmem:s3+$0x0]  }
0x33: {  	s8 =	simm.s32 $0x40;
	v2 =	vld [tilespmem:s3+$0x300]  }
.LBB2_2:
0x34: {  	_ = 	snop  }
0x35: {  	p0 =	sne.s32 s8, $0xBC0  }
.Ltmp0:
0x36: {  	_ = 	snop;
	(pc) =	sbr.rel @p0 .LBB2_2-.Ltmp0, $4  }
0x37: {  	_ = 	snop  }
0x38: {  	s11 =	sshra.s32 s8, $0x2;
	vm0 =	veq.s32 v1, v2  }
0x39: {  	v1 =	vld [tilespmem:s11+$0x0];
	v3 =	vsel vm0, $0x186A0, v2  }
0x3a: {  	s8 =	sadd.s32 $0x40, s8;
	v2 =	vld [tilespmem:s11+$0x300];
	[tilespmem:s3+$0x600] =	vst v3;
	s3 =	smov.u32 s11  }
0x3b: {  	_ =	sdelay $0x3  }
0x3c: {  	vm0 =	veq.s32 v1, v2  }
0x3d: {  	v1 =	vsel vm0, $0x186A0, v2  }
0x3e: {  	[tilespmem:s3+$0x600] =	vst v1;
	s3 =	simm.s32 $0x0  }
0x3f: {  	[tilespmem:s24], [sflag:$0x1] =	stream.indirect.gather [hbm4b:s4+s23], $0x10, s3, s23, $0xb8;
	[tilespmem:$0x1C580] =	vst v63  }
0x40: {  	s8 =	simm.s32 $0x300  }
0x41: {  	[tilespmem:s25], [sflag:$0x1] =	stream.indirect.gather [hbm4b:s4+s23], $0x10, s8, s23, $0xb8;
	[tilespmem:$0x1C580] =	vst v63  }
0x42: {  	s12 =	simm.s32 $0x1100  }
0x43: {  	[tilespmem:s12], [sflag:$0x1] =	stream.indirect.gather [hbm4b:s4+s23], $0x10, s23, s23, $0xb8;
	[tilespmem:$0x1C580] =	vst v63  }
0x44: {  	s29 =	simm.s32 $0x380;
	s11 =	simm.s32 $0x4100  }
0x45: {  	[tilespmem:s11], [sflag:$0x1] =	stream.indirect.gather [hbm4b:s4+s23], $0x10, s29, s23, $0xb8;
	[tilespmem:$0x1C580] =	vst v63  }
0x46: {  	s12 =	simm.s32 $0x100;
	s29 =	simm.s32 $0x1900  }
0x47: {  	[tilespmem:s29], [sflag:$0x1] =	stream.indirect.gather [hbm4b:s4+s23], $0x10, s12, s23, $0xb8;
	[tilespmem:$0x1C580] =	vst v63  }
0x48: {  	s12 =	simm.s32 $0x400;
	s29 =	simm.s32 $0x4900  }
0x49: {  	[tilespmem:s29], [sflag:$0x1] =	stream.indirect.gather [hbm4b:s4+s23], $0x10, s12, s23, $0xb8;
	[tilespmem:$0x1C580] =	vst v63  }
0x4a: {  	s12 =	simm.s32 $0x180;
	s29 =	simm.s32 $0x2100  }
0x4b: {  	[tilespmem:s29], [sflag:$0x1] =	stream.indirect.gather [hbm4b:s4+s23], $0x10, s12, s23, $0xb8;
	[tilespmem:$0x1C580] =	vst v63  }
0x4c: {  	s12 =	simm.s32 $0x480;
	s29 =	simm.s32 $0x5100  }
0x4d: {  	[tilespmem:s29], [sflag:$0x1] =	stream.indirect.gather [hbm4b:s4+s23], $0x10, s12, s23, $0xb8;
	[tilespmem:$0x1C580] =	vst v63  }
0x4e: {  	s12 =	simm.s32 $0x200;
	s29 =	simm.s32 $0x2900  }
0x4f: {  	[tilespmem:s29], [sflag:$0x1] =	stream.indirect.gather [hbm4b:s4+s23], $0x10, s12, s23, $0xb8;
	[tilespmem:$0x1C580] =	vst v63  }
0x50: {  	s12 =	simm.s32 $0x500;
	s29 =	simm.s32 $0x5900  }
0x51: {  	[tilespmem:s29], [sflag:$0x1] =	stream.indirect.gather [hbm4b:s4+s23], $0x10, s12, s23, $0xb8;
	[tilespmem:$0x1C580] =	vst v63  }
0x52: {  	s12 =	simm.s32 $0x280;
	s29 =	simm.s32 $0x3100  }
0x53: {  	[tilespmem:s29], [sflag:$0x1] =	stream.indirect.gather [hbm4b:s4+s23], $0x10, s12, s23, $0xb8;
	[tilespmem:$0x1C580] =	vst v63  }
0x54: {  	s12 =	simm.s32 $0x580;
	s29 =	simm.s32 $0x6100  }
0x55: {  	[tilespmem:s29], [sflag:$0x1] =	stream.indirect.gather [hbm4b:s4+s23], $0x10, s12, s23, $0xb8;
	[tilespmem:$0x1C580] =	vst v63  }
0x56: {  	s12 =	rddreg [dreg:$0x8];
	s29 =	simm.s32 $0x8100  }
0x57: {  	[tilespmem:s29], [sflag:$0x3] =	stream.linear.gather [hbm4b:s12+s3], $0x300, $0x38;
	[tilespmem:$0x1C580] =	vst v63  }
0x58: {  	s12 =	rddreg [dreg:$0x9];
	s29 =	simm.s32 $0x8400  }
0x59: {  	[tilespmem:s29], [sflag:$0x3] =	stream.linear.gather [hbm4b:s12+s3], $0x300, $0x38;
	[tilespmem:$0x1C580] =	vst v63  }
.LBB2_4:
0x5a: {  	p0 =	seq.s32 s3, $0x0  }
0x5b: {  	s8 =	simm.s32 @!p0 $0x4  }
0x5c: {  	_ =	swait.ge @!p0 [sflag:s8], $0x400  }
0x5d: {  	[sflag:s8] =	ssyncset.done @!p0 $0x0  }
0x5e: {  	[sflag:s8] =	ssyncadd.s32 @!p0 $0xFFFFFC00  }
0x5f: {  	_ =	swait.ge @!p0 [sflag:s8], $0x400  }
0x60: {  	[sflag:s8] =	ssyncset.done @!p0 $0x0  }
0x61: {  	[sflag:s8] =	ssyncadd.s32 @!p0 $0xFFFFFC00  }
0x62: {  	_ =	swait.ge @!p0 [sflag:s8], $0x400  }
0x63: {  	[sflag:s8] =	ssyncset.done @!p0 $0x0  }
0x64: {  	[sflag:s8] =	ssyncadd.s32 @!p0 $0xFFFFFC00  }
0x65: {  	_ =	swait.ge @!p0 [sflag:s8], $0x400  }
0x66: {  	[sflag:s8] =	ssyncset.done @!p0 $0x0  }
0x67: {  	[sflag:s8] =	ssyncadd.s32 @!p0 $0xFFFFFC00  }
0x68: {  	_ =	swait.ge @!p0 [sflag:s8], $0x400  }
0x69: {  	[sflag:s8] =	ssyncset.done @!p0 $0x0  }
0x6a: {  	[sflag:s8] =	ssyncadd.s32 @!p0 $0xFFFFFC00  }
0x6b: {  	_ =	swait.ge @!p0 [sflag:s8], $0x400  }
0x6c: {  	[sflag:s8] =	ssyncset.done @!p0 $0x0  }
0x6d: {  	[sflag:s8] =	ssyncadd.s32 @!p0 $0xFFFFFC00  }
0x6e: {  	_ =	swait.ge [sflag:s31], $0x300  }
0x6f: {  	[sflag:s31] =	ssyncset.done $0x0  }
0x70: {  	[sflag:s31] =	ssyncadd.s32 $0xFFFFFD00  }
0x71: {  	_ =	swait.ge [sflag:s31], $0x300  }
0x72: {  	[sflag:s31] =	ssyncset.done $0x0  }
0x73: {  	s8 =	simm.s32 $0x0;
	[sflag:s31] =	ssyncadd.s32 $0xFFFFFD00  }
0x74: {  	v1 =	vld [tilespmem:s8+$0x8100]  }
0x75: {  	s29 =	simm.s32 $0x40;
	v2 =	vld [tilespmem:s8+$0x8400]  }
.LBB2_5:
0x76: {  	_ = 	snop  }
0x77: {  	p0 =	sne.s32 s29, $0xBC0  }
.Ltmp1:
0x78: {  	_ = 	snop;
	(pc) =	sbr.rel @p0 .LBB2_5-.Ltmp1, $4  }
0x79: {  	_ = 	snop  }
0x7a: {  	s11 =	sshra.s32 s29, $0x2;
	vm0 =	veq.s32 v1, v2  }
0x7b: {  	v1 =	vld [tilespmem:s11+$0x8100];
	v3 =	vsel vm0, $0x186A0, v2  }
0x7c: {  	s29 =	sadd.s32 $0x40, s29;
	v2 =	vld [tilespmem:s11+$0x8400];
	[tilespmem:s8+$0x8700] =	vst v3;
	s8 =	smov.u32 s11  }
0x7d: {  	_ =	sdelay $0x3  }
0x7e: {  	vm0 =	veq.s32 v1, v2  }
0x7f: {  	v1 =	vsel vm0, $0x186A0, v2  }
0x80: {  	s12 =	simm.s32 $0x8100;
	[tilespmem:s8+$0x8700] =	vst v1  }
0x81: {  	[tilespmem:s0], [sflag:$0x2] =	stream.indirect.gather [hbm4b:s4+s23], $0x10, s12, s23, $0xb8;
	[tilespmem:$0x1C580] =	vst v63  }
0x82: {  	s11 =	simm.s32 $0x8400  }
0x83: {  	[tilespmem:s1], [sflag:$0x2] =	stream.indirect.gather [hbm4b:s4+s23], $0x10, s11, s23, $0xb8;
	[tilespmem:$0x1C580] =	vst v63  }
0x84: {  	s12 =	simm.s32 $0x8180;
	s11 =	simm.s32 $0x9200  }
0x85: {  	[tilespmem:s11], [sflag:$0x2] =	stream.indirect.gather [hbm4b:s4+s23], $0x10, s12, s23, $0xb8;
	[tilespmem:$0x1C580] =	vst v63  }
0x86: {  	s11 =	simm.s32 $0x8480;
	s12 =	simm.s32 $0xC200  }
0x87: {  	[tilespmem:s12], [sflag:$0x2] =	stream.indirect.gather [hbm4b:s4+s23], $0x10, s11, s23, $0xb8;
	[tilespmem:$0x1C580] =	vst v63  }
0x88: {  	s11 =	simm.s32 $0x8200;
	s12 =	simm.s32 $0x9A00  }
0x89: {  	[tilespmem:s12], [sflag:$0x2] =	stream.indirect.gather [hbm4b:s4+s23], $0x10, s11, s23, $0xb8;
	[tilespmem:$0x1C580] =	vst v63  }
0x8a: {  	s11 =	simm.s32 $0x8500;
	s12 =	simm.s32 $0xCA00  }
0x8b: {  	[tilespmem:s12], [sflag:$0x2] =	stream.indirect.gather [hbm4b:s4+s23], $0x10, s11, s23, $0xb8;
	[tilespmem:$0x1C580] =	vst v63  }
0x8c: {  	s11 =	simm.s32 $0x8280;
	s12 =	simm.s32 $0xA200  }
0x8d: {  	[tilespmem:s12], [sflag:$0x2] =	stream.indirect.gather [hbm4b:s4+s23], $0x10, s11, s23, $0xb8;
	[tilespmem:$0x1C580] =	vst v63  }
0x8e: {  	s11 =	simm.s32 $0x8580;
	s12 =	simm.s32 $0xD200  }
0x8f: {  	[tilespmem:s12], [sflag:$0x2] =	stream.indirect.gather [hbm4b:s4+s23], $0x10, s11, s23, $0xb8;
	[tilespmem:$0x1C580] =	vst v63  }
0x90: {  	s11 =	simm.s32 $0x8300;
	s12 =	simm.s32 $0xAA00  }
0x91: {  	[tilespmem:s12], [sflag:$0x2] =	stream.indirect.gather [hbm4b:s4+s23], $0x10, s11, s23, $0xb8;
	[tilespmem:$0x1C580] =	vst v63  }
0x92: {  	s11 =	simm.s32 $0x8600;
	s12 =	simm.s32 $0xDA00  }
0x93: {  	[tilespmem:s12], [sflag:$0x2] =	stream.indirect.gather [hbm4b:s4+s23], $0x10, s11, s23, $0xb8;
	[tilespmem:$0x1C580] =	vst v63  }
0x94: {  	s11 =	simm.s32 $0x8380;
	s12 =	simm.s32 $0xB200  }
0x95: {  	[tilespmem:s12], [sflag:$0x2] =	stream.indirect.gather [hbm4b:s4+s23], $0x10, s11, s23, $0xb8;
	[tilespmem:$0x1C580] =	vst v63  }
0x96: {  	s11 =	simm.s32 $0x8680;
	s12 =	simm.s32 $0xE200  }
0x97: {  	[tilespmem:s12], [sflag:$0x2] =	stream.indirect.gather [hbm4b:s4+s23], $0x10, s11, s23, $0xb8;
	[tilespmem:$0x1C580] =	vst v63  }
0x98: {  	_ =	swait.ge [sflag:s16], $0x800  }
0x99: {  	[sflag:s16] =	ssyncset.done $0x0  }
0x9a: {  	[sflag:s16] =	ssyncadd.s32 $0xFFFFF800  }
0x9b: {  	_ =	swait.ge [sflag:s16], $0x800  }
0x9c: {  	[sflag:s16] =	ssyncset.done $0x0  }
0x9d: {  	[sflag:s16] =	ssyncadd.s32 $0xFFFFF800  }
0x9e: {  	_ =	swait.ge [sflag:s16], $0x800  }
0x9f: {  	[sflag:s16] =	ssyncset.done $0x0  }
0xa0: {  	[sflag:s16] =	ssyncadd.s32 $0xFFFFF800  }
0xa1: {  	_ =	swait.ge [sflag:s16], $0x800  }
0xa2: {  	[sflag:s16] =	ssyncset.done $0x0  }
0xa3: {  	[sflag:s16] =	ssyncadd.s32 $0xFFFFF800  }
0xa4: {  	_ =	swait.ge [sflag:s16], $0x800  }
0xa5: {  	[sflag:s16] =	ssyncset.done $0x0  }
0xa6: {  	[sflag:s16] =	ssyncadd.s32 $0xFFFFF800  }
0xa7: {  	_ =	swait.ge [sflag:s16], $0x800  }
0xa8: {  	[sflag:s16] =	ssyncset.done $0x0  }
0xa9: {  	[sflag:s16] =	ssyncadd.s32 $0xFFFFF800  }
0xaa: {  	_ =	swait.ge [sflag:s16], $0x800  }
0xab: {  	[sflag:s16] =	ssyncset.done $0x0  }
0xac: {  	[sflag:s16] =	ssyncadd.s32 $0xFFFFF800  }
0xad: {  	_ =	swait.ge [sflag:s16], $0x800  }
0xae: {  	[sflag:s16] =	ssyncset.done $0x0  }
0xaf: {  	[sflag:s16] =	ssyncadd.s32 $0xFFFFF800  }
0xb0: {  	_ =	swait.ge [sflag:s16], $0x800  }
0xb1: {  	[sflag:s16] =	ssyncset.done $0x0  }
0xb2: {  	[sflag:s16] =	ssyncadd.s32 $0xFFFFF800  }
0xb3: {  	_ =	swait.ge [sflag:s16], $0x800  }
0xb4: {  	[sflag:s16] =	ssyncset.done $0x0  }
0xb5: {  	p0 =	seq.s32 s3, $0x41;
	[sflag:s16] =	ssyncadd.s32 $0xFFFFF800  }
0xb6: {  	s8 =	smul.u32 @!p0 $0xC, s3;
	_ =	swait.ge [sflag:s16], $0x800  }
0xb7: {  	[sflag:s16] =	ssyncset.done $0x0  }
0xb8: {  	s29 =	simm.s32 $0x0;
	s11 =	sadd.s32 @!p0 s8, s14;
	[sflag:s16] =	ssyncadd.s32 $0xFFFFF800  }
0xb9: {  	v1 =	vor.u32 s29, v0;
	s11 =	sshll.u32 @!p0 s11, $0x4;
	_ =	swait.ge [sflag:s16], $0x800  }
0xba: {  	v2 =	vshll.u32 v1, $0x4;
	s11 =	sand.u32 @!p0 $0x1FFFFFC0, s11;
	[sflag:s16] =	ssyncset.done $0x0  }
0xbb: {  	s12 =	simm.s32 @!p0 $0x0;
	s29 =	sadd.s32 @!p0 s5, s11;
	[sflag:s16] =	ssyncadd.s32 $0xFFFFF800  }
0xbc: {  	[tilespmem:s12], [sflag:$0x3] =	stream.linear.gather @!p0 [hbm4b:s29+s12], $0x300, $0x38;
	[tilespmem:$0x1C580] =	vst v63  }
0xbd: {  	s11 =	sadd.s32 @!p0 s6, s11;
	s29 =	simm.s32 @!p0 $0x300  }
0xbe: {  	[tilespmem:s29], [sflag:$0x3] =	stream.linear.gather @!p0 [hbm4b:s11+s12], $0x300, $0x38;
	[tilespmem:$0x1C580] =	vst v63  }
0xbf: {  	v3 =	vld.idx.msk [tilespmem:v2+s25+$0x0], $0xffff  }
0xc0: {  	v5 =	vor.u32 $0x1, v2;
	v4 =	vld.idx.msk [tilespmem:v2+s24+$0x0], $0xffff;
	_ =	sdelay $0x4  }
0xc1: {  	v3 =	vsub.f32 v3, v4;
	v4 =	vld.idx.msk [tilespmem:v5+s25+$0x0], $0xffff  }
0xc2: {  	v5 =	vld.idx.msk [tilespmem:v5+s24+$0x0], $0xffff;
	_ =	sdelay $0x3  }
0xc3: {  	v6 =	vor.u32 $0x4, v2  }
0xc4: {  	v7 =	vor.u32 $0x2, v2;
	v3 =	vmul.f32 $1.442695020e+00, v3;
	v4 =	vsub.f32 v4, v5  }
0xc5: {  	v8 =	vor.u32 $0x5, v2  }
0xc6: {  	v2 =	vor.u32 $0x3, v2;
	(erf) = vpow2.f32 v3;
	v4 =	vmul.f32 $1.442695020e+00, v4;
	_ =	sdelay $0x1  }
0xc7: {  	v3 =	vld.idx.msk [tilespmem:v6+s25+$0x0], $0xffff;
	(erf) = vpow2.f32 v4  }
0xc8: {  	v5 =	vld.idx.msk [tilespmem:v7+s24+$0x0], $0xffff  }
0xc9: {  	v7 =	vld.idx.msk [tilespmem:v8+s25+$0x0], $0xffff  }
0xca: {  	v9 =	vshll.u32 v1, $0x3;
	v8 =	vld.idx.msk [tilespmem:v2+s24+$0x0], $0xffff;
	_ =	sdelay $0x1  }
0xcb: {  	s12 =	simm.s32 $0x10;
	v4 =	vor.u32 $0x1, v9  }
0xcc: {  	v1 =	vor.u32 s12, v0;
	v10 =	vadd.f32 v3, v5;
	v5 =	vor.u32 $0x2, v9  }
0xcd: {  	v6 =	vor.u32 $0x3, v9;
	v2 =	vshll.u32 v1, $0x4;
	v11 =	vpop (erf)  }
0xce: {  	s29 =	simm.s32 $0x20;
	v3 =	vor.u32 $0x1, v2;
	v7 =	vadd.f32 v7, v8;
	[tilespmem:v9+s20+$0x0] =	vst.idx.msk $0xffff, v11;
	v8 =	vmul.f32 v10, v11  }
.LBB2_7:
0xcf: {  	p1 =	sne.s32 s29, $0x2F0;
	v9 =	vpop (erf);
	s11 =	smov.u32 s29;
	s29 =	sadd.s32 $0x10, s29  }
0xd0: {  	[tilespmem:v4+s20+$0x0] =	vst.idx.msk $0xffff, v9;
	v4 =	vmul.f32 v7, v9  }
0xd1: {  	[tilespmem:v5+s20+$0x0] =	vst.idx.msk $0xffff, v8  }
0xd2: {  	[tilespmem:v6+s20+$0x0] =	vst.idx.msk $0xffff, v4  }
0xd3: {  	v4 =	vld.idx.msk [tilespmem:v2+s25+$0x0], $0xffff  }
0xd4: {  	v5 =	vld.idx.msk [tilespmem:v2+s24+$0x0], $0xffff  }
0xd5: {  	v6 =	vld.idx.msk [tilespmem:v3+s25+$0x0], $0xffff  }
0xd6: {  	v3 =	vld.idx.msk [tilespmem:v3+s24+$0x0], $0xffff;
	_ =	sdelay $0x3  }
0xd7: {  	v7 =	vor.u32 $0x4, v2;
	v4 =	vsub.f32 v4, v5  }
0xd8: {  	v5 =	vor.u32 $0x2, v2  }
0xd9: {  	v8 =	vor.u32 $0x5, v2;
	v4 =	vmul.f32 $1.442695020e+00, v4;
	v3 =	vsub.f32 v6, v3  }
0xda: {  	v2 =	vor.u32 $0x3, v2  }
0xdb: {  	v3 =	vmul.f32 $1.442695020e+00, v3;
	(erf) = vpow2.f32 v4  }
0xdc: {  	v6 =	vld.idx.msk [tilespmem:v7+s25+$0x0], $0xffff  }
0xdd: {  	v5 =	vld.idx.msk [tilespmem:v5+s24+$0x0], $0xffff;
	(erf) = vpow2.f32 v3  }
0xde: {  	v7 =	vld.idx.msk [tilespmem:v8+s25+$0x0], $0xffff  }
0xdf: {  	v8 =	vld.idx.msk [tilespmem:v2+s24+$0x0], $0xffff  }
0xe0: {  	v9 =	vshll.u32 v1, $0x3  }
.Ltmp2:
0xe1: {  	(pc) =	sbr.rel @p1 .LBB2_7-.Ltmp2, $4  }
0xe2: {  	v4 =	vor.u32 $0x1, v9  }
0xe3: {  	v1 =	vor.u32 s11, v0;
	v10 =	vadd.f32 v6, v5;
	v5 =	vor.u32 $0x2, v9  }
0xe4: {  	v2 =	vshll.u32 v1, $0x4;
	v6 =	vor.u32 $0x3, v9;
	v11 =	vpop (erf)  }
0xe5: {  	v3 =	vor.u32 $0x1, v2;
	v7 =	vadd.f32 v7, v8;
	[tilespmem:v9+s20+$0x0] =	vst.idx.msk $0xffff, v11;
	v8 =	vmul.f32 v10, v11  }
0xe6: {  	_ =	sdelay $0x2  }
0xe7: {  	v9 =	vpop (erf)  }
0xe8: {  	[tilespmem:v4+s20+$0x0] =	vst.idx.msk $0xffff, v9;
	v54 =	vmul.f32 v7, v9  }
0xe9: {  	[tilespmem:v5+s20+$0x0] =	vst.idx.msk $0xffff, v8  }
0xea: {  	[tilespmem:v6+s20+$0x0] =	vst.idx.msk $0xffff, v54  }
0xeb: {  	v4 =	vld.idx.msk [tilespmem:v2+s25+$0x0], $0xffff  }
0xec: {  	v5 =	vld.idx.msk [tilespmem:v2+s24+$0x0], $0xffff  }
0xed: {  	v6 =	vld.idx.msk [tilespmem:v3+s25+$0x0], $0xffff  }
0xee: {  	v3 =	vld.idx.msk [tilespmem:v3+s24+$0x0], $0xffff;
	_ =	sdelay $0x2  }
0xef: {  	v55 =	vor.u32 $0x4, v2  }
0xf0: {  	v56 =	vor.u32 $0x2, v2;
	v4 =	vsub.f32 v4, v5  }
0xf1: {  	v3 =	vsub.f32 v6, v3  }
0xf2: {  	v57 =	vor.u32 $0x5, v2;
	v4 =	vmul.f32 $1.442695020e+00, v4  }
0xf3: {  	v2 =	vor.u32 $0x3, v2;
	v3 =	vmul.f32 $1.442695020e+00, v3  }
0xf4: {  	v58 =	vld.idx.msk [tilespmem:v55+s25+$0x0], $0xffff;
	(erf) = vpow2.f32 v4  }
0xf5: {  	(erf) = vpow2.f32 v3;
	v3 =	vld.idx.msk [tilespmem:v56+s24+$0x0], $0xffff;
	_ =	sdelay $0x1  }
0xf6: {  	v59 =	vld.idx.msk [tilespmem:v57+s25+$0x0], $0xffff  }
0xf7: {  	v2 =	vld.idx.msk [tilespmem:v2+s24+$0x0], $0xffff  }
0xf8: {  	v1 =	vshll.u32 v1, $0x3  }
0xf9: {  	v60 =	vor.u32 $0x1, v1;
	v3 =	vadd.f32 v58, v3  }
0xfa: {  	v61 =	vor.u32 $0x2, v1  }
0xfb: {  	v62 =	vor.u32 $0x3, v1  }
0xfc: {  	v2 =	vadd.f32 v59, v2;
	v63 =	vpop (erf)  }
0xfd: {  	[tilespmem:v1+s20+$0x0] =	vst.idx.msk $0xffff, v63;
	v1 =	vmul.f32 v3, v63;
	v3 =	vpop (erf)  }
0xfe: {  	[tilespmem:v60+s20+$0x0] =	vst.idx.msk $0xffff, v3;
	v2 =	vmul.f32 v2, v3  }
0xff: {  	[tilespmem:v61+s20+$0x0] =	vst.idx.msk $0xffff, v1  }
0x100: {  	s11 =	simm.s32 $0x600;
	[tilespmem:v62+s20+$0x0] =	vst.idx.msk $0xffff, v2  }
0x101: {  	[spmem:s2] =	stream.indirect.scatter.add.f32 [tilespmem:s20], [sflag:$0x4], $0x8, s11, s23, $0xb8;
	[tilespmem:$0x1C580] =	vst v63  }
0x102: {  	s29 =	simm.s32 $0x680;
	s12 =	simm.s32 $0x6D00  }
0x103: {  	[spmem:s2] =	stream.indirect.scatter.add.f32 [tilespmem:s12], [sflag:$0x4], $0x8, s29, s23, $0xb8;
	[tilespmem:$0x1C580] =	vst v63  }
0x104: {  	s12 =	simm.s32 $0x700;
	s29 =	simm.s32 $0x7100  }
0x105: {  	[spmem:s2] =	stream.indirect.scatter.add.f32 [tilespmem:s29], [sflag:$0x4], $0x8, s12, s23, $0xb8;
	[tilespmem:$0x1C580] =	vst v63  }
0x106: {  	s12 =	simm.s32 $0x780;
	s29 =	simm.s32 $0x7500  }
0x107: {  	[spmem:s2] =	stream.indirect.scatter.add.f32 [tilespmem:s29], [sflag:$0x4], $0x8, s12, s23, $0xb8;
	[tilespmem:$0x1C580] =	vst v63  }
0x108: {  	s12 =	simm.s32 $0x800;
	s29 =	simm.s32 $0x7900  }
0x109: {  	[spmem:s2] =	stream.indirect.scatter.add.f32 [tilespmem:s29], [sflag:$0x4], $0x8, s12, s23, $0xb8;
	[tilespmem:$0x1C580] =	vst v63  }
0x10a: {  	s12 =	simm.s32 $0x880;
	s29 =	simm.s32 $0x7D00  }
0x10b: {  	[spmem:s2] =	stream.indirect.scatter.add.f32 [tilespmem:s29], [sflag:$0x4], $0x8, s12, s23, $0xb8;
	[tilespmem:$0x1C580] =	vst v63  }
0x10c: {  	_ =	swait.ge [sflag:s10], $0x400  }
0x10d: {  	[sflag:s10] =	ssyncset.done $0x0  }
0x10e: {  	[sflag:s10] =	ssyncadd.s32 $0xFFFFFC00  }
0x10f: {  	_ =	swait.ge [sflag:s10], $0x400  }
0x110: {  	[sflag:s10] =	ssyncset.done $0x0  }
0x111: {  	[sflag:s10] =	ssyncadd.s32 $0xFFFFFC00  }
0x112: {  	_ =	swait.ge [sflag:s10], $0x400  }
0x113: {  	[sflag:s10] =	ssyncset.done $0x0  }
0x114: {  	[sflag:s10] =	ssyncadd.s32 $0xFFFFFC00  }
0x115: {  	_ =	swait.ge [sflag:s10], $0x400  }
0x116: {  	[sflag:s10] =	ssyncset.done $0x0  }
0x117: {  	[sflag:s10] =	ssyncadd.s32 $0xFFFFFC00  }
0x118: {  	_ =	swait.ge [sflag:s10], $0x400  }
.Ltmp3:
0x119: {  	[sflag:s10] =	ssyncset.done $0x0;
	(pc) =	sbr.rel @p0 .LBB2_12-.Ltmp3, $4  }
0x11a: {  	[sflag:s10] =	ssyncadd.s32 $0xFFFFFC00  }
0x11b: {  	_ =	swait.ge [sflag:s10], $0x400  }
0x11c: {  	[sflag:s10] =	ssyncset.done $0x0  }
0x11d: {  	[sflag:s10] =	ssyncadd.s32 $0xFFFFFC00  }
0x11e: {  	_ =	swait.ge [sflag:s31], $0x300  }
0x11f: {  	[sflag:s31] =	ssyncset.done $0x0  }
0x120: {  	[sflag:s31] =	ssyncadd.s32 $0xFFFFFD00  }
0x121: {  	_ =	swait.ge [sflag:s31], $0x300  }
0x122: {  	[sflag:s31] =	ssyncset.done $0x0  }
0x123: {  	s29 =	simm.s32 $0x0;
	[sflag:s31] =	ssyncadd.s32 $0xFFFFFD00  }
0x124: {  	v1 =	vld [tilespmem:s29+$0x0]  }
0x125: {  	s11 =	simm.s32 $0x40;
	v2 =	vld [tilespmem:s29+$0x300]  }
.LBB2_10:
0x126: {  	_ = 	snop  }
0x127: {  	p1 =	sne.s32 s11, $0xBC0  }
.Ltmp4:
0x128: {  	_ = 	snop;
	(pc) =	sbr.rel @p1 .LBB2_10-.Ltmp4, $4  }
0x129: {  	_ = 	snop  }
0x12a: {  	s12 =	sshra.s32 s11, $0x2;
	vm0 =	veq.s32 v1, v2  }
0x12b: {  	v1 =	vld [tilespmem:s12+$0x0];
	v3 =	vsel vm0, $0x186A0, v2  }
0x12c: {  	s11 =	sadd.s32 $0x40, s11;
	v2 =	vld [tilespmem:s12+$0x300];
	[tilespmem:s29+$0x600] =	vst v3;
	s29 =	smov.u32 s12  }
0x12d: {  	_ =	sdelay $0x3  }
0x12e: {  	vm0 =	veq.s32 v1, v2  }
0x12f: {  	v1 =	vsel vm0, $0x186A0, v2  }
0x130: {  	s11 =	simm.s32 $0x0;
	[tilespmem:s29+$0x600] =	vst v1  }
0x131: {  	[tilespmem:s24], [sflag:$0x1] =	stream.indirect.gather [hbm4b:s4+s23], $0x10, s11, s23, $0xb8;
	[tilespmem:$0x1C580] =	vst v63  }
0x132: {  	s29 =	simm.s32 $0x300  }
0x133: {  	[tilespmem:s25], [sflag:$0x1] =	stream.indirect.gather [hbm4b:s4+s23], $0x10, s29, s23, $0xb8;
	[tilespmem:$0x1C580] =	vst v63  }
0x134: {  	s12 =	simm.s32 $0x1100  }
0x135: {  	[tilespmem:s12], [sflag:$0x1] =	stream.indirect.gather [hbm4b:s4+s23], $0x10, s23, s23, $0xb8;
	[tilespmem:$0x1C580] =	vst v63  }
0x136: {  	s29 =	simm.s32 $0x380;
	s12 =	simm.s32 $0x4100  }
0x137: {  	[tilespmem:s12], [sflag:$0x1] =	stream.indirect.gather [hbm4b:s4+s23], $0x10, s29, s23, $0xb8;
	[tilespmem:$0x1C580] =	vst v63  }
0x138: {  	s12 =	simm.s32 $0x100;
	s29 =	simm.s32 $0x1900  }
0x139: {  	[tilespmem:s29], [sflag:$0x1] =	stream.indirect.gather [hbm4b:s4+s23], $0x10, s12, s23, $0xb8;
	[tilespmem:$0x1C580] =	vst v63  }
0x13a: {  	s12 =	simm.s32 $0x400;
	s29 =	simm.s32 $0x4900  }
0x13b: {  	[tilespmem:s29], [sflag:$0x1] =	stream.indirect.gather [hbm4b:s4+s23], $0x10, s12, s23, $0xb8;
	[tilespmem:$0x1C580] =	vst v63  }
0x13c: {  	s12 =	simm.s32 $0x180;
	s29 =	simm.s32 $0x2100  }
0x13d: {  	[tilespmem:s29], [sflag:$0x1] =	stream.indirect.gather [hbm4b:s4+s23], $0x10, s12, s23, $0xb8;
	[tilespmem:$0x1C580] =	vst v63  }
0x13e: {  	s12 =	simm.s32 $0x480;
	s29 =	simm.s32 $0x5100  }
0x13f: {  	[tilespmem:s29], [sflag:$0x1] =	stream.indirect.gather [hbm4b:s4+s23], $0x10, s12, s23, $0xb8;
	[tilespmem:$0x1C580] =	vst v63  }
0x140: {  	s12 =	simm.s32 $0x200;
	s29 =	simm.s32 $0x2900  }
0x141: {  	[tilespmem:s29], [sflag:$0x1] =	stream.indirect.gather [hbm4b:s4+s23], $0x10, s12, s23, $0xb8;
	[tilespmem:$0x1C580] =	vst v63  }
0x142: {  	s12 =	simm.s32 $0x500;
	s29 =	simm.s32 $0x5900  }
0x143: {  	[tilespmem:s29], [sflag:$0x1] =	stream.indirect.gather [hbm4b:s4+s23], $0x10, s12, s23, $0xb8;
	[tilespmem:$0x1C580] =	vst v63  }
0x144: {  	s12 =	simm.s32 $0x280;
	s29 =	simm.s32 $0x3100  }
0x145: {  	[tilespmem:s29], [sflag:$0x1] =	stream.indirect.gather [hbm4b:s4+s23], $0x10, s12, s23, $0xb8;
	[tilespmem:$0x1C580] =	vst v63  }
0x146: {  	s12 =	simm.s32 $0x580;
	s29 =	simm.s32 $0x6100  }
0x147: {  	[tilespmem:s29], [sflag:$0x1] =	stream.indirect.gather [hbm4b:s4+s23], $0x10, s12, s23, $0xb8;
	[tilespmem:$0x1C580] =	vst v63  }
.LBB2_12:
0x148: {  	_ =	swait.ge [sflag:s30], $0x800  }
0x149: {  	[sflag:s30] =	ssyncset.done $0x0  }
0x14a: {  	[sflag:s30] =	ssyncadd.s32 $0xFFFFF800  }
0x14b: {  	_ =	swait.ge [sflag:s30], $0x800  }
0x14c: {  	[sflag:s30] =	ssyncset.done $0x0  }
0x14d: {  	[sflag:s30] =	ssyncadd.s32 $0xFFFFF800  }
0x14e: {  	_ =	swait.ge [sflag:s30], $0x800  }
0x14f: {  	[sflag:s30] =	ssyncset.done $0x0  }
0x150: {  	[sflag:s30] =	ssyncadd.s32 $0xFFFFF800  }
0x151: {  	_ =	swait.ge [sflag:s30], $0x800  }
0x152: {  	[sflag:s30] =	ssyncset.done $0x0  }
0x153: {  	[sflag:s30] =	ssyncadd.s32 $0xFFFFF800  }
0x154: {  	_ =	swait.ge [sflag:s30], $0x800  }
0x155: {  	[sflag:s30] =	ssyncset.done $0x0  }
0x156: {  	[sflag:s30] =	ssyncadd.s32 $0xFFFFF800  }
0x157: {  	_ =	swait.ge [sflag:s30], $0x800  }
0x158: {  	[sflag:s30] =	ssyncset.done $0x0  }
0x159: {  	[sflag:s30] =	ssyncadd.s32 $0xFFFFF800  }
0x15a: {  	_ =	swait.ge [sflag:s30], $0x800  }
0x15b: {  	[sflag:s30] =	ssyncset.done $0x0  }
0x15c: {  	[sflag:s30] =	ssyncadd.s32 $0xFFFFF800  }
0x15d: {  	_ =	swait.ge [sflag:s30], $0x800  }
0x15e: {  	[sflag:s30] =	ssyncset.done $0x0  }
0x15f: {  	[sflag:s30] =	ssyncadd.s32 $0xFFFFF800  }
0x160: {  	_ =	swait.ge [sflag:s30], $0x800  }
0x161: {  	[sflag:s30] =	ssyncset.done $0x0  }
0x162: {  	[sflag:s30] =	ssyncadd.s32 $0xFFFFF800  }
0x163: {  	_ =	swait.ge [sflag:s30], $0x800  }
0x164: {  	[sflag:s30] =	ssyncset.done $0x0  }
0x165: {  	[sflag:s30] =	ssyncadd.s32 $0xFFFFF800  }
0x166: {  	_ =	swait.ge [sflag:s30], $0x800  }
0x167: {  	[sflag:s30] =	ssyncset.done $0x0  }
0x168: {  	s8 =	sadd.s32 @!p0 s8, s15;
	s11 =	simm.s32 $0x0;
	[sflag:s30] =	ssyncadd.s32 $0xFFFFF800  }
0x169: {  	s8 =	sshll.u32 @!p0 s8, $0x4;
	v1 =	vor.u32 s11, v0;
	_ =	swait.ge [sflag:s30], $0x800  }
0x16a: {  	s12 =	simm.s32 @!p0 $0x0;
	s8 =	sand.u32 @!p0 $0x1FFFFFE0, s8;
	v2 =	vshll.u32 v1, $0x4;
	[sflag:s30] =	ssyncset.done $0x0  }
0x16b: {  	s29 =	simm.s32 @!p0 $0x8100;
	s11 =	sadd.s32 @!p0 s5, s8;
	[sflag:s30] =	ssyncadd.s32 $0xFFFFF800  }
0x16c: {  	[tilespmem:s29], [sflag:$0x3] =	stream.linear.gather @!p0 [hbm4b:s11+s12], $0x300, $0x38;
	[tilespmem:$0x1C580] =	vst v63  }
0x16d: {  	s8 =	sadd.s32 @!p0 s6, s8;
	s11 =	simm.s32 @!p0 $0x8400  }
0x16e: {  	[tilespmem:s11], [sflag:$0x3] =	stream.linear.gather @!p0 [hbm4b:s8+s12], $0x300, $0x38;
	[tilespmem:$0x1C580] =	vst v63  }
0x16f: {  	v3 =	vld.idx.msk [tilespmem:v2+s1+$0x0], $0xffff  }
0x170: {  	v5 =	vor.u32 $0x1, v2;
	v4 =	vld.idx.msk [tilespmem:v2+s0+$0x0], $0xffff;
	_ =	sdelay $0x4  }
0x171: {  	v3 =	vsub.f32 v3, v4;
	v4 =	vld.idx.msk [tilespmem:v5+s1+$0x0], $0xffff  }
0x172: {  	v5 =	vld.idx.msk [tilespmem:v5+s0+$0x0], $0xffff;
	_ =	sdelay $0x3  }
0x173: {  	v6 =	vor.u32 $0x4, v2  }
0x174: {  	v7 =	vor.u32 $0x2, v2;
	v3 =	vmul.f32 $1.442695020e+00, v3;
	v4 =	vsub.f32 v4, v5  }
0x175: {  	v8 =	vor.u32 $0x5, v2  }
0x176: {  	v2 =	vor.u32 $0x3, v2;
	(erf) = vpow2.f32 v3;
	v4 =	vmul.f32 $1.442695020e+00, v4;
	_ =	sdelay $0x1  }
0x177: {  	v3 =	vld.idx.msk [tilespmem:v6+s1+$0x0], $0xffff;
	(erf) = vpow2.f32 v4  }
0x178: {  	v5 =	vld.idx.msk [tilespmem:v7+s0+$0x0], $0xffff  }
0x179: {  	v7 =	vld.idx.msk [tilespmem:v8+s1+$0x0], $0xffff  }
0x17a: {  	v9 =	vshll.u32 v1, $0x3;
	v8 =	vld.idx.msk [tilespmem:v2+s0+$0x0], $0xffff;
	_ =	sdelay $0x1  }
0x17b: {  	s29 =	simm.s32 $0x10;
	v4 =	vor.u32 $0x1, v9  }
0x17c: {  	v1 =	vor.u32 s29, v0;
	v10 =	vadd.f32 v3, v5;
	v5 =	vor.u32 $0x2, v9  }
0x17d: {  	v6 =	vor.u32 $0x3, v9;
	v2 =	vshll.u32 v1, $0x4;
	v11 =	vpop (erf)  }
0x17e: {  	s8 =	simm.s32 $0x20;
	v3 =	vor.u32 $0x1, v2;
	v7 =	vadd.f32 v7, v8;
	[tilespmem:v9+s21+$0x0] =	vst.idx.msk $0xffff, v11;
	v8 =	vmul.f32 v10, v11  }
.LBB2_13:
0x17f: {  	p0 =	sne.s32 s8, $0x2F0;
	v9 =	vpop (erf);
	s11 =	smov.u32 s8;
	s8 =	sadd.s32 $0x10, s8  }
0x180: {  	[tilespmem:v4+s21+$0x0] =	vst.idx.msk $0xffff, v9;
	v4 =	vmul.f32 v7, v9  }
0x181: {  	[tilespmem:v5+s21+$0x0] =	vst.idx.msk $0xffff, v8  }
0x182: {  	[tilespmem:v6+s21+$0x0] =	vst.idx.msk $0xffff, v4  }
0x183: {  	v4 =	vld.idx.msk [tilespmem:v2+s1+$0x0], $0xffff  }
0x184: {  	v5 =	vld.idx.msk [tilespmem:v2+s0+$0x0], $0xffff  }
0x185: {  	v6 =	vld.idx.msk [tilespmem:v3+s1+$0x0], $0xffff  }
0x186: {  	v3 =	vld.idx.msk [tilespmem:v3+s0+$0x0], $0xffff;
	_ =	sdelay $0x3  }
0x187: {  	v7 =	vor.u32 $0x4, v2;
	v4 =	vsub.f32 v4, v5  }
0x188: {  	v5 =	vor.u32 $0x2, v2  }
0x189: {  	v8 =	vor.u32 $0x5, v2;
	v4 =	vmul.f32 $1.442695020e+00, v4;
	v3 =	vsub.f32 v6, v3  }
0x18a: {  	v2 =	vor.u32 $0x3, v2  }
0x18b: {  	v3 =	vmul.f32 $1.442695020e+00, v3;
	(erf) = vpow2.f32 v4  }
0x18c: {  	v6 =	vld.idx.msk [tilespmem:v7+s1+$0x0], $0xffff  }
0x18d: {  	v5 =	vld.idx.msk [tilespmem:v5+s0+$0x0], $0xffff;
	(erf) = vpow2.f32 v3  }
0x18e: {  	v7 =	vld.idx.msk [tilespmem:v8+s1+$0x0], $0xffff  }
0x18f: {  	v8 =	vld.idx.msk [tilespmem:v2+s0+$0x0], $0xffff  }
0x190: {  	v9 =	vshll.u32 v1, $0x3  }
.Ltmp5:
0x191: {  	(pc) =	sbr.rel @p0 .LBB2_13-.Ltmp5, $4  }
0x192: {  	v4 =	vor.u32 $0x1, v9  }
0x193: {  	v1 =	vor.u32 s11, v0;
	v10 =	vadd.f32 v6, v5;
	v5 =	vor.u32 $0x2, v9  }
0x194: {  	v2 =	vshll.u32 v1, $0x4;
	v6 =	vor.u32 $0x3, v9;
	v11 =	vpop (erf)  }
0x195: {  	v3 =	vor.u32 $0x1, v2;
	v7 =	vadd.f32 v7, v8;
	[tilespmem:v9+s21+$0x0] =	vst.idx.msk $0xffff, v11;
	v8 =	vmul.f32 v10, v11  }
0x196: {  	_ =	sdelay $0x2  }
0x197: {  	v9 =	vpop (erf)  }
0x198: {  	[tilespmem:v4+s21+$0x0] =	vst.idx.msk $0xffff, v9;
	v54 =	vmul.f32 v7, v9  }
0x199: {  	[tilespmem:v5+s21+$0x0] =	vst.idx.msk $0xffff, v8  }
0x19a: {  	[tilespmem:v6+s21+$0x0] =	vst.idx.msk $0xffff, v54  }
0x19b: {  	v4 =	vld.idx.msk [tilespmem:v2+s1+$0x0], $0xffff  }
0x19c: {  	v5 =	vld.idx.msk [tilespmem:v2+s0+$0x0], $0xffff  }
0x19d: {  	v6 =	vld.idx.msk [tilespmem:v3+s1+$0x0], $0xffff  }
0x19e: {  	v3 =	vld.idx.msk [tilespmem:v3+s0+$0x0], $0xffff;
	_ =	sdelay $0x2  }
0x19f: {  	v55 =	vor.u32 $0x4, v2  }
0x1a0: {  	v56 =	vor.u32 $0x2, v2;
	v4 =	vsub.f32 v4, v5  }
0x1a1: {  	v3 =	vsub.f32 v6, v3  }
0x1a2: {  	v57 =	vor.u32 $0x5, v2;
	v4 =	vmul.f32 $1.442695020e+00, v4  }
0x1a3: {  	v2 =	vor.u32 $0x3, v2;
	v3 =	vmul.f32 $1.442695020e+00, v3  }
0x1a4: {  	v58 =	vld.idx.msk [tilespmem:v55+s1+$0x0], $0xffff;
	(erf) = vpow2.f32 v4  }
0x1a5: {  	(erf) = vpow2.f32 v3;
	v3 =	vld.idx.msk [tilespmem:v56+s0+$0x0], $0xffff;
	_ =	sdelay $0x1  }
0x1a6: {  	v59 =	vld.idx.msk [tilespmem:v57+s1+$0x0], $0xffff  }
0x1a7: {  	v2 =	vld.idx.msk [tilespmem:v2+s0+$0x0], $0xffff  }
0x1a8: {  	v1 =	vshll.u32 v1, $0x3  }
0x1a9: {  	v60 =	vor.u32 $0x1, v1;
	v3 =	vadd.f32 v58, v3  }
0x1aa: {  	v61 =	vor.u32 $0x2, v1  }
0x1ab: {  	v62 =	vor.u32 $0x3, v1  }
0x1ac: {  	v2 =	vadd.f32 v59, v2;
	v63 =	vpop (erf)  }
0x1ad: {  	[tilespmem:v1+s21+$0x0] =	vst.idx.msk $0xffff, v63;
	v1 =	vmul.f32 v3, v63;
	v3 =	vpop (erf)  }
0x1ae: {  	[tilespmem:v60+s21+$0x0] =	vst.idx.msk $0xffff, v3;
	v2 =	vmul.f32 v2, v3  }
0x1af: {  	[tilespmem:v61+s21+$0x0] =	vst.idx.msk $0xffff, v1  }
0x1b0: {  	s8 =	simm.s32 $0x8700;
	[tilespmem:v62+s21+$0x0] =	vst.idx.msk $0xffff, v2  }
0x1b1: {  	[spmem:s2] =	stream.indirect.scatter.add.f32 [tilespmem:s21], [sflag:$0x4], $0x8, s8, s23, $0xb8;
	[tilespmem:$0x1C580] =	vst v63  }
0x1b2: {  	s29 =	simm.s32 $0x8780  }
0x1b3: {  	[spmem:s2] =	stream.indirect.scatter.add.f32 [tilespmem:s13], [sflag:$0x4], $0x8, s29, s23, $0xb8;
	[tilespmem:$0x1C580] =	vst v63  }
0x1b4: {  	s3 =	sadd.s32 $0x1, s3  }
0x1b5: {  	[spmem:s2] =	stream.indirect.scatter.add.f32 [tilespmem:s7], [sflag:$0x4], $0x8, s17, s23, $0xb8;
	[tilespmem:$0x1C580] =	vst v63  }
0x1b6: {  	p0 =	sne.s32 s3, $0x42  }
0x1b7: {  	[spmem:s2] =	stream.indirect.scatter.add.f32 [tilespmem:s18], [sflag:$0x4], $0x8, s9, s23, $0xb8;
	[tilespmem:$0x1C580] =	vst v63  }
.Ltmp6:
0x1b8: {  	_ = 	snop;
	(pc) =	sbr.rel @p0 .LBB2_4-.Ltmp6, $4  }
0x1b9: {  	_ = 	snop  }
0x1ba: {  	[spmem:s2] =	stream.indirect.scatter.add.f32 [tilespmem:s28], [sflag:$0x4], $0x8, s26, s23, $0xb8;
	[tilespmem:$0x1C580] =	vst v63  }
0x1bb: {  	_ = 	snop  }
0x1bc: {  	[spmem:s2] =	stream.indirect.scatter.add.f32 [tilespmem:s22], [sflag:$0x4], $0x8, s19, s23, $0xb8;
	[tilespmem:$0x1C580] =	vst v63  }
0x1bd: {  	_ =	swait.ge [sflag:s10], $0x400  }
0x1be: {  	[sflag:s10] =	ssyncset.done $0x0  }
0x1bf: {  	[sflag:s10] =	ssyncadd.s32 $0xFFFFFC00  }
0x1c0: {  	_ =	swait.ge [sflag:s10], $0x400  }
0x1c1: {  	[sflag:s10] =	ssyncset.done $0x0  }
0x1c2: {  	[sflag:s10] =	ssyncadd.s32 $0xFFFFFC00  }
0x1c3: {  	_ =	swait.ge [sflag:s10], $0x400  }
0x1c4: {  	[sflag:s10] =	ssyncset.done $0x0  }
0x1c5: {  	[sflag:s10] =	ssyncadd.s32 $0xFFFFFC00  }
0x1c6: {  	_ =	swait.ge [sflag:s10], $0x400  }
0x1c7: {  	[sflag:s10] =	ssyncset.done $0x0  }
0x1c8: {  	[sflag:s10] =	ssyncadd.s32 $0xFFFFFC00  }
0x1c9: {  	_ =	swait.ge [sflag:s10], $0x400  }
0x1ca: {  	[sflag:s10] =	ssyncset.done $0x0  }
0x1cb: {  	[sflag:s10] =	ssyncadd.s32 $0xFFFFFC00  }
0x1cc: {  	_ =	swait.ge [sflag:s10], $0x400  }
0x1cd: {  	[sflag:s10] =	ssyncset.done $0x0  }
0x1ce: {  	[sflag:s10] =	ssyncadd.s32 $0xFFFFFC00  }
0x1cf: {  	[bflag:$0x0] =	sbarrier.arrive $0xFFFF  }
0x1d0: {  	s11 =	rddreg [dreg:$0x5]  }
0x1d1: {  	s3 =	rddreg [dreg:$0xa]  }
0x1d2: {  	s12 =	simm.s32 $0x5;
	s8 =	rddreg [dreg:$0xc]  }
0x1d3: {  	[hbm:s3], [sflag:s11] =	dma.local [spmem:s8], $0x1870  }
0x1d4: {  	_ =	swait.ge [sflag:s12], $0x1870  }
0x1d5: {  	s29 =	rddreg [dreg:$0xd]  }
0x1d6: {  	s3 =	rddreg [dreg:$0xb];
	s29 =	sadd.s32 $0x1, s29  }
0x1d7: {  	p0 =	sne.s32 s29, s3  }
.Ltmp7:
0x1d8: {  	_ = 	snop;
	(pc) =	sbr.rel @p0 .LBB2_1-.Ltmp7, $3  }
0x1d9: {  	_ =	sdelay $0x1  }
0x1da: {  	[sflag:s12] =	ssyncset.done $0x0  }
0x1db: {  	[sflag:s12] =	ssyncadd.s32 $0xFFFFE790  }
0x1dc: {  	_ =	sfence.sel $0x180000  }
0x1dd: {  	[bflag:$0x0] =	sbarrier.arrive $0xFFFF  }
0x1de: {  	_ =	strace $0x90000047  }
0x1df: {  	s0 =	stileid.u32;
	[bflag:$0x2] =	sbarrier.arrive $0xFFFF  }
0x1e0: {  	p0 =	sne.s32 s0, $0x0;
	s0 =	rddreg [dreg:$0x2]  }
0x1e1: {  	s0 =	sadd.s32 @!p0 $0x100000, s0  }
0x1e2: {  	[sflag:s0] =	ssyncadd.tile.s32 @!p0 $0x1;
	_ =	shalt  }
.Lfunc_end2:
_tile_overlayer_lowered:
.L_overlay_start_2:
0x1e3: {  	(tag) =	ssettag $0x2  }
0x1e4: {  	s0 =	rddreg [dreg:$0x0];
	s2 =	stileid.u32  }
0x1e5: {  	s1 =	rddreg [dreg:$0x1];
	p0 =	sne.s32 s2, $0x0  }
0x1e6: {  	s3 =	rddreg [dreg:$0x2];
	[bflag:$0x3] =	sbarrier.arrive $0xFFFF;
	s2 =	simm.s32 @!p0 $0x1C05  }
0x1e7: {  	[timem:s3], [sflag:s2] =	dma.local @!p0 [hbm:s0], s1  }
0x1e8: {  	s0 =	simm.s32 @!p0 $0x5  }
0x1e9: {  	_ =	swait.ge @!p0 [sflag:s0], s1  }
0x1ea: {  	s1 =	ssub.s32 @!p0 $0x0, s1;
	[sflag:s0] =	ssyncset.done @!p0 $0x0  }
0x1eb: {  	[sflag:s0] =	ssyncadd.s32 @!p0 s1  }
0x1ec: {  	[bflag:$0x3] =	sbarrier.arrive $0xFFFF  }
0x1ed: {  	_ =	shalt  }

</sc_bundles>
